<compile_context>
chip_gen: v7x
topology: tpu7x:2x2x1
jax: 0.10.2.dev20260603
libtpu: 0.0.44.dev20260713+nightly
codegen_flags: <defaults>
</compile_context>

<pallas_src>
import functools

import jax
import jax.numpy as jnp
from jax import lax
from jax.experimental import pallas as pl
from jax.experimental.pallas import tpu as pltpu
from jax.experimental.pallas import tpu_sc as plsc

S_TILE = 256
N_NEU = 256
D_MODEL = 768
N_HEADS = 12
D_HEAD = 64
MAX_K = 16
NEG_BIG = float("-inf")


def _proj_kernel(x_ref, wqk_ref, wv_ref, wpos_ref, bpos_ref,
                 sqk_ref, sv_ref, pos_ref, ciq_ref, civ_ref):
    x = x_ref[...]
    dn = (((1,), (1,)), ((), ()))
    sqk_ref[...] = jax.lax.dot_general(x, wqk_ref[...], dn,
                                       preferred_element_type=jnp.float32)
    sv_ref[...] = jax.lax.dot_general(x, wv_ref[...], dn,
                                      preferred_element_type=jnp.float32)
    pos = jnp.dot(x, wpos_ref[...],
                  preferred_element_type=jnp.float32) + bpos_ref[...]
    pos_ref[...] = pos
    lane48 = jax.lax.broadcasted_iota(jnp.int32, (S_TILE, 48), 1)
    k9 = lane48 // 4
    sub = lane48 % 4
    dx = k9 // 3 - 1
    dy = k9 % 3 - 1

    def cand_idx(px, py):
        cx = jnp.clip((px * 8.0).astype(jnp.int32), 0, 7)
        cy = jnp.clip((py * 8.0).astype(jnp.int32), 0, 7)
        nx = jnp.clip(cx + dx, 0, 7)
        ny = jnp.clip(cy + dy, 0, 7)
        return (nx * 8 + ny) * 4 + sub

    ciq_ref[...] = cand_idx(pos[:, 0:1], pos[:, 1:2])
    civ_ref[...] = cand_idx(pos[:, 2:3], pos[:, 3:4])


_SC_WORKERS = 32
_TOK_PER_W = 2048 // _SC_WORKERS


def _sc_thr_body(sqk_hbm, sv_hbm, ciq_hbm, civ_hbm, thr_hbm,
                 sqk_v, sv_v, ciq_v, civ_v, thr_v):
    wid = lax.axis_index("s") * 2 + lax.axis_index("c")
    base = wid * _TOK_PER_W
    pltpu.sync_copy(sqk_hbm.at[pl.ds(base * N_NEU, _TOK_PER_W * N_NEU)], sqk_v)
    pltpu.sync_copy(sv_hbm.at[pl.ds(base * N_NEU, _TOK_PER_W * N_NEU)], sv_v)
    pltpu.sync_copy(ciq_hbm.at[pl.ds(base * 48, _TOK_PER_W * 48)], ciq_v)
    pltpu.sync_copy(civ_hbm.at[pl.ds(base * 48, _TOK_PER_W * 48)], civ_v)
    lane = jax.lax.iota(jnp.int32, 16)

    def token(t, carry):
        def thr_of(ci_ref, s_ref):
            goff = t * N_NEU
            coff = t * 48
            g0 = plsc.load_gather(s_ref, [goff + ci_ref[pl.ds(coff, 16)]])
            g1 = plsc.load_gather(s_ref, [goff + ci_ref[pl.ds(coff + 16, 16)]])
            g2 = plsc.load_gather(s_ref, [goff + ci_ref[pl.ds(coff + 32, 16)]])
            g2 = jnp.where(lane < 4, g2, float("-inf"))
            s0 = plsc.sort_key_val(g0, g0, descending=True)[0]
            s1 = plsc.sort_key_val(g1, g1, descending=True)[0]
            s2 = plsc.sort_key_val(g2, g2, descending=True)[0]
            m01 = jnp.maximum(s0, jnp.flip(s1, 0))
            t01 = plsc.sort_key_val(m01, m01, descending=True)[0]
            m012 = jnp.maximum(t01, jnp.flip(s2, 0))
            t012 = plsc.sort_key_val(m012, m012, descending=True)[0]
            return jnp.min(t012)

        tq = thr_of(ciq_v, sqk_v)
        tv = thr_of(civ_v, sv_v)
        thr_v[pl.ds(t * 16, 16)] = (jnp.where(lane == 0, tq, 0.0)
                                    + jnp.where(lane == 1, tv, 0.0))
        return carry

    lax.fori_loop(0, _TOK_PER_W, token, 0)
    pltpu.sync_copy(thr_v, thr_hbm.at[pl.ds(base * 16, _TOK_PER_W * 16)])


def _multiplicity(px, py, nx, ny):
    cx = jnp.clip((px * 8.0).astype(jnp.int32), 0, 7)
    cy = jnp.clip((py * 8.0).astype(jnp.int32), 0, 7)
    mx = jnp.zeros(nx.shape, jnp.float32)
    my = jnp.zeros(ny.shape, jnp.float32)
    for d in (-1, 0, 1):
        mx = mx + (nx == jnp.clip(cx + d, 0, 7)).astype(jnp.float32)
        my = my + (ny == jnp.clip(cy + d, 0, 7)).astype(jnp.float32)
    return mx * my


def _topk_threshold(s, w):
    n = s.shape[0]
    s_work = jnp.where(w > 0, s, NEG_BIG)
    thr = jnp.full((n, 1), NEG_BIG, jnp.float32)
    k_rem = jnp.full((n, 1), float(MAX_K), jnp.float32)
    for _ in range(MAX_K):
        done = thr > NEG_BIG
        m = jnp.max(s_work, axis=1, keepdims=True)
        eqm = s_work == m
        c = jnp.sum(jnp.where(eqm, w, 0.0), axis=1, keepdims=True)
        fin = jnp.logical_and(jnp.logical_not(done), c >= k_rem)
        cont = jnp.logical_and(jnp.logical_not(done), jnp.logical_not(fin))
        thr = jnp.where(fin, m, thr)
        k_rem = jnp.where(cont, k_rem - c, k_rem)
        s_work = jnp.where(jnp.logical_and(cont, eqm), NEG_BIG, s_work)
    return thr


def _gate_terms(s, w, thr, tau):
    cand = w > 0
    keep = jnp.logical_and(cand, s >= thr)
    raw = s - tau
    gate = jnp.where(raw > 0, raw, 1e-8 * jnp.exp(raw))
    e = jnp.exp(gate) - 1.0
    ek = jnp.where(keep, e, 0.0)
    gsum = jnp.sum(w * ek, axis=1, keepdims=True) + 1e-8
    gstr = jnp.tanh(jnp.max(ek, axis=1, keepdims=True))
    G = w * ek * (gstr / gsum)
    return G * s, G


def _pl_partial(G, px, py, aux_x, aux_y, aux_q2):
    sG = jnp.sum(G, axis=1, keepdims=True)
    sx = jnp.sum(G * aux_x, axis=1, keepdims=True)
    sy = jnp.sum(G * aux_y, axis=1, keepdims=True)
    sq = jnp.sum(G * aux_q2, axis=1, keepdims=True)
    return jnp.sum((px * px + py * py) * sG - 2.0 * (px * sx + py * sy) + sq)


def _gate_kernel(sqk_ref, sv_ref, pos_ref, thr_ref, qkn_ref, vn_ref, aux_ref,
                 q_ref, k_ref, v_ref, plp_ref):
    sqk = sqk_ref[...]
    sv = sv_ref[...]
    pos = pos_ref[...]
    lane = jax.lax.broadcasted_iota(jnp.int32, (S_TILE, N_NEU), 1)
    nx = lane // 32
    ny = (lane // 4) % 8
    qpx = pos[:, 0:1]
    qpy = pos[:, 1:2]
    vpx = pos[:, 2:3]
    vpy = pos[:, 3:4]
    w_qk = _multiplicity(qpx, qpy, nx, ny)
    w_v = _multiplicity(vpx, vpy, nx, ny)
    thr_qk = thr_ref[:, 0:1]
    thr_v = thr_ref[:, 1:2]
    U_Q, G_Q = _gate_terms(sqk, w_qk, thr_qk, pos[:, 4:5])
    U_K, _ = _gate_terms(sqk, w_qk, thr_qk, pos[:, 5:6])
    U_V, G_V = _gate_terms(sv, w_v, thr_v, pos[:, 6:7])
    dnn = (((1,), (0,)), ((), ()))
    q_ref[...] = jax.lax.dot_general(U_Q, qkn_ref[...], dnn,
                                     preferred_element_type=jnp.float32)
    k_ref[...] = jax.lax.dot_general(U_K, qkn_ref[...], dnn,
                                     preferred_element_type=jnp.float32)
    v_ref[...] = jax.lax.dot_general(U_V, vn_ref[...], dnn,
                                     preferred_element_type=jnp.float32)
    aux = aux_ref[...]
    pl_qk = _pl_partial(G_Q, qpx, qpy, aux[0:1, :], aux[1:2, :], aux[2:3, :])
    pl_v = _pl_partial(G_V, vpx, vpy, aux[3:4, :], aux[4:5, :], aux[5:6, :])
    lane1 = jax.lax.broadcasted_iota(jnp.int32, (1, 1, 128), 2)
    plp_ref[...] = (jnp.where(lane1 == 0, pl_qk, 0.0)
                    + jnp.where(lane1 == 1, pl_v, 0.0))


_HP = 2
_QT = 1024


def _flash_kernel(q_ref, k_ref, v_ref, o_ref):
    qi = pl.program_id(0)
    row = jax.lax.broadcasted_iota(jnp.int32, (_QT, _QT), 0)
    col = jax.lax.broadcasted_iota(jnp.int32, (_QT, _QT), 1)
    tri = col <= row
    neg = jnp.finfo(jnp.float32).min
    dnt = (((1,), (1,)), ((), ()))
    _flash_parts = []

    for h0 in range(0, N_HEADS, _HP):
        heads = range(h0, h0 + _HP)
        qs = [(q_ref[:, h * D_HEAD:(h + 1) * D_HEAD]
               * jnp.float32(0.125)).astype(jnp.bfloat16) for h in heads]

        def tile_update(t, carry, mask, qs=qs, heads=heads):
            out = []
            for j, h in enumerate(heads):
                lo = h * D_HEAD
                hi = lo + D_HEAD
                m, l, acc = carry[3 * j:3 * j + 3]
                kb = k_ref[pl.ds(t * _QT, _QT),
                           lo:hi].astype(jnp.bfloat16)
                vb = v_ref[pl.ds(t * _QT, _QT), lo:hi]
                sc = jax.lax.dot_general(qs[j], kb, dnt,
                                         preferred_element_type=jnp.float32)
                if mask:
                    sc = jnp.where(tri, sc, neg)
                mn = jnp.maximum(m, jnp.max(sc, axis=1, keepdims=True))
                p = jnp.exp(sc - mn)
                alpha = jnp.exp(m - mn)
                l = l * alpha + jnp.sum(p, axis=1, keepdims=True)
                acc = acc * alpha + jnp.dot(
                    p, vb, preferred_element_type=jnp.float32)
                out.extend((mn, l, acc))
            return tuple(out)

        init = []
        for _ in heads:
            init.extend((jnp.full((_QT, 1), NEG_BIG, jnp.float32),
                         jnp.zeros((_QT, 1), jnp.float32),
                         jnp.zeros((_QT, D_HEAD), jnp.float32)))
        carry = jax.lax.fori_loop(
            0, qi, lambda t, c: tile_update(t, c, False), tuple(init))
        carry = tile_update(qi, carry, True)
        for j, h in enumerate(heads):
            m, l, acc = carry[3 * j:3 * j + 3]
            _flash_parts.append(acc / l)

    for j, part in enumerate(_flash_parts):
        o_ref[:, j * D_HEAD:(j + 1) * D_HEAD] = part


def _outproj_kernel(a_ref, eo_ref, o_ref):
    o_ref[...] = jnp.dot(a_ref[...], eo_ref[...],
                         preferred_element_type=jnp.float32)


def kernel(x, qk_neurons, v_neurons, W_pos_qk, b_pos_qk, W_pos_v, b_pos_v,
           W_tau, b_tau, neuron_pos, expand_O, qk_idx, qk_valid, v_idx, v_valid):
    B, S, D = x.shape
    x2 = x.reshape(S, D)
    n_tiles = S // S_TILE

    wpos = jnp.concatenate(
        [W_pos_qk, W_pos_v, W_tau, jnp.zeros((D, 1), jnp.float32)], axis=1)
    bpos = jnp.concatenate(
        [b_pos_qk, b_pos_v, b_tau, jnp.zeros((1,), jnp.float32)]).reshape(1, 8)

    sqk, sv, pos, ciq, civ = pl.pallas_call(
        _proj_kernel,
        grid=(n_tiles,),
        in_specs=[
            pl.BlockSpec((S_TILE, D), lambda i: (i, 0)),
            pl.BlockSpec((N_NEU, D), lambda i: (0, 0)),
            pl.BlockSpec((N_NEU, D), lambda i: (0, 0)),
            pl.BlockSpec((D, 8), lambda i: (0, 0)),
            pl.BlockSpec((1, 8), lambda i: (0, 0)),
        ],
        out_specs=[
            pl.BlockSpec((S_TILE, N_NEU), lambda i: (i, 0)),
            pl.BlockSpec((S_TILE, N_NEU), lambda i: (i, 0)),
            pl.BlockSpec((S_TILE, 8), lambda i: (i, 0)),
            pl.BlockSpec((S_TILE, 48), lambda i: (i, 0)),
            pl.BlockSpec((S_TILE, 48), lambda i: (i, 0)),
        ],
        out_shape=[
            jax.ShapeDtypeStruct((S, N_NEU), jnp.float32),
            jax.ShapeDtypeStruct((S, N_NEU), jnp.float32),
            jax.ShapeDtypeStruct((S, 8), jnp.float32),
            jax.ShapeDtypeStruct((S, 48), jnp.int32),
            jax.ShapeDtypeStruct((S, 48), jnp.int32),
        ],
    )(x2, qk_neurons, v_neurons, wpos, bpos)

    sc_thr = pl.kernel(
        _sc_thr_body,
        out_type=jax.ShapeDtypeStruct((S * 16,), jnp.float32),
        mesh=plsc.VectorSubcoreMesh(core_axis_name="c", subcore_axis_name="s"),
        compiler_params=pltpu.CompilerParams(use_tc_tiling_on_sc=False,
                                             needs_layout_passes=False),
        scratch_types=[
            pltpu.VMEM((_TOK_PER_W * N_NEU,), jnp.float32),
            pltpu.VMEM((_TOK_PER_W * N_NEU,), jnp.float32),
            pltpu.VMEM((_TOK_PER_W * 48,), jnp.int32),
            pltpu.VMEM((_TOK_PER_W * 48,), jnp.int32),
            pltpu.VMEM((_TOK_PER_W * 16,), jnp.float32),
        ],
    )
    thr = sc_thr(sqk.reshape(-1), sv.reshape(-1),
                 ciq.reshape(-1), civ.reshape(-1)).reshape(S, 16)

    npos_qk = neuron_pos[:N_NEU]
    npos_v = neuron_pos[N_NEU:2 * N_NEU]
    aux = jnp.stack([
        npos_qk[:, 0], npos_qk[:, 1],
        npos_qk[:, 0] ** 2 + npos_qk[:, 1] ** 2,
        npos_v[:, 0], npos_v[:, 1],
        npos_v[:, 0] ** 2 + npos_v[:, 1] ** 2,
        jnp.zeros((N_NEU,), jnp.float32),
        jnp.zeros((N_NEU,), jnp.float32),
    ], axis=0)

    Q, K, V, plp = pl.pallas_call(
        _gate_kernel,
        grid=(n_tiles,),
        in_specs=[
            pl.BlockSpec((S_TILE, N_NEU), lambda i: (i, 0)),
            pl.BlockSpec((S_TILE, N_NEU), lambda i: (i, 0)),
            pl.BlockSpec((S_TILE, 8), lambda i: (i, 0)),
            pl.BlockSpec((S_TILE, 16), lambda i: (i, 0)),
            pl.BlockSpec((N_NEU, D), lambda i: (0, 0)),
            pl.BlockSpec((N_NEU, D), lambda i: (0, 0)),
            pl.BlockSpec((8, N_NEU), lambda i: (0, 0)),
        ],
        out_specs=[
            pl.BlockSpec((S_TILE, D), lambda i: (i, 0)),
            pl.BlockSpec((S_TILE, D), lambda i: (i, 0)),
            pl.BlockSpec((S_TILE, D), lambda i: (i, 0)),
            pl.BlockSpec((1, 1, 128), lambda i: (i, 0, 0)),
        ],
        out_shape=[
            jax.ShapeDtypeStruct((S, D), jnp.float32),
            jax.ShapeDtypeStruct((S, D), jnp.float32),
            jax.ShapeDtypeStruct((S, D), jnp.float32),
            jax.ShapeDtypeStruct((n_tiles, 1, 128), jnp.float32),
        ],
    )(sqk, sv, pos, thr, qk_neurons, v_neurons, aux)

    attn = pl.pallas_call(
        _flash_kernel,
        grid=(S // _QT,),
        in_specs=[
            pl.BlockSpec((_QT, D), lambda i: (i, 0)),
            pl.BlockSpec((S, D), lambda i: (0, 0)),
            pl.BlockSpec((S, D), lambda i: (0, 0)),
        ],
        out_specs=pl.BlockSpec((_QT, D), lambda i: (i, 0)),
        out_shape=jax.ShapeDtypeStruct((S, D), jnp.float32),
    )(Q, K, V)

    out = pl.pallas_call(
        _outproj_kernel,
        grid=(n_tiles,),
        in_specs=[
            pl.BlockSpec((S_TILE, D), lambda i: (i, 0)),
            pl.BlockSpec((D, D), lambda i: (0, 0)),
        ],
        out_specs=pl.BlockSpec((S_TILE, D), lambda i: (i, 0)),
        out_shape=jax.ShapeDtypeStruct((S, D), jnp.float32),
    )(attn, expand_O)

    denom = jnp.float32(S * 36) + 1e-8
    pl_qk = jnp.sum(plp[:, 0, 0]) / denom
    pl_v = jnp.sum(plp[:, 0, 1]) / denom
    return out.reshape(B, S, D), pl_qk + pl_v

# --- scband reference (transcript-rebuilt; emitter-appended) ---
"""Pipeline reference for scband-dawn-35356170781342 (READ-ONLY COPY).

The authoritative reference and input builder live on the scoring server;
editing this copy changes nothing except your own understanding.
"""

import jax, jax.numpy as jnp
import numpy as np

_NEIGHBOR_OFFSETS = jnp.array([[-1, -1], [-1, 0], [-1, 1], [0, -1], [0, 0], [0, 1], [1, -1], [1, 0], [1, 1]], dtype=jnp.int32)
N_CELLS_PER_SIDE = 8
N_QK = 256
N_V = 256
MAX_K_QK = 16
MAX_K_V = 16
N_HEADS = 12


def threshold_gate(scores, tau, max_k):
    raw_gate = scores - tau
    gate = jnp.where(raw_gate > 0, raw_gate, 1e-08 * jnp.exp(raw_gate))
    exp_gate = jnp.exp(gate) - 1.0
    n_cand = scores.shape[-1]
    effective_k = min(max_k, n_cand)
    topk_vals, _ = jax.lax.top_k(exp_gate, effective_k)
    threshold = topk_vals[:, :, -1:]
    exp_gate = jnp.where(exp_gate >= threshold, exp_gate, 0.0)
    gate_sum = exp_gate.sum(axis=-1, keepdims=True) + 1e-08
    gate_strength = jnp.tanh(exp_gate.max(axis=-1, keepdims=True))
    return exp_gate / gate_sum * gate_strength


def get_cell_block_indices(query_pos, cell_idx_map, cell_valid_map, pos_min, pos_range, n_cells_per_side):
    B, S, _ = query_pos.shape
    block_size = cell_idx_map.shape[1]
    normalized = (query_pos - pos_min) / pos_range
    cell_xy = jnp.clip((normalized * n_cells_per_side).astype(jnp.int32), 0, n_cells_per_side - 1)
    neighbor_xy = cell_xy[:, :, None, :] + _NEIGHBOR_OFFSETS[None, None, :, :]
    neighbor_xy = jnp.clip(neighbor_xy, 0, n_cells_per_side - 1)
    neighbor_cell = neighbor_xy[:, :, :, 0] * n_cells_per_side + neighbor_xy[:, :, :, 1]
    cand_idx = cell_idx_map[neighbor_cell]
    valid_mask = cell_valid_map[neighbor_cell]
    cand_idx = cand_idx.reshape(B, S, 9 * block_size)
    valid_mask = valid_mask.reshape(B, S, 9 * block_size)
    cand_idx = jnp.where(valid_mask, cand_idx, 0)
    return cand_idx, valid_mask


def setup_inputs(seed: int = 0):
    key = jax.random.key(seed)
    ks = jax.random.split(key, 16)
    B, S, D = 1, 2048, 768
    n_cells = N_CELLS_PER_SIDE * N_CELLS_PER_SIDE
    block_size = N_QK // n_cells

    def unit(k, shape):
        w = jax.random.normal(k, shape, jnp.float32)
        return w / (jnp.linalg.norm(w, axis=-1, keepdims=True) + 1e-08)

    x = jax.random.normal(ks[0], (B, S, D), jnp.float32)
    qk_neurons = unit(ks[1], (N_QK, D))
    v_neurons = unit(ks[2], (N_V, D))
    W_pos_qk = jax.random.normal(ks[3], (D, 2), jnp.float32) * 0.02
    b_pos_qk = jnp.zeros((2,), jnp.float32)
    W_pos_v = jax.random.normal(ks[4], (D, 2), jnp.float32) * 0.02
    b_pos_v = jnp.zeros((2,), jnp.float32)
    W_tau = jax.random.normal(ks[5], (D, 3), jnp.float32) * 0.02
    b_tau = jnp.zeros((3,), jnp.float32)
    neuron_pos = jax.random.uniform(ks[6], (N_QK + N_V, 2), jnp.float32)
    expand_O = jax.random.normal(ks[7], (D, D), jnp.float32) * 0.02
    qk_idx = jnp.arange(N_QK, dtype=jnp.int32).reshape(n_cells, block_size)
    qk_valid = jnp.ones((n_cells, block_size), dtype=bool)
    v_idx = jnp.arange(N_V, dtype=jnp.int32).reshape(n_cells, block_size)
    v_valid = jnp.ones((n_cells, block_size), dtype=bool)
    return {"x": x, "qk_neurons": qk_neurons, "v_neurons": v_neurons, "W_pos_qk": W_pos_qk, "b_pos_qk": b_pos_qk, "W_pos_v": W_pos_v, "b_pos_v": b_pos_v, "W_tau": W_tau, "b_tau": b_tau, "neuron_pos": neuron_pos, "expand_O": expand_O, "qk_idx": qk_idx, "qk_valid": qk_valid, "v_idx": v_idx, "v_valid": v_valid}


def reference(x, qk_neurons, v_neurons, W_pos_qk, b_pos_qk, W_pos_v, b_pos_v, W_tau, b_tau, neuron_pos, expand_O, qk_idx, qk_valid, v_idx, v_valid):
    B, S, D = x.shape
    qk_pos = x @ W_pos_qk + b_pos_qk
    v_pos = x @ W_pos_v + b_pos_v
    ci_qk, m_qk = get_cell_block_indices(qk_pos, qk_idx, qk_valid, 0.0, 1.0, N_CELLS_PER_SIDE)
    ci_v, m_v = get_cell_block_indices(v_pos, v_idx, v_valid, 0.0, 1.0, N_CELLS_PER_SIDE)
    ci_qk = jax.lax.stop_gradient(ci_qk)
    ci_v = jax.lax.stop_gradient(ci_v)
    cand_qk = qk_neurons[ci_qk]
    cand_v = v_neurons[ci_v]
    # dropout rates are 0.0 -> x_drop == x
    s_qk_raw = jnp.einsum('bsd,bsnd->bsn', x, cand_qk)
    s_Q = jnp.where(m_qk, s_qk_raw, -1000000000.0)
    s_K = jnp.where(m_qk, s_qk_raw, -1000000000.0)
    s_v_raw = jnp.einsum('bsd,bsnd->bsn', x, cand_v)
    s_V = jnp.where(m_v, s_v_raw, -1000000000.0)
    tau_all = x @ W_tau + b_tau
    g_Q = threshold_gate(s_Q, tau_all[:, :, 0:1], MAX_K_QK)
    g_K = threshold_gate(s_K, tau_all[:, :, 1:2], MAX_K_QK)
    g_V = threshold_gate(s_V, tau_all[:, :, 2:3], MAX_K_V)
    act_Q = jnp.einsum('bsd,bsnd->bsn', x, cand_qk)
    Q = jnp.einsum('bsn,bsnd->bsd', act_Q * g_Q * m_qk, cand_qk)
    act_K = jnp.einsum('bsd,bsnd->bsn', x, cand_qk)
    K = jnp.einsum('bsn,bsnd->bsd', act_K * g_K * m_qk, cand_qk)
    act_V = jnp.einsum('bsd,bsnd->bsn', x, cand_v)
    V = jnp.einsum('bsn,bsnd->bsd', act_V * g_V * m_v, cand_v)
    npos_qk = neuron_pos[:N_QK]
    npos_v = neuron_pos[N_QK:N_QK + N_V]
    pd_qk = jnp.sum((qk_pos[:, :, None, :] - npos_qk[ci_qk]) ** 2, axis=-1)
    pl_qk = (jax.lax.stop_gradient(g_Q) * pd_qk * m_qk).sum() / (m_qk.sum() + 1e-08)
    pd_v = jnp.sum((v_pos[:, :, None, :] - npos_v[ci_v]) ** 2, axis=-1)
    pl_v = (jax.lax.stop_gradient(g_V) * pd_v * m_v).sum() / (m_v.sum() + 1e-08)
    d_head = D // N_HEADS
    Qh = Q.reshape(B, S, N_HEADS, d_head).transpose(0, 2, 1, 3)
    Kh = K.reshape(B, S, N_HEADS, d_head).transpose(0, 2, 1, 3)
    Vh = V.reshape(B, S, N_HEADS, d_head).transpose(0, 2, 1, 3)
    scale = jnp.sqrt(jnp.float32(d_head))
    attn_scores = jnp.einsum('bhsd,bhtd->bhst', Qh, Kh) / scale
    causal = jnp.tril(jnp.ones((S, S), dtype=jnp.bool_))
    attn_scores = jnp.where(causal, attn_scores, jnp.finfo(attn_scores.dtype).min)
    attn_w = jax.nn.softmax(attn_scores, axis=-1)
    out = jnp.einsum('bhst,bhtd->bhsd', attn_w, Vh)
    out = out.transpose(0, 2, 1, 3).reshape(B, S, D)
    out = out @ expand_O
    return out, pl_qk + pl_v

if __name__ == "__main__":
    import jax
    _d = setup_inputs()
    print(jax.jit(kernel)(*tuple(_d.values())))

</pallas_src>

<mosaic_0001>
#map = affine_map<(d0, d1) -> (0)>
module attributes {stable_mosaic.version = 14 : i64} {
  func.func @_sc_thr_body(%arg0: i32, %arg1: i32, %arg2: memref<524288xf32, #tpu.memory_space<hbm>>, %arg3: memref<524288xf32, #tpu.memory_space<hbm>>, %arg4: memref<98304xi32, #tpu.memory_space<hbm>>, %arg5: memref<98304xi32, #tpu.memory_space<hbm>>, %arg6: memref<32768xf32, #tpu.memory_space<hbm>>, %arg7: memref<16384xf32, #tpu.memory_space<vmem>>, %arg8: memref<16384xf32, #tpu.memory_space<vmem>>, %arg9: memref<3072xi32, #tpu.memory_space<vmem>>, %arg10: memref<3072xi32, #tpu.memory_space<vmem>>, %arg11: memref<1024xf32, #tpu.memory_space<vmem>>) attributes {dimension_semantics = [#tpu.dimension_semantics<core_parallel>, #tpu.dimension_semantics<subcore_parallel>], iteration_bounds = array<i64: 2, 16>, scalar_prefetch = 0 : i64, scratch_operands = 5 : i64, tpu.core_type = #tpu.core_type<sc_vector_subcore>, window_params = [{transform_indices = #map}, {transform_indices = #map}, {transform_indices = #map}, {transform_indices = #map}, {transform_indices = #map}]} {
    %mul3A = arith.constant 2 : i32
    %mul3A_0 = arith.muli %arg1, %mul3A : i32
    %add3A = arith.addi %mul3A_0, %arg0 : i32
    %mul3A_1 = arith.constant 64 : i32
    %mul3A_2 = arith.muli %add3A, %mul3A_1 : i32
    %mul3A_3 = arith.constant 256 : i32
    %mul3A_4 = arith.muli %mul3A_2, %mul3A_3 : i32
    "tpu.region"() ({
      %run_scoped3A = tpu.sem_alloc : memref<!tpu.dma_semaphore, #tpu.memory_space<semaphore_mem>>
      %dma_start3A = tpu.memref_slice %arg2[%mul3A_4] : memref<524288xf32, #tpu.memory_space<hbm>> -> memref<16384xf32, #tpu.memory_space<hbm>>
      %dma_start3A_18 = tpu.memref_slice %arg2[%mul3A_4] : memref<524288xf32, #tpu.memory_space<hbm>> -> memref<16384xf32, #tpu.memory_space<hbm>>
      tpu.enqueue_dma source(%dma_start3A_18 : memref<16384xf32, #tpu.memory_space<hbm>>) target(%arg7 : memref<16384xf32, #tpu.memory_space<vmem>>) target_semaphore(%run_scoped3A : memref<!tpu.dma_semaphore, #tpu.memory_space<semaphore_mem>>)
      %dma_wait3A = tpu.memref_slice %arg2[%mul3A_4] : memref<524288xf32, #tpu.memory_space<hbm>> -> memref<16384xf32, #tpu.memory_space<hbm>>
      %dma_wait3A_19 = tpu.memref_slice %arg2[%mul3A_4] : memref<524288xf32, #tpu.memory_space<hbm>> -> memref<16384xf32, #tpu.memory_space<hbm>>
      tpu.wait_dma2 semaphore(%run_scoped3A : memref<!tpu.dma_semaphore, #tpu.memory_space<semaphore_mem>>) src(%dma_wait3A_19 : memref<16384xf32, #tpu.memory_space<hbm>>) dst(%arg7 : memref<16384xf32, #tpu.memory_space<vmem>>)
      tpu.yield
    }) : () -> ()
    %mul3A_5 = arith.constant 256 : i32
    %mul3A_6 = arith.muli %mul3A_2, %mul3A_5 : i32
    "tpu.region"() ({
      %run_scoped3A = tpu.sem_alloc : memref<!tpu.dma_semaphore, #tpu.memory_space<semaphore_mem>>
      %dma_start3A = tpu.memref_slice %arg3[%mul3A_6] : memref<524288xf32, #tpu.memory_space<hbm>> -> memref<16384xf32, #tpu.memory_space<hbm>>
      %dma_start3A_18 = tpu.memref_slice %arg3[%mul3A_6] : memref<524288xf32, #tpu.memory_space<hbm>> -> memref<16384xf32, #tpu.memory_space<hbm>>
      tpu.enqueue_dma source(%dma_start3A_18 : memref<16384xf32, #tpu.memory_space<hbm>>) target(%arg8 : memref<16384xf32, #tpu.memory_space<vmem>>) target_semaphore(%run_scoped3A : memref<!tpu.dma_semaphore, #tpu.memory_space<semaphore_mem>>)
      %dma_wait3A = tpu.memref_slice %arg3[%mul3A_6] : memref<524288xf32, #tpu.memory_space<hbm>> -> memref<16384xf32, #tpu.memory_space<hbm>>
      %dma_wait3A_19 = tpu.memref_slice %arg3[%mul3A_6] : memref<524288xf32, #tpu.memory_space<hbm>> -> memref<16384xf32, #tpu.memory_space<hbm>>
      tpu.wait_dma2 semaphore(%run_scoped3A : memref<!tpu.dma_semaphore, #tpu.memory_space<semaphore_mem>>) src(%dma_wait3A_19 : memref<16384xf32, #tpu.memory_space<hbm>>) dst(%arg8 : memref<16384xf32, #tpu.memory_space<vmem>>)
      tpu.yield
    }) : () -> ()
    %mul3A_7 = arith.constant 48 : i32
    %mul3A_8 = arith.muli %mul3A_2, %mul3A_7 : i32
    "tpu.region"() ({
      %run_scoped3A = tpu.sem_alloc : memref<!tpu.dma_semaphore, #tpu.memory_space<semaphore_mem>>
      %dma_start3A = tpu.memref_slice %arg4[%mul3A_8] : memref<98304xi32, #tpu.memory_space<hbm>> -> memref<3072xi32, #tpu.memory_space<hbm>>
      %dma_start3A_18 = tpu.memref_slice %arg4[%mul3A_8] : memref<98304xi32, #tpu.memory_space<hbm>> -> memref<3072xi32, #tpu.memory_space<hbm>>
      tpu.enqueue_dma source(%dma_start3A_18 : memref<3072xi32, #tpu.memory_space<hbm>>) target(%arg9 : memref<3072xi32, #tpu.memory_space<vmem>>) target_semaphore(%run_scoped3A : memref<!tpu.dma_semaphore, #tpu.memory_space<semaphore_mem>>)
      %dma_wait3A = tpu.memref_slice %arg4[%mul3A_8] : memref<98304xi32, #tpu.memory_space<hbm>> -> memref<3072xi32, #tpu.memory_space<hbm>>
      %dma_wait3A_19 = tpu.memref_slice %arg4[%mul3A_8] : memref<98304xi32, #tpu.memory_space<hbm>> -> memref<3072xi32, #tpu.memory_space<hbm>>
      tpu.wait_dma2 semaphore(%run_scoped3A : memref<!tpu.dma_semaphore, #tpu.memory_space<semaphore_mem>>) src(%dma_wait3A_19 : memref<3072xi32, #tpu.memory_space<hbm>>) dst(%arg9 : memref<3072xi32, #tpu.memory_space<vmem>>)
      tpu.yield
    }) : () -> ()
    %mul3A_9 = arith.constant 48 : i32
    %mul3A_10 = arith.muli %mul3A_2, %mul3A_9 : i32
    "tpu.region"() ({
      %run_scoped3A = tpu.sem_alloc : memref<!tpu.dma_semaphore, #tpu.memory_space<semaphore_mem>>
      %dma_start3A = tpu.memref_slice %arg5[%mul3A_10] : memref<98304xi32, #tpu.memory_space<hbm>> -> memref<3072xi32, #tpu.memory_space<hbm>>
      %dma_start3A_18 = tpu.memref_slice %arg5[%mul3A_10] : memref<98304xi32, #tpu.memory_space<hbm>> -> memref<3072xi32, #tpu.memory_space<hbm>>
      tpu.enqueue_dma source(%dma_start3A_18 : memref<3072xi32, #tpu.memory_space<hbm>>) target(%arg10 : memref<3072xi32, #tpu.memory_space<vmem>>) target_semaphore(%run_scoped3A : memref<!tpu.dma_semaphore, #tpu.memory_space<semaphore_mem>>)
      %dma_wait3A = tpu.memref_slice %arg5[%mul3A_10] : memref<98304xi32, #tpu.memory_space<hbm>> -> memref<3072xi32, #tpu.memory_space<hbm>>
      %dma_wait3A_19 = tpu.memref_slice %arg5[%mul3A_10] : memref<98304xi32, #tpu.memory_space<hbm>> -> memref<3072xi32, #tpu.memory_space<hbm>>
      tpu.wait_dma2 semaphore(%run_scoped3A : memref<!tpu.dma_semaphore, #tpu.memory_space<semaphore_mem>>) src(%dma_wait3A_19 : memref<3072xi32, #tpu.memory_space<hbm>>) dst(%arg10 : memref<3072xi32, #tpu.memory_space<vmem>>)
      tpu.yield
    }) : () -> ()
    %iota3A = tpu.iota {dimensions = array<i32: 0>} : vector<16xi32>
    %scan3A = arith.constant 0 : i32
    %scan3A_11 = arith.constant 0 : i32
    %scan3A_12 = arith.constant 64 : i32
    %scan3A_13 = arith.addi %scan3A_11, %scan3A_12 : i32
    %scan3A_14 = arith.constant 1 : i32
    scf.for %scan3A_18 = %scan3A_11 to %scan3A_13 step %scan3A_14  : i32 {
      %mul3A_19 = arith.constant 256 : i32
      %mul3A_20 = arith.muli %scan3A_18, %mul3A_19 : i32
      %mul3A_21 = arith.constant 48 : i32
      %mul3A_22 = arith.muli %scan3A_18, %mul3A_21 : i32
      %get3A = arith.index_cast %mul3A_22 : i32 to index
      %get3A_23 = tpu.vector_load %arg9[%get3A] {strides = array<i32>} : memref<3072xi32, #tpu.memory_space<vmem>>, vector<16xi32>,
      %add3A_24 = vector.broadcast %mul3A_20 : i32 to vector<16xi32>
      %add3A_25 = arith.addi %add3A_24, %get3A_23 : vector<16xi32>
      %gather3A = tpu.vector_load_idx %arg7[%add3A_25] : memref<16384xf32, #tpu.memory_space<vmem>>[vector<16xi32>], vector<16xf32>,
      %add3A_26 = arith.constant 16 : i32
      %add3A_27 = arith.addi %mul3A_22, %add3A_26 : i32
      %get3A_28 = arith.index_cast %add3A_27 : i32 to index
      %get3A_29 = tpu.vector_load %arg9[%get3A_28] {strides = array<i32>} : memref<3072xi32, #tpu.memory_space<vmem>>, vector<16xi32>,
      %add3A_30 = vector.broadcast %mul3A_20 : i32 to vector<16xi32>
      %add3A_31 = arith.addi %add3A_30, %get3A_29 : vector<16xi32>
      %gather3A_32 = tpu.vector_load_idx %arg7[%add3A_31] : memref<16384xf32, #tpu.memory_space<vmem>>[vector<16xi32>], vector<16xf32>,
      %add3A_33 = arith.constant 32 : i32
      %add3A_34 = arith.addi %mul3A_22, %add3A_33 : i32
      %get3A_35 = arith.index_cast %add3A_34 : i32 to index
      %get3A_36 = tpu.vector_load %arg9[%get3A_35] {strides = array<i32>} : memref<3072xi32, #tpu.memory_space<vmem>>, vector<16xi32>,
      %add3A_37 = vector.broadcast %mul3A_20 : i32 to vector<16xi32>
      %add3A_38 = arith.addi %add3A_37, %get3A_36 : vector<16xi32>
      %gather3A_39 = tpu.vector_load_idx %arg7[%add3A_38] : memref<16384xf32, #tpu.memory_space<vmem>>[vector<16xi32>], vector<16xf32>,
      %lt3A = arith.constant 4 : i32
      %lt3A_40 = vector.broadcast %lt3A : i32 to vector<16xi32>
      %lt3A_41 = arith.cmpi slt, %iota3A, %lt3A_40 : vector<16xi32>
      %jit3A = arith.constant 0xFF800000 : f32
      %broadcast_in_dim3A = vector.broadcast %jit3A : f32 to vector<16xf32>
      %select_n3A = arith.select %lt3A_41, %gather3A_39, %broadcast_in_dim3A : vector<16xi1>, vector<16xf32>
      %masked_sort3A = arith.constant dense<true> : vector<16xi1>
      %masked_sort3A_42, %masked_sort3A_43, %masked_sort3A_44 = tpu.sort %gather3A, %gather3A masked %masked_sort3A {descending = true} : (vector<16xf32>, vector<16xf32>, vector<16xi1>) -> (vector<16xi1>, vector<16xf32>, vector<16xf32>)
      %masked_sort3A_45 = arith.constant dense<true> : vector<16xi1>
      %masked_sort3A_46, %masked_sort3A_47, %masked_sort3A_48 = tpu.sort %gather3A_32, %gather3A_32 masked %masked_sort3A_45 {descending = true} : (vector<16xf32>, vector<16xf32>, vector<16xi1>) -> (vector<16xi1>, vector<16xf32>, vector<16xf32>)
      %masked_sort3A_49 = arith.constant dense<true> : vector<16xi1>
      %masked_sort3A_50, %masked_sort3A_51, %masked_sort3A_52 = tpu.sort %select_n3A, %select_n3A masked %masked_sort3A_49 {descending = true} : (vector<16xf32>, vector<16xf32>, vector<16xi1>) -> (vector<16xi1>, vector<16xf32>, vector<16xf32>)
      %rev3A = arith.constant 15 : i32
      %rev3A_53 = vector.broadcast %rev3A : i32 to vector<16xi32>
      %rev3A_54 = tpu.iota {dimensions = array<i32: 0>} : vector<16xi32>
      %rev3A_55 = arith.subi %rev3A_53, %rev3A_54 : vector<16xi32>
      %rev3A_56 = tpu.dynamic_gather %masked_sort3A_47[%rev3A_55] in [0] : vector<16xf32>, vector<16xi32> -> vector<16xf32>
      %max3A = arith.maximumf %masked_sort3A_43, %rev3A_56 : vector<16xf32>
      %masked_sort3A_57 = arith.constant dense<true> : vector<16xi1>
      %masked_sort3A_58, %masked_sort3A_59, %masked_sort3A_60 = tpu.sort %max3A, %max3A masked %masked_sort3A_57 {descending = true} : (vector<16xf32>, vector<16xf32>, vector<16xi1>) -> (vector<16xi1>, vector<16xf32>, vector<16xf32>)
      %rev3A_61 = arith.constant 15 : i32
      %rev3A_62 = vector.broadcast %rev3A_61 : i32 to vector<16xi32>
      %rev3A_63 = tpu.iota {dimensions = array<i32: 0>} : vector<16xi32>
      %rev3A_64 = arith.subi %rev3A_62, %rev3A_63 : vector<16xi32>
      %rev3A_65 = tpu.dynamic_gather %masked_sort3A_51[%rev3A_64] in [0] : vector<16xf32>, vector<16xi32> -> vector<16xf32>
      %max3A_66 = arith.maximumf %masked_sort3A_59, %rev3A_65 : vector<16xf32>
      %masked_sort3A_67 = arith.constant dense<true> : vector<16xi1>
      %masked_sort3A_68, %masked_sort3A_69, %masked_sort3A_70 = tpu.sort %max3A_66, %max3A_66 masked %masked_sort3A_67 {descending = true} : (vector<16xf32>, vector<16xf32>, vector<16xi1>) -> (vector<16xi1>, vector<16xf32>, vector<16xf32>)
      %reduce_min3A = arith.constant true
      %reduce_min3A_71 = vector.broadcast %reduce_min3A : i1 to vector<16xi1>
      %reduce_min3A_72 = tpu.scan <min>, %masked_sort3A_69 masked %reduce_min3A_71 : vector<16xf32>, vector<16xi1> -> vector<16xf32>
      %reduce_min3A_73 = vector.extract %reduce_min3A_72[15] : f32 from vector<16xf32>
      %mul3A_74 = arith.constant 256 : i32
      %mul3A_75 = arith.muli %scan3A_18, %mul3A_74 : i32
      %mul3A_76 = arith.constant 48 : i32
      %mul3A_77 = arith.muli %scan3A_18, %mul3A_76 : i32
      %get3A_78 = arith.index_cast %mul3A_77 : i32 to index
      %get3A_79 = tpu.vector_load %arg10[%get3A_78] {strides = array<i32>} : memref<3072xi32, #tpu.memory_space<vmem>>, vector<16xi32>,
      %add3A_80 = vector.broadcast %mul3A_75 : i32 to vector<16xi32>
      %add3A_81 = arith.addi %add3A_80, %get3A_79 : vector<16xi32>
      %gather3A_82 = tpu.vector_load_idx %arg8[%add3A_81] : memref<16384xf32, #tpu.memory_space<vmem>>[vector<16xi32>], vector<16xf32>,
      %add3A_83 = arith.constant 16 : i32
      %add3A_84 = arith.addi %mul3A_77, %add3A_83 : i32
      %get3A_85 = arith.index_cast %add3A_84 : i32 to index
      %get3A_86 = tpu.vector_load %arg10[%get3A_85] {strides = array<i32>} : memref<3072xi32, #tpu.memory_space<vmem>>, vector<16xi32>,
      %add3A_87 = vector.broadcast %mul3A_75 : i32 to vector<16xi32>
      %add3A_88 = arith.addi %add3A_87, %get3A_86 : vector<16xi32>
      %gather3A_89 = tpu.vector_load_idx %arg8[%add3A_88] : memref<16384xf32, #tpu.memory_space<vmem>>[vector<16xi32>], vector<16xf32>,
      %add3A_90 = arith.constant 32 : i32
      %add3A_91 = arith.addi %mul3A_77, %add3A_90 : i32
      %get3A_92 = arith.index_cast %add3A_91 : i32 to index
      %get3A_93 = tpu.vector_load %arg10[%get3A_92] {strides = array<i32>} : memref<3072xi32, #tpu.memory_space<vmem>>, vector<16xi32>,
      %add3A_94 = vector.broadcast %mul3A_75 : i32 to vector<16xi32>
      %add3A_95 = arith.addi %add3A_94, %get3A_93 : vector<16xi32>
      %gather3A_96 = tpu.vector_load_idx %arg8[%add3A_95] : memref<16384xf32, #tpu.memory_space<vmem>>[vector<16xi32>], vector<16xf32>,
      %lt3A_97 = arith.constant 4 : i32
      %lt3A_98 = vector.broadcast %lt3A_97 : i32 to vector<16xi32>
      %lt3A_99 = arith.cmpi slt, %iota3A, %lt3A_98 : vector<16xi32>
      %jit3A_100 = arith.constant 0xFF800000 : f32
      %broadcast_in_dim3A_101 = vector.broadcast %jit3A_100 : f32 to vector<16xf32>
      %select_n3A_102 = arith.select %lt3A_99, %gather3A_96, %broadcast_in_dim3A_101 : vector<16xi1>, vector<16xf32>
      %masked_sort3A_103 = arith.constant dense<true> : vector<16xi1>
      %masked_sort3A_104, %masked_sort3A_105, %masked_sort3A_106 = tpu.sort %gather3A_82, %gather3A_82 masked %masked_sort3A_103 {descending = true} : (vector<16xf32>, vector<16xf32>, vector<16xi1>) -> (vector<16xi1>, vector<16xf32>, vector<16xf32>)
      %masked_sort3A_107 = arith.constant dense<true> : vector<16xi1>
      %masked_sort3A_108, %masked_sort3A_109, %masked_sort3A_110 = tpu.sort %gather3A_89, %gather3A_89 masked %masked_sort3A_107 {descending = true} : (vector<16xf32>, vector<16xf32>, vector<16xi1>) -> (vector<16xi1>, vector<16xf32>, vector<16xf32>)
      %masked_sort3A_111 = arith.constant dense<true> : vector<16xi1>
      %masked_sort3A_112, %masked_sort3A_113, %masked_sort3A_114 = tpu.sort %select_n3A_102, %select_n3A_102 masked %masked_sort3A_111 {descending = true} : (vector<16xf32>, vector<16xf32>, vector<16xi1>) -> (vector<16xi1>, vector<16xf32>, vector<16xf32>)
      %rev3A_115 = arith.constant 15 : i32
      %rev3A_116 = vector.broadcast %rev3A_115 : i32 to vector<16xi32>
      %rev3A_117 = tpu.iota {dimensions = array<i32: 0>} : vector<16xi32>
      %rev3A_118 = arith.subi %rev3A_116, %rev3A_117 : vector<16xi32>
      %rev3A_119 = tpu.dynamic_gather %masked_sort3A_109[%rev3A_118] in [0] : vector<16xf32>, vector<16xi32> -> vector<16xf32>
      %max3A_120 = arith.maximumf %masked_sort3A_105, %rev3A_119 : vector<16xf32>
      %masked_sort3A_121 = arith.constant dense<true> : vector<16xi1>
      %masked_sort3A_122, %masked_sort3A_123, %masked_sort3A_124 = tpu.sort %max3A_120, %max3A_120 masked %masked_sort3A_121 {descending = true} : (vector<16xf32>, vector<16xf32>, vector<16xi1>) -> (vector<16xi1>, vector<16xf32>, vector<16xf32>)
      %rev3A_125 = arith.constant 15 : i32
      %rev3A_126 = vector.broadcast %rev3A_125 : i32 to vector<16xi32>
      %rev3A_127 = tpu.iota {dimensions = array<i32: 0>} : vector<16xi32>
      %rev3A_128 = arith.subi %rev3A_126, %rev3A_127 : vector<16xi32>
      %rev3A_129 = tpu.dynamic_gather %masked_sort3A_113[%rev3A_128] in [0] : vector<16xf32>, vector<16xi32> -> vector<16xf32>
      %max3A_130 = arith.maximumf %masked_sort3A_123, %rev3A_129 : vector<16xf32>
      %masked_sort3A_131 = arith.constant dense<true> : vector<16xi1>
      %masked_sort3A_132, %masked_sort3A_133, %masked_sort3A_134 = tpu.sort %max3A_130, %max3A_130 masked %masked_sort3A_131 {descending = true} : (vector<16xf32>, vector<16xf32>, vector<16xi1>) -> (vector<16xi1>, vector<16xf32>, vector<16xf32>)
      %reduce_min3A_135 = arith.constant true
      %reduce_min3A_136 = vector.broadcast %reduce_min3A_135 : i1 to vector<16xi1>
      %reduce_min3A_137 = tpu.scan <min>, %masked_sort3A_133 masked %reduce_min3A_136 : vector<16xf32>, vector<16xi1> -> vector<16xf32>
      %reduce_min3A_138 = vector.extract %reduce_min3A_137[15] : f32 from vector<16xf32>
      %eq3A = arith.constant 0 : i32
      %eq3A_139 = vector.broadcast %eq3A : i32 to vector<16xi32>
      %eq3A_140 = arith.cmpi eq, %iota3A, %eq3A_139 : vector<16xi32>
      %jit3A_141 = arith.constant 0.000000e+00 : f32
      %broadcast_in_dim3A_142 = vector.broadcast %reduce_min3A_73 : f32 to vector<16xf32>
      %broadcast_in_dim3A_143 = vector.broadcast %jit3A_141 : f32 to vector<16xf32>
      %select_n3A_144 = arith.select %eq3A_140, %broadcast_in_dim3A_142, %broadcast_in_dim3A_143 : vector<16xi1>, vector<16xf32>
      %eq3A_145 = arith.constant 1 : i32
      %eq3A_146 = vector.broadcast %eq3A_145 : i32 to vector<16xi32>
      %eq3A_147 = arith.cmpi eq, %iota3A, %eq3A_146 : vector<16xi32>
      %jit3A_148 = arith.constant 0.000000e+00 : f32
      %broadcast_in_dim3A_149 = vector.broadcast %reduce_min3A_138 : f32 to vector<16xf32>
      %broadcast_in_dim3A_150 = vector.broadcast %jit3A_148 : f32 to vector<16xf32>
      %select_n3A_151 = arith.select %eq3A_147, %broadcast_in_dim3A_149, %broadcast_in_dim3A_150 : vector<16xi1>, vector<16xf32>
      %add3A_152 = arith.addf %select_n3A_144, %select_n3A_151 : vector<16xf32>
      %mul3A_153 = arith.constant 16 : i32
      %mul3A_154 = arith.muli %scan3A_18, %mul3A_153 : i32
      %swap3A = arith.index_cast %mul3A_154 : i32 to index
      %swap3A_155 = tpu.vector_load %arg11[%swap3A] {strides = array<i32>} : memref<1024xf32, #tpu.memory_space<vmem>>, vector<16xf32>,
      tpu.vector_store %arg11[%swap3A], %add3A_152 {strides = array<i32>} : memref<1024xf32, #tpu.memory_space<vmem>>, vector<16xf32>,
    }
    %scan3A_15 = arith.constant 64 : i32
    %mul3A_16 = arith.constant 16 : i32
    %mul3A_17 = arith.muli %mul3A_2, %mul3A_16 : i32
    "tpu.region"() ({
      %run_scoped3A = tpu.sem_alloc : memref<!tpu.dma_semaphore, #tpu.memory_space<semaphore_mem>>
      %dma_start3A = tpu.memref_slice %arg6[%mul3A_17] : memref<32768xf32, #tpu.memory_space<hbm>> -> memref<1024xf32, #tpu.memory_space<hbm>>
      %dma_start3A_18 = tpu.memref_slice %arg6[%mul3A_17] : memref<32768xf32, #tpu.memory_space<hbm>> -> memref<1024xf32, #tpu.memory_space<hbm>>
      tpu.enqueue_dma source(%arg11 : memref<1024xf32, #tpu.memory_space<vmem>>) target(%dma_start3A_18 : memref<1024xf32, #tpu.memory_space<hbm>>) target_semaphore(%run_scoped3A : memref<!tpu.dma_semaphore, #tpu.memory_space<semaphore_mem>>)
      %dma_wait3A = tpu.memref_slice %arg6[%mul3A_17] : memref<32768xf32, #tpu.memory_space<hbm>> -> memref<1024xf32, #tpu.memory_space<hbm>>
      %dma_wait3A_19 = tpu.memref_slice %arg6[%mul3A_17] : memref<32768xf32, #tpu.memory_space<hbm>> -> memref<1024xf32, #tpu.memory_space<hbm>>
      tpu.wait_dma2 semaphore(%run_scoped3A : memref<!tpu.dma_semaphore, #tpu.memory_space<semaphore_mem>>) src(%arg11 : memref<1024xf32, #tpu.memory_space<vmem>>) dst(%dma_wait3A_19 : memref<1024xf32, #tpu.memory_space<hbm>>)
      tpu.yield
    }) : () -> ()
    return
  }
}

module attributes {stable_mosaic.version = 14 : i64} {
  func.func @_proj_kernel(%arg0: i32, %arg1: memref<256x768xf32, #tpu.memory_space<vmem>>, %arg2: memref<256x768xf32, #tpu.memory_space<vmem>>, %arg3: memref<256x768xf32, #tpu.memory_space<vmem>>, %arg4: memref<768x8xf32, #tpu.memory_space<vmem>>, %arg5: memref<1x8xf32, #tpu.memory_space<vmem>>, %arg6: memref<256x256xf32, #tpu.memory_space<vmem>>, %arg7: memref<256x256xf32, #tpu.memory_space<vmem>>, %arg8: memref<256x8xf32, #tpu.memory_space<vmem>>, %arg9: memref<256x48xi32, #tpu.memory_space<vmem>>, %arg10: memref<256x48xi32, #tpu.memory_space<vmem>>) attributes {dimension_semantics = [#tpu.dimension_semantics<arbitrary>], iteration_bounds = array<i64: 8>, scalar_prefetch = 0 : i64, scratch_operands = 0 : i64, tpu.core_type = #tpu.core_type<tc>, window_params = [{transform_indices = @transform_0, window_bounds = array<i64: 256, 768>}, {pipeline_mode = #tpu.pipeline_mode<synchronous>, transform_indices = @transform_1, window_bounds = array<i64: 256, 768>}, {pipeline_mode = #tpu.pipeline_mode<synchronous>, transform_indices = @transform_2, window_bounds = array<i64: 256, 768>}, {pipeline_mode = #tpu.pipeline_mode<synchronous>, transform_indices = @transform_3, window_bounds = array<i64: 768, 8>}, {pipeline_mode = #tpu.pipeline_mode<synchronous>, transform_indices = @transform_4, window_bounds = array<i64: 1, 8>}, {transform_indices = @transform_5, window_bounds = array<i64: 256, 256>}, {transform_indices = @transform_6, window_bounds = array<i64: 256, 256>}, {transform_indices = @transform_7, window_bounds = array<i64: 256, 8>}, {transform_indices = @transform_8, window_bounds = array<i64: 256, 48>}, {transform_indices = @transform_9, window_bounds = array<i64: 256, 48>}]} {
    %get3A = arith.constant 0 : index
    %get3A_0 = arith.constant 0 : index
    %get3A_1 = vector.load %arg1[%get3A, %get3A_0] : memref<256x768xf32, #tpu.memory_space<vmem>>, vector<256x768xf32>
    %get3A_2 = arith.constant 0 : index
    %get3A_3 = arith.constant 0 : index
    %get3A_4 = vector.load %arg2[%get3A_2, %get3A_3] : memref<256x768xf32, #tpu.memory_space<vmem>>, vector<256x768xf32>
    %dot_general3A = arith.constant dense<0.000000e+00> : vector<256x256xf32>
    %dot_general3A_5 = tpu.matmul %get3A_1, %get3A_4, %dot_general3A {dimension_numbers = #tpu.dot_dimension_numbers<[1], [1], [0], [0], [0, 0, 1, 0], [], []>, transpose_lhs_hint = false} : vector<256x768xf32>, vector<256x768xf32>, vector<256x256xf32> -> vector<256x256xf32>
    %swap3A = arith.constant 0 : index
    %swap3A_6 = arith.constant 0 : index
    %swap3A_7 = vector.load %arg6[%swap3A, %swap3A_6] : memref<256x256xf32, #tpu.memory_space<vmem>>, vector<256x256xf32>
    tpu.vector_store %arg6[%swap3A, %swap3A_6], %dot_general3A_5 {strides = array<i32>} : memref<256x256xf32, #tpu.memory_space<vmem>>, vector<256x256xf32>,
    %get3A_8 = arith.constant 0 : index
    %get3A_9 = arith.constant 0 : index
    %get3A_10 = vector.load %arg3[%get3A_8, %get3A_9] : memref<256x768xf32, #tpu.memory_space<vmem>>, vector<256x768xf32>
    %dot_general3A_11 = arith.constant dense<0.000000e+00> : vector<256x256xf32>
    %dot_general3A_12 = tpu.matmul %get3A_1, %get3A_10, %dot_general3A_11 {dimension_numbers = #tpu.dot_dimension_numbers<[1], [1], [0], [0], [0, 0, 1, 0], [], []>, transpose_lhs_hint = false} : vector<256x768xf32>, vector<256x768xf32>, vector<256x256xf32> -> vector<256x256xf32>
    %swap3A_13 = arith.constant 0 : index
    %swap3A_14 = arith.constant 0 : index
    %swap3A_15 = vector.load %arg7[%swap3A_13, %swap3A_14] : memref<256x256xf32, #tpu.memory_space<vmem>>, vector<256x256xf32>
    tpu.vector_store %arg7[%swap3A_13, %swap3A_14], %dot_general3A_12 {strides = array<i32>} : memref<256x256xf32, #tpu.memory_space<vmem>>, vector<256x256xf32>,
    %get3A_16 = arith.constant 0 : index
    %get3A_17 = arith.constant 0 : index
    %get3A_18 = vector.load %arg4[%get3A_16, %get3A_17] : memref<768x8xf32, #tpu.memory_space<vmem>>, vector<768x8xf32>
    %dot_general3A_19 = arith.constant dense<0.000000e+00> : vector<256x8xf32>
    %dot_general3A_20 = tpu.matmul %get3A_1, %get3A_18, %dot_general3A_19 {dimension_numbers = #tpu.dot_dimension_numbers<[1], [0], [0], [1], [0, 0, 1, 1], [], []>, transpose_lhs_hint = false} : vector<256x768xf32>, vector<768x8xf32>, vector<256x8xf32> -> vector<256x8xf32>
    %get3A_21 = arith.constant 0 : index
    %get3A_22 = arith.constant 0 : index
    %get3A_23 = vector.load %arg5[%get3A_21, %get3A_22] : memref<1x8xf32, #tpu.memory_space<vmem>>, vector<1x8xf32>
    %add3A = vector.broadcast %get3A_23 : vector<1x8xf32> to vector<256x8xf32>
    %add3A_24 = arith.addf %dot_general3A_20, %add3A : vector<256x8xf32>
    %swap3A_25 = arith.constant 0 : index
    %swap3A_26 = arith.constant 0 : index
    %swap3A_27 = vector.load %arg8[%swap3A_25, %swap3A_26] : memref<256x8xf32, #tpu.memory_space<vmem>>, vector<256x8xf32>
    tpu.vector_store %arg8[%swap3A_25, %swap3A_26], %add3A_24 {strides = array<i32>} : memref<256x8xf32, #tpu.memory_space<vmem>>, vector<256x8xf32>,
    %iota3A = tpu.iota {dimensions = array<i32: 1>} : vector<256x48xi32>
    %jit3A = arith.constant 4 : i32
    %div3A = vector.broadcast %jit3A : i32 to vector<256x48xi32>
    %div3A_28 = arith.divsi %iota3A, %div3A : vector<256x48xi32>
    %sign3A = arith.constant 0 : i32
    %sign3A_29 = vector.broadcast %sign3A : i32 to vector<256x48xi32>
    %sign3A_30 = arith.cmpi sgt, %iota3A, %sign3A_29 : vector<256x48xi32>
    %sign3A_31 = arith.extui %sign3A_30 : vector<256x48xi1> to vector<256x48xi32>
    %sign3A_32 = arith.constant 0 : i32
    %sign3A_33 = vector.broadcast %sign3A_32 : i32 to vector<256x48xi32>
    %sign3A_34 = arith.cmpi slt, %iota3A, %sign3A_33 : vector<256x48xi32>
    %sign3A_35 = arith.extui %sign3A_34 : vector<256x48xi1> to vector<256x48xi32>
    %sign3A_36 = arith.subi %sign3A_31, %sign3A_35 : vector<256x48xi32>
    %sign3A_37 = arith.constant 0 : i32
    %sign3A_38 = arith.cmpi sgt, %jit3A, %sign3A_37 : i32
    %sign3A_39 = arith.extui %sign3A_38 : i1 to i32
    %sign3A_40 = arith.constant 0 : i32
    %sign3A_41 = arith.cmpi slt, %jit3A, %sign3A_40 : i32
    %sign3A_42 = arith.extui %sign3A_41 : i1 to i32
    %sign3A_43 = arith.subi %sign3A_39, %sign3A_42 : i32
    %ne3A = vector.broadcast %sign3A_43 : i32 to vector<256x48xi32>
    %ne3A_44 = arith.cmpi ne, %sign3A_36, %ne3A : vector<256x48xi32>
    %rem3A = vector.broadcast %jit3A : i32 to vector<256x48xi32>
    %rem3A_45 = arith.remsi %iota3A, %rem3A : vector<256x48xi32>
    %ne3A_46 = arith.constant 0 : i32
    %ne3A_47 = vector.broadcast %ne3A_46 : i32 to vector<256x48xi32>
    %ne3A_48 = arith.cmpi ne, %rem3A_45, %ne3A_47 : vector<256x48xi32>
    %and3A = arith.andi %ne3A_44, %ne3A_48 : vector<256x48xi1>
    %sub3A = arith.constant 1 : i32
    %sub3A_49 = vector.broadcast %sub3A : i32 to vector<256x48xi32>
    %sub3A_50 = arith.subi %div3A_28, %sub3A_49 : vector<256x48xi32>
    %select_n3A = arith.select %and3A, %sub3A_50, %div3A_28 : vector<256x48xi1>, vector<256x48xi32>
    %jit3A_51 = arith.constant 4 : i32
    %eq3A = arith.constant 0 : i32
    %eq3A_52 = arith.cmpi eq, %jit3A_51, %eq3A : i32
    %jit3A_53 = arith.constant 1 : i32
    %select_n3A_54 = arith.select %eq3A_52, %jit3A_53, %jit3A_51 : i32
    %rem3A_55 = vector.broadcast %select_n3A_54 : i32 to vector<256x48xi32>
    %rem3A_56 = arith.remsi %iota3A, %rem3A_55 : vector<256x48xi32>
    %ne3A_57 = arith.constant 0 : i32
    %ne3A_58 = vector.broadcast %ne3A_57 : i32 to vector<256x48xi32>
    %ne3A_59 = arith.cmpi ne, %rem3A_56, %ne3A_58 : vector<256x48xi32>
    %lt3A = arith.constant 0 : i32
    %lt3A_60 = vector.broadcast %lt3A : i32 to vector<256x48xi32>
    %lt3A_61 = arith.cmpi slt, %rem3A_56, %lt3A_60 : vector<256x48xi32>
    %lt3A_62 = arith.constant 0 : i32
    %lt3A_63 = arith.cmpi slt, %select_n3A_54, %lt3A_62 : i32
    %ne3A_64 = vector.broadcast %lt3A_63 : i1 to vector<256x48xi1>
    %ne3A_65 = vector.broadcast %ne3A_64 : vector<256x48xi1> to vector<256x48xi1>
    %ne3A_66 = arith.xori %lt3A_61, %ne3A_65 : vector<256x48xi1>
    %and3A_67 = arith.andi %ne3A_66, %ne3A_59 : vector<256x48xi1>
    %add3A_68 = vector.broadcast %select_n3A_54 : i32 to vector<256x48xi32>
    %add3A_69 = arith.addi %rem3A_56, %add3A_68 : vector<256x48xi32>
    %select_n3A_70 = arith.select %and3A_67, %add3A_69, %rem3A_56 : vector<256x48xi1>, vector<256x48xi32>
    %jit3A_71 = arith.constant 3 : i32
    %div3A_72 = vector.broadcast %jit3A_71 : i32 to vector<256x48xi32>
    %div3A_73 = arith.divsi %select_n3A, %div3A_72 : vector<256x48xi32>
    %sign3A_74 = arith.constant 0 : i32
    %sign3A_75 = vector.broadcast %sign3A_74 : i32 to vector<256x48xi32>
    %sign3A_76 = arith.cmpi sgt, %select_n3A, %sign3A_75 : vector<256x48xi32>
    %sign3A_77 = arith.extui %sign3A_76 : vector<256x48xi1> to vector<256x48xi32>
    %sign3A_78 = arith.constant 0 : i32
    %sign3A_79 = vector.broadcast %sign3A_78 : i32 to vector<256x48xi32>
    %sign3A_80 = arith.cmpi slt, %select_n3A, %sign3A_79 : vector<256x48xi32>
    %sign3A_81 = arith.extui %sign3A_80 : vector<256x48xi1> to vector<256x48xi32>
    %sign3A_82 = arith.subi %sign3A_77, %sign3A_81 : vector<256x48xi32>
    %sign3A_83 = arith.constant 0 : i32
    %sign3A_84 = arith.cmpi sgt, %jit3A_71, %sign3A_83 : i32
    %sign3A_85 = arith.extui %sign3A_84 : i1 to i32
    %sign3A_86 = arith.constant 0 : i32
    %sign3A_87 = arith.cmpi slt, %jit3A_71, %sign3A_86 : i32
    %sign3A_88 = arith.extui %sign3A_87 : i1 to i32
    %sign3A_89 = arith.subi %sign3A_85, %sign3A_88 : i32
    %ne3A_90 = vector.broadcast %sign3A_89 : i32 to vector<256x48xi32>
    %ne3A_91 = arith.cmpi ne, %sign3A_82, %ne3A_90 : vector<256x48xi32>
    %rem3A_92 = vector.broadcast %jit3A_71 : i32 to vector<256x48xi32>
    %rem3A_93 = arith.remsi %select_n3A, %rem3A_92 : vector<256x48xi32>
    %ne3A_94 = arith.constant 0 : i32
    %ne3A_95 = vector.broadcast %ne3A_94 : i32 to vector<256x48xi32>
    %ne3A_96 = arith.cmpi ne, %rem3A_93, %ne3A_95 : vector<256x48xi32>
    %and3A_97 = arith.andi %ne3A_91, %ne3A_96 : vector<256x48xi1>
    %sub3A_98 = arith.constant 1 : i32
    %sub3A_99 = vector.broadcast %sub3A_98 : i32 to vector<256x48xi32>
    %sub3A_100 = arith.subi %div3A_73, %sub3A_99 : vector<256x48xi32>
    %select_n3A_101 = arith.select %and3A_97, %sub3A_100, %div3A_73 : vector<256x48xi1>, vector<256x48xi32>
    %sub3A_102 = arith.constant 1 : i32
    %sub3A_103 = vector.broadcast %sub3A_102 : i32 to vector<256x48xi32>
    %sub3A_104 = arith.subi %select_n3A_101, %sub3A_103 : vector<256x48xi32>
    %jit3A_105 = arith.constant 3 : i32
    %eq3A_106 = arith.constant 0 : i32
    %eq3A_107 = arith.cmpi eq, %jit3A_105, %eq3A_106 : i32
    %jit3A_108 = arith.constant 1 : i32
    %select_n3A_109 = arith.select %eq3A_107, %jit3A_108, %jit3A_105 : i32
    %rem3A_110 = vector.broadcast %select_n3A_109 : i32 to vector<256x48xi32>
    %rem3A_111 = arith.remsi %select_n3A, %rem3A_110 : vector<256x48xi32>
    %ne3A_112 = arith.constant 0 : i32
    %ne3A_113 = vector.broadcast %ne3A_112 : i32 to vector<256x48xi32>
    %ne3A_114 = arith.cmpi ne, %rem3A_111, %ne3A_113 : vector<256x48xi32>
    %lt3A_115 = arith.constant 0 : i32
    %lt3A_116 = vector.broadcast %lt3A_115 : i32 to vector<256x48xi32>
    %lt3A_117 = arith.cmpi slt, %rem3A_111, %lt3A_116 : vector<256x48xi32>
    %lt3A_118 = arith.constant 0 : i32
    %lt3A_119 = arith.cmpi slt, %select_n3A_109, %lt3A_118 : i32
    %ne3A_120 = vector.broadcast %lt3A_119 : i1 to vector<256x48xi1>
    %ne3A_121 = vector.broadcast %ne3A_120 : vector<256x48xi1> to vector<256x48xi1>
    %ne3A_122 = arith.xori %lt3A_117, %ne3A_121 : vector<256x48xi1>
    %and3A_123 = arith.andi %ne3A_122, %ne3A_114 : vector<256x48xi1>
    %add3A_124 = vector.broadcast %select_n3A_109 : i32 to vector<256x48xi32>
    %add3A_125 = arith.addi %rem3A_111, %add3A_124 : vector<256x48xi32>
    %select_n3A_126 = arith.select %and3A_123, %add3A_125, %rem3A_111 : vector<256x48xi1>, vector<256x48xi32>
    %sub3A_127 = arith.constant 1 : i32
    %sub3A_128 = vector.broadcast %sub3A_127 : i32 to vector<256x48xi32>
    %sub3A_129 = arith.subi %select_n3A_126, %sub3A_128 : vector<256x48xi32>
    %slice3A = vector.extract_strided_slice %add3A_24 {offsets = [0, 0], sizes = [256, 1], strides = [1, 1]} : vector<256x8xf32> to vector<256x1xf32>
    %slice3A_130 = vector.extract_strided_slice %add3A_24 {offsets = [0, 1], sizes = [256, 1], strides = [1, 1]} : vector<256x8xf32> to vector<256x1xf32>
    %mul3A = arith.constant 8.000000e+00 : f32
    %mul3A_131 = vector.broadcast %mul3A : f32 to vector<256x1xf32>
    %mul3A_132 = arith.mulf %slice3A, %mul3A_131 : vector<256x1xf32>
    %convert_element_type3A = arith.fptosi %mul3A_132 : vector<256x1xf32> to vector<256x1xi32>
    %jit3A_133 = arith.constant 0 : i32
    %jit3A_134 = arith.constant 7 : i32
    %max3A = vector.broadcast %jit3A_133 : i32 to vector<256x1xi32>
    %max3A_135 = arith.maxsi %max3A, %convert_element_type3A : vector<256x1xi32>
    %min3A = vector.broadcast %jit3A_134 : i32 to vector<256x1xi32>
    %min3A_136 = arith.minsi %min3A, %max3A_135 : vector<256x1xi32>
    %mul3A_137 = arith.constant 8.000000e+00 : f32
    %mul3A_138 = vector.broadcast %mul3A_137 : f32 to vector<256x1xf32>
    %mul3A_139 = arith.mulf %slice3A_130, %mul3A_138 : vector<256x1xf32>
    %convert_element_type3A_140 = arith.fptosi %mul3A_139 : vector<256x1xf32> to vector<256x1xi32>
    %jit3A_141 = arith.constant 0 : i32
    %jit3A_142 = arith.constant 7 : i32
    %max3A_143 = vector.broadcast %jit3A_141 : i32 to vector<256x1xi32>
    %max3A_144 = arith.maxsi %max3A_143, %convert_element_type3A_140 : vector<256x1xi32>
    %min3A_145 = vector.broadcast %jit3A_142 : i32 to vector<256x1xi32>
    %min3A_146 = arith.minsi %min3A_145, %max3A_144 : vector<256x1xi32>
    %add3A_147 = vector.broadcast %min3A_136 : vector<256x1xi32> to vector<256x48xi32>
    %add3A_148 = arith.addi %add3A_147, %sub3A_104 : vector<256x48xi32>
    %jit3A_149 = arith.constant 0 : i32
    %jit3A_150 = arith.constant 7 : i32
    %max3A_151 = vector.broadcast %jit3A_149 : i32 to vector<256x48xi32>
    %max3A_152 = arith.maxsi %max3A_151, %add3A_148 : vector<256x48xi32>
    %min3A_153 = vector.broadcast %jit3A_150 : i32 to vector<256x48xi32>
    %min3A_154 = arith.minsi %min3A_153, %max3A_152 : vector<256x48xi32>
    %add3A_155 = vector.broadcast %min3A_146 : vector<256x1xi32> to vector<256x48xi32>
    %add3A_156 = arith.addi %add3A_155, %sub3A_129 : vector<256x48xi32>
    %jit3A_157 = arith.constant 0 : i32
    %jit3A_158 = arith.constant 7 : i32
    %max3A_159 = vector.broadcast %jit3A_157 : i32 to vector<256x48xi32>
    %max3A_160 = arith.maxsi %max3A_159, %add3A_156 : vector<256x48xi32>
    %min3A_161 = vector.broadcast %jit3A_158 : i32 to vector<256x48xi32>
    %min3A_162 = arith.minsi %min3A_161, %max3A_160 : vector<256x48xi32>
    %mul3A_163 = arith.constant 8 : i32
    %mul3A_164 = vector.broadcast %mul3A_163 : i32 to vector<256x48xi32>
    %mul3A_165 = arith.muli %min3A_154, %mul3A_164 : vector<256x48xi32>
    %add3A_166 = arith.addi %mul3A_165, %min3A_162 : vector<256x48xi32>
    %mul3A_167 = arith.constant 4 : i32
    %mul3A_168 = vector.broadcast %mul3A_167 : i32 to vector<256x48xi32>
    %mul3A_169 = arith.muli %add3A_166, %mul3A_168 : vector<256x48xi32>
    %add3A_170 = arith.addi %mul3A_169, %select_n3A_70 : vector<256x48xi32>
    %swap3A_171 = arith.constant 0 : index
    %swap3A_172 = arith.constant 0 : index
    %swap3A_173 = vector.load %arg9[%swap3A_171, %swap3A_172] : memref<256x48xi32, #tpu.memory_space<vmem>>, vector<256x48xi32>
    tpu.vector_store %arg9[%swap3A_171, %swap3A_172], %add3A_170 {strides = array<i32>} : memref<256x48xi32, #tpu.memory_space<vmem>>, vector<256x48xi32>,
    %slice3A_174 = vector.extract_strided_slice %add3A_24 {offsets = [0, 2], sizes = [256, 1], strides = [1, 1]} : vector<256x8xf32> to vector<256x1xf32>
    %slice3A_175 = vector.extract_strided_slice %add3A_24 {offsets = [0, 3], sizes = [256, 1], strides = [1, 1]} : vector<256x8xf32> to vector<256x1xf32>
    %mul3A_176 = arith.constant 8.000000e+00 : f32
    %mul3A_177 = vector.broadcast %mul3A_176 : f32 to vector<256x1xf32>
    %mul3A_178 = arith.mulf %slice3A_174, %mul3A_177 : vector<256x1xf32>
    %convert_element_type3A_179 = arith.fptosi %mul3A_178 : vector<256x1xf32> to vector<256x1xi32>
    %jit3A_180 = arith.constant 0 : i32
    %jit3A_181 = arith.constant 7 : i32
    %max3A_182 = vector.broadcast %jit3A_180 : i32 to vector<256x1xi32>
    %max3A_183 = arith.maxsi %max3A_182, %convert_element_type3A_179 : vector<256x1xi32>
    %min3A_184 = vector.broadcast %jit3A_181 : i32 to vector<256x1xi32>
    %min3A_185 = arith.minsi %min3A_184, %max3A_183 : vector<256x1xi32>
    %mul3A_186 = arith.constant 8.000000e+00 : f32
    %mul3A_187 = vector.broadcast %mul3A_186 : f32 to vector<256x1xf32>
    %mul3A_188 = arith.mulf %slice3A_175, %mul3A_187 : vector<256x1xf32>
    %convert_element_type3A_189 = arith.fptosi %mul3A_188 : vector<256x1xf32> to vector<256x1xi32>
    %jit3A_190 = arith.constant 0 : i32
    %jit3A_191 = arith.constant 7 : i32
    %max3A_192 = vector.broadcast %jit3A_190 : i32 to vector<256x1xi32>
    %max3A_193 = arith.maxsi %max3A_192, %convert_element_type3A_189 : vector<256x1xi32>
    %min3A_194 = vector.broadcast %jit3A_191 : i32 to vector<256x1xi32>
    %min3A_195 = arith.minsi %min3A_194, %max3A_193 : vector<256x1xi32>
    %add3A_196 = vector.broadcast %min3A_185 : vector<256x1xi32> to vector<256x48xi32>
    %add3A_197 = arith.addi %add3A_196, %sub3A_104 : vector<256x48xi32>
    %jit3A_198 = arith.constant 0 : i32
    %jit3A_199 = arith.constant 7 : i32
    %max3A_200 = vector.broadcast %jit3A_198 : i32 to vector<256x48xi32>
    %max3A_201 = arith.maxsi %max3A_200, %add3A_197 : vector<256x48xi32>
    %min3A_202 = vector.broadcast %jit3A_199 : i32 to vector<256x48xi32>
    %min3A_203 = arith.minsi %min3A_202, %max3A_201 : vector<256x48xi32>
    %add3A_204 = vector.broadcast %min3A_195 : vector<256x1xi32> to vector<256x48xi32>
    %add3A_205 = arith.addi %add3A_204, %sub3A_129 : vector<256x48xi32>
    %jit3A_206 = arith.constant 0 : i32
    %jit3A_207 = arith.constant 7 : i32
    %max3A_208 = vector.broadcast %jit3A_206 : i32 to vector<256x48xi32>
    %max3A_209 = arith.maxsi %max3A_208, %add3A_205 : vector<256x48xi32>
    %min3A_210 = vector.broadcast %jit3A_207 : i32 to vector<256x48xi32>
    %min3A_211 = arith.minsi %min3A_210, %max3A_209 : vector<256x48xi32>
    %mul3A_212 = arith.constant 8 : i32
    %mul3A_213 = vector.broadcast %mul3A_212 : i32 to vector<256x48xi32>
    %mul3A_214 = arith.muli %min3A_203, %mul3A_213 : vector<256x48xi32>
    %add3A_215 = arith.addi %mul3A_214, %min3A_211 : vector<256x48xi32>
    %mul3A_216 = arith.constant 4 : i32
    %mul3A_217 = vector.broadcast %mul3A_216 : i32 to vector<256x48xi32>
    %mul3A_218 = arith.muli %add3A_215, %mul3A_217 : vector<256x48xi32>
    %add3A_219 = arith.addi %mul3A_218, %select_n3A_70 : vector<256x48xi32>
    %swap3A_220 = arith.constant 0 : index
    %swap3A_221 = arith.constant 0 : index
    %swap3A_222 = vector.load %arg10[%swap3A_220, %swap3A_221] : memref<256x48xi32, #tpu.memory_space<vmem>>, vector<256x48xi32>
    tpu.vector_store %arg10[%swap3A_220, %swap3A_221], %add3A_219 {strides = array<i32>} : memref<256x48xi32, #tpu.memory_space<vmem>>, vector<256x48xi32>,
    return
  }
  func.func @transform_0(%arg0: i32) -> (i32, i32) {
    %c0_i32 = arith.constant 0 : i32
    %c0_i32_0 = arith.constant 0 : i32
    return %arg0, %c0_i32 : i32, i32
  }
  func.func @transform_1(%arg0: i32) -> (i32, i32) {
    %c0_i32 = arith.constant 0 : i32
    %c0_i32_0 = arith.constant 0 : i32
    %c0_i32_1 = arith.constant 0 : i32
    return %c0_i32, %c0_i32_0 : i32, i32
  }
  func.func @transform_2(%arg0: i32) -> (i32, i32) {
    %c0_i32 = arith.constant 0 : i32
    %c0_i32_0 = arith.constant 0 : i32
    %c0_i32_1 = arith.constant 0 : i32
    return %c0_i32, %c0_i32_0 : i32, i32
  }
  func.func @transform_3(%arg0: i32) -> (i32, i32) {
    %c0_i32 = arith.constant 0 : i32
    %c0_i32_0 = arith.constant 0 : i32
    %c0_i32_1 = arith.constant 0 : i32
    return %c0_i32, %c0_i32_0 : i32, i32
  }
  func.func @transform_4(%arg0: i32) -> (i32, i32) {
    %c0_i32 = arith.constant 0 : i32
    %c0_i32_0 = arith.constant 0 : i32
    %c0_i32_1 = arith.constant 0 : i32
    return %c0_i32, %c0_i32_0 : i32, i32
  }
  func.func @transform_5(%arg0: i32) -> (i32, i32) {
    %c0_i32 = arith.constant 0 : i32
    %c0_i32_0 = arith.constant 0 : i32
    return %arg0, %c0_i32 : i32, i32
  }
  func.func @transform_6(%arg0: i32) -> (i32, i32) {
    %c0_i32 = arith.constant 0 : i32
    %c0_i32_0 = arith.constant 0 : i32
    return %arg0, %c0_i32 : i32, i32
  }
  func.func @transform_7(%arg0: i32) -> (i32, i32) {
    %c0_i32 = arith.constant 0 : i32
    %c0_i32_0 = arith.constant 0 : i32
    return %arg0, %c0_i32 : i32, i32
  }
  func.func @transform_8(%arg0: i32) -> (i32, i32) {
    %c0_i32 = arith.constant 0 : i32
    %c0_i32_0 = arith.constant 0 : i32
    return %arg0, %c0_i32 : i32, i32
  }
  func.func @transform_9(%arg0: i32) -> (i32, i32) {
    %c0_i32 = arith.constant 0 : i32
    %c0_i32_0 = arith.constant 0 : i32
    return %arg0, %c0_i32 : i32, i32
  }
}

module attributes {stable_mosaic.version = 14 : i64} {
  func.func @_gate_kernel(%arg0: i32, %arg1: memref<256x256xf32, #tpu.memory_space<vmem>>, %arg2: memref<256x256xf32, #tpu.memory_space<vmem>>, %arg3: memref<256x8xf32, #tpu.memory_space<vmem>>, %arg4: memref<256x16xf32, #tpu.memory_space<vmem>>, %arg5: memref<256x768xf32, #tpu.memory_space<vmem>>, %arg6: memref<256x768xf32, #tpu.memory_space<vmem>>, %arg7: memref<8x256xf32, #tpu.memory_space<vmem>>, %arg8: memref<256x768xf32, #tpu.memory_space<vmem>>, %arg9: memref<256x768xf32, #tpu.memory_space<vmem>>, %arg10: memref<256x768xf32, #tpu.memory_space<vmem>>, %arg11: memref<1x1x128xf32, #tpu.memory_space<vmem>>) attributes {dimension_semantics = [#tpu.dimension_semantics<arbitrary>], iteration_bounds = array<i64: 8>, scalar_prefetch = 0 : i64, scratch_operands = 0 : i64, tpu.core_type = #tpu.core_type<tc>, window_params = [{transform_indices = @transform_0, window_bounds = array<i64: 256, 256>}, {transform_indices = @transform_1, window_bounds = array<i64: 256, 256>}, {transform_indices = @transform_2, window_bounds = array<i64: 256, 8>}, {transform_indices = @transform_3, window_bounds = array<i64: 256, 16>}, {pipeline_mode = #tpu.pipeline_mode<synchronous>, transform_indices = @transform_4, window_bounds = array<i64: 256, 768>}, {pipeline_mode = #tpu.pipeline_mode<synchronous>, transform_indices = @transform_5, window_bounds = array<i64: 256, 768>}, {pipeline_mode = #tpu.pipeline_mode<synchronous>, transform_indices = @transform_6, window_bounds = array<i64: 8, 256>}, {transform_indices = @transform_7, window_bounds = array<i64: 256, 768>}, {transform_indices = @transform_8, window_bounds = array<i64: 256, 768>}, {transform_indices = @transform_9, window_bounds = array<i64: 256, 768>}, {transform_indices = @transform_10, window_bounds = array<i64: 1, 1, 128>}]} {
    %get3A = arith.constant 0 : index
    %get3A_0 = arith.constant 0 : index
    %get3A_1 = vector.load %arg1[%get3A, %get3A_0] : memref<256x256xf32, #tpu.memory_space<vmem>>, vector<256x256xf32>
    %get3A_2 = arith.constant 0 : index
    %get3A_3 = arith.constant 0 : index
    %get3A_4 = vector.load %arg2[%get3A_2, %get3A_3] : memref<256x256xf32, #tpu.memory_space<vmem>>, vector<256x256xf32>
    %get3A_5 = arith.constant 0 : index
    %get3A_6 = arith.constant 0 : index
    %get3A_7 = vector.load %arg3[%get3A_5, %get3A_6] : memref<256x8xf32, #tpu.memory_space<vmem>>, vector<256x8xf32>
    %iota3A = tpu.iota {dimensions = array<i32: 1>} : vector<256x256xi32>
    %jit3A = arith.constant 32 : i32
    %div3A = vector.broadcast %jit3A : i32 to vector<256x256xi32>
    %div3A_8 = arith.divsi %iota3A, %div3A : vector<256x256xi32>
    %sign3A = arith.constant 0 : i32
    %sign3A_9 = vector.broadcast %sign3A : i32 to vector<256x256xi32>
    %sign3A_10 = arith.cmpi sgt, %iota3A, %sign3A_9 : vector<256x256xi32>
    %sign3A_11 = arith.extui %sign3A_10 : vector<256x256xi1> to vector<256x256xi32>
    %sign3A_12 = arith.constant 0 : i32
    %sign3A_13 = vector.broadcast %sign3A_12 : i32 to vector<256x256xi32>
    %sign3A_14 = arith.cmpi slt, %iota3A, %sign3A_13 : vector<256x256xi32>
    %sign3A_15 = arith.extui %sign3A_14 : vector<256x256xi1> to vector<256x256xi32>
    %sign3A_16 = arith.subi %sign3A_11, %sign3A_15 : vector<256x256xi32>
    %sign3A_17 = arith.constant 0 : i32
    %sign3A_18 = arith.cmpi sgt, %jit3A, %sign3A_17 : i32
    %sign3A_19 = arith.extui %sign3A_18 : i1 to i32
    %sign3A_20 = arith.constant 0 : i32
    %sign3A_21 = arith.cmpi slt, %jit3A, %sign3A_20 : i32
    %sign3A_22 = arith.extui %sign3A_21 : i1 to i32
    %sign3A_23 = arith.subi %sign3A_19, %sign3A_22 : i32
    %ne3A = vector.broadcast %sign3A_23 : i32 to vector<256x256xi32>
    %ne3A_24 = arith.cmpi ne, %sign3A_16, %ne3A : vector<256x256xi32>
    %rem3A = vector.broadcast %jit3A : i32 to vector<256x256xi32>
    %rem3A_25 = arith.remsi %iota3A, %rem3A : vector<256x256xi32>
    %ne3A_26 = arith.constant 0 : i32
    %ne3A_27 = vector.broadcast %ne3A_26 : i32 to vector<256x256xi32>
    %ne3A_28 = arith.cmpi ne, %rem3A_25, %ne3A_27 : vector<256x256xi32>
    %and3A = arith.andi %ne3A_24, %ne3A_28 : vector<256x256xi1>
    %sub3A = arith.constant 1 : i32
    %sub3A_29 = vector.broadcast %sub3A : i32 to vector<256x256xi32>
    %sub3A_30 = arith.subi %div3A_8, %sub3A_29 : vector<256x256xi32>
    %select_n3A = arith.select %and3A, %sub3A_30, %div3A_8 : vector<256x256xi1>, vector<256x256xi32>
    %jit3A_31 = arith.constant 4 : i32
    %div3A_32 = vector.broadcast %jit3A_31 : i32 to vector<256x256xi32>
    %div3A_33 = arith.divsi %iota3A, %div3A_32 : vector<256x256xi32>
    %sign3A_34 = arith.constant 0 : i32
    %sign3A_35 = vector.broadcast %sign3A_34 : i32 to vector<256x256xi32>
    %sign3A_36 = arith.cmpi sgt, %iota3A, %sign3A_35 : vector<256x256xi32>
    %sign3A_37 = arith.extui %sign3A_36 : vector<256x256xi1> to vector<256x256xi32>
    %sign3A_38 = arith.constant 0 : i32
    %sign3A_39 = vector.broadcast %sign3A_38 : i32 to vector<256x256xi32>
    %sign3A_40 = arith.cmpi slt, %iota3A, %sign3A_39 : vector<256x256xi32>
    %sign3A_41 = arith.extui %sign3A_40 : vector<256x256xi1> to vector<256x256xi32>
    %sign3A_42 = arith.subi %sign3A_37, %sign3A_41 : vector<256x256xi32>
    %sign3A_43 = arith.constant 0 : i32
    %sign3A_44 = arith.cmpi sgt, %jit3A_31, %sign3A_43 : i32
    %sign3A_45 = arith.extui %sign3A_44 : i1 to i32
    %sign3A_46 = arith.constant 0 : i32
    %sign3A_47 = arith.cmpi slt, %jit3A_31, %sign3A_46 : i32
    %sign3A_48 = arith.extui %sign3A_47 : i1 to i32
    %sign3A_49 = arith.subi %sign3A_45, %sign3A_48 : i32
    %ne3A_50 = vector.broadcast %sign3A_49 : i32 to vector<256x256xi32>
    %ne3A_51 = arith.cmpi ne, %sign3A_42, %ne3A_50 : vector<256x256xi32>
    %rem3A_52 = vector.broadcast %jit3A_31 : i32 to vector<256x256xi32>
    %rem3A_53 = arith.remsi %iota3A, %rem3A_52 : vector<256x256xi32>
    %ne3A_54 = arith.constant 0 : i32
    %ne3A_55 = vector.broadcast %ne3A_54 : i32 to vector<256x256xi32>
    %ne3A_56 = arith.cmpi ne, %rem3A_53, %ne3A_55 : vector<256x256xi32>
    %and3A_57 = arith.andi %ne3A_51, %ne3A_56 : vector<256x256xi1>
    %sub3A_58 = arith.constant 1 : i32
    %sub3A_59 = vector.broadcast %sub3A_58 : i32 to vector<256x256xi32>
    %sub3A_60 = arith.subi %div3A_33, %sub3A_59 : vector<256x256xi32>
    %select_n3A_61 = arith.select %and3A_57, %sub3A_60, %div3A_33 : vector<256x256xi1>, vector<256x256xi32>
    %jit3A_62 = arith.constant 8 : i32
    %eq3A = arith.constant 0 : i32
    %eq3A_63 = arith.cmpi eq, %jit3A_62, %eq3A : i32
    %jit3A_64 = arith.constant 1 : i32
    %select_n3A_65 = arith.select %eq3A_63, %jit3A_64, %jit3A_62 : i32
    %rem3A_66 = vector.broadcast %select_n3A_65 : i32 to vector<256x256xi32>
    %rem3A_67 = arith.remsi %select_n3A_61, %rem3A_66 : vector<256x256xi32>
    %ne3A_68 = arith.constant 0 : i32
    %ne3A_69 = vector.broadcast %ne3A_68 : i32 to vector<256x256xi32>
    %ne3A_70 = arith.cmpi ne, %rem3A_67, %ne3A_69 : vector<256x256xi32>
    %lt3A = arith.constant 0 : i32
    %lt3A_71 = vector.broadcast %lt3A : i32 to vector<256x256xi32>
    %lt3A_72 = arith.cmpi slt, %rem3A_67, %lt3A_71 : vector<256x256xi32>
    %lt3A_73 = arith.constant 0 : i32
    %lt3A_74 = arith.cmpi slt, %select_n3A_65, %lt3A_73 : i32
    %ne3A_75 = vector.broadcast %lt3A_74 : i1 to vector<256x256xi1>
    %ne3A_76 = vector.broadcast %ne3A_75 : vector<256x256xi1> to vector<256x256xi1>
    %ne3A_77 = arith.xori %lt3A_72, %ne3A_76 : vector<256x256xi1>
    %and3A_78 = arith.andi %ne3A_77, %ne3A_70 : vector<256x256xi1>
    %add3A = vector.broadcast %select_n3A_65 : i32 to vector<256x256xi32>
    %add3A_79 = arith.addi %rem3A_67, %add3A : vector<256x256xi32>
    %select_n3A_80 = arith.select %and3A_78, %add3A_79, %rem3A_67 : vector<256x256xi1>, vector<256x256xi32>
    %slice3A = vector.extract_strided_slice %get3A_7 {offsets = [0, 0], sizes = [256, 1], strides = [1, 1]} : vector<256x8xf32> to vector<256x1xf32>
    %slice3A_81 = vector.extract_strided_slice %get3A_7 {offsets = [0, 1], sizes = [256, 1], strides = [1, 1]} : vector<256x8xf32> to vector<256x1xf32>
    %slice3A_82 = vector.extract_strided_slice %get3A_7 {offsets = [0, 2], sizes = [256, 1], strides = [1, 1]} : vector<256x8xf32> to vector<256x1xf32>
    %slice3A_83 = vector.extract_strided_slice %get3A_7 {offsets = [0, 3], sizes = [256, 1], strides = [1, 1]} : vector<256x8xf32> to vector<256x1xf32>
    %mul3A = arith.constant 8.000000e+00 : f32
    %mul3A_84 = vector.broadcast %mul3A : f32 to vector<256x1xf32>
    %mul3A_85 = arith.mulf %slice3A, %mul3A_84 : vector<256x1xf32>
    %convert_element_type3A = arith.fptosi %mul3A_85 : vector<256x1xf32> to vector<256x1xi32>
    %jit3A_86 = arith.constant 0 : i32
    %jit3A_87 = arith.constant 7 : i32
    %max3A = vector.broadcast %jit3A_86 : i32 to vector<256x1xi32>
    %max3A_88 = arith.maxsi %max3A, %convert_element_type3A : vector<256x1xi32>
    %min3A = vector.broadcast %jit3A_87 : i32 to vector<256x1xi32>
    %min3A_89 = arith.minsi %min3A, %max3A_88 : vector<256x1xi32>
    %mul3A_90 = arith.constant 8.000000e+00 : f32
    %mul3A_91 = vector.broadcast %mul3A_90 : f32 to vector<256x1xf32>
    %mul3A_92 = arith.mulf %slice3A_81, %mul3A_91 : vector<256x1xf32>
    %convert_element_type3A_93 = arith.fptosi %mul3A_92 : vector<256x1xf32> to vector<256x1xi32>
    %jit3A_94 = arith.constant 0 : i32
    %jit3A_95 = arith.constant 7 : i32
    %max3A_96 = vector.broadcast %jit3A_94 : i32 to vector<256x1xi32>
    %max3A_97 = arith.maxsi %max3A_96, %convert_element_type3A_93 : vector<256x1xi32>
    %min3A_98 = vector.broadcast %jit3A_95 : i32 to vector<256x1xi32>
    %min3A_99 = arith.minsi %min3A_98, %max3A_97 : vector<256x1xi32>
    %broadcast_in_dim3A = arith.constant 0.000000e+00 : f32
    %broadcast_in_dim3A_100 = vector.broadcast %broadcast_in_dim3A : f32 to vector<256x256xf32>
    %broadcast_in_dim3A_101 = arith.constant 0.000000e+00 : f32
    %broadcast_in_dim3A_102 = vector.broadcast %broadcast_in_dim3A_101 : f32 to vector<256x256xf32>
    %add3A_103 = arith.constant -1 : i32
    %add3A_104 = vector.broadcast %add3A_103 : i32 to vector<256x1xi32>
    %add3A_105 = arith.addi %min3A_89, %add3A_104 : vector<256x1xi32>
    %jit3A_106 = arith.constant 0 : i32
    %jit3A_107 = arith.constant 7 : i32
    %max3A_108 = vector.broadcast %jit3A_106 : i32 to vector<256x1xi32>
    %max3A_109 = arith.maxsi %max3A_108, %add3A_105 : vector<256x1xi32>
    %min3A_110 = vector.broadcast %jit3A_107 : i32 to vector<256x1xi32>
    %min3A_111 = arith.minsi %min3A_110, %max3A_109 : vector<256x1xi32>
    %eq3A_112 = vector.broadcast %min3A_111 : vector<256x1xi32> to vector<256x256xi32>
    %eq3A_113 = arith.cmpi eq, %select_n3A, %eq3A_112 : vector<256x256xi32>
    %convert_element_type3A_114 = arith.extui %eq3A_113 : vector<256x256xi1> to vector<256x256xi32>
    %convert_element_type3A_115 = arith.sitofp %convert_element_type3A_114 : vector<256x256xi32> to vector<256x256xf32>
    %add3A_116 = arith.addf %broadcast_in_dim3A_100, %convert_element_type3A_115 : vector<256x256xf32>
    %add3A_117 = arith.constant -1 : i32
    %add3A_118 = vector.broadcast %add3A_117 : i32 to vector<256x1xi32>
    %add3A_119 = arith.addi %min3A_99, %add3A_118 : vector<256x1xi32>
    %jit3A_120 = arith.constant 0 : i32
    %jit3A_121 = arith.constant 7 : i32
    %max3A_122 = vector.broadcast %jit3A_120 : i32 to vector<256x1xi32>
    %max3A_123 = arith.maxsi %max3A_122, %add3A_119 : vector<256x1xi32>
    %min3A_124 = vector.broadcast %jit3A_121 : i32 to vector<256x1xi32>
    %min3A_125 = arith.minsi %min3A_124, %max3A_123 : vector<256x1xi32>
    %eq3A_126 = vector.broadcast %min3A_125 : vector<256x1xi32> to vector<256x256xi32>
    %eq3A_127 = arith.cmpi eq, %select_n3A_80, %eq3A_126 : vector<256x256xi32>
    %convert_element_type3A_128 = arith.extui %eq3A_127 : vector<256x256xi1> to vector<256x256xi32>
    %convert_element_type3A_129 = arith.sitofp %convert_element_type3A_128 : vector<256x256xi32> to vector<256x256xf32>
    %add3A_130 = arith.addf %broadcast_in_dim3A_102, %convert_element_type3A_129 : vector<256x256xf32>
    %add3A_131 = arith.constant 0 : i32
    %add3A_132 = vector.broadcast %add3A_131 : i32 to vector<256x1xi32>
    %add3A_133 = arith.addi %min3A_89, %add3A_132 : vector<256x1xi32>
    %jit3A_134 = arith.constant 0 : i32
    %jit3A_135 = arith.constant 7 : i32
    %max3A_136 = vector.broadcast %jit3A_134 : i32 to vector<256x1xi32>
    %max3A_137 = arith.maxsi %max3A_136, %add3A_133 : vector<256x1xi32>
    %min3A_138 = vector.broadcast %jit3A_135 : i32 to vector<256x1xi32>
    %min3A_139 = arith.minsi %min3A_138, %max3A_137 : vector<256x1xi32>
    %eq3A_140 = vector.broadcast %min3A_139 : vector<256x1xi32> to vector<256x256xi32>
    %eq3A_141 = arith.cmpi eq, %select_n3A, %eq3A_140 : vector<256x256xi32>
    %convert_element_type3A_142 = arith.extui %eq3A_141 : vector<256x256xi1> to vector<256x256xi32>
    %convert_element_type3A_143 = arith.sitofp %convert_element_type3A_142 : vector<256x256xi32> to vector<256x256xf32>
    %add3A_144 = arith.addf %add3A_116, %convert_element_type3A_143 : vector<256x256xf32>
    %add3A_145 = arith.constant 0 : i32
    %add3A_146 = vector.broadcast %add3A_145 : i32 to vector<256x1xi32>
    %add3A_147 = arith.addi %min3A_99, %add3A_146 : vector<256x1xi32>
    %jit3A_148 = arith.constant 0 : i32
    %jit3A_149 = arith.constant 7 : i32
    %max3A_150 = vector.broadcast %jit3A_148 : i32 to vector<256x1xi32>
    %max3A_151 = arith.maxsi %max3A_150, %add3A_147 : vector<256x1xi32>
    %min3A_152 = vector.broadcast %jit3A_149 : i32 to vector<256x1xi32>
    %min3A_153 = arith.minsi %min3A_152, %max3A_151 : vector<256x1xi32>
    %eq3A_154 = vector.broadcast %min3A_153 : vector<256x1xi32> to vector<256x256xi32>
    %eq3A_155 = arith.cmpi eq, %select_n3A_80, %eq3A_154 : vector<256x256xi32>
    %convert_element_type3A_156 = arith.extui %eq3A_155 : vector<256x256xi1> to vector<256x256xi32>
    %convert_element_type3A_157 = arith.sitofp %convert_element_type3A_156 : vector<256x256xi32> to vector<256x256xf32>
    %add3A_158 = arith.addf %add3A_130, %convert_element_type3A_157 : vector<256x256xf32>
    %add3A_159 = arith.constant 1 : i32
    %add3A_160 = vector.broadcast %add3A_159 : i32 to vector<256x1xi32>
    %add3A_161 = arith.addi %min3A_89, %add3A_160 : vector<256x1xi32>
    %jit3A_162 = arith.constant 0 : i32
    %jit3A_163 = arith.constant 7 : i32
    %max3A_164 = vector.broadcast %jit3A_162 : i32 to vector<256x1xi32>
    %max3A_165 = arith.maxsi %max3A_164, %add3A_161 : vector<256x1xi32>
    %min3A_166 = vector.broadcast %jit3A_163 : i32 to vector<256x1xi32>
    %min3A_167 = arith.minsi %min3A_166, %max3A_165 : vector<256x1xi32>
    %eq3A_168 = vector.broadcast %min3A_167 : vector<256x1xi32> to vector<256x256xi32>
    %eq3A_169 = arith.cmpi eq, %select_n3A, %eq3A_168 : vector<256x256xi32>
    %convert_element_type3A_170 = arith.extui %eq3A_169 : vector<256x256xi1> to vector<256x256xi32>
    %convert_element_type3A_171 = arith.sitofp %convert_element_type3A_170 : vector<256x256xi32> to vector<256x256xf32>
    %add3A_172 = arith.addf %add3A_144, %convert_element_type3A_171 : vector<256x256xf32>
    %add3A_173 = arith.constant 1 : i32
    %add3A_174 = vector.broadcast %add3A_173 : i32 to vector<256x1xi32>
    %add3A_175 = arith.addi %min3A_99, %add3A_174 : vector<256x1xi32>
    %jit3A_176 = arith.constant 0 : i32
    %jit3A_177 = arith.constant 7 : i32
    %max3A_178 = vector.broadcast %jit3A_176 : i32 to vector<256x1xi32>
    %max3A_179 = arith.maxsi %max3A_178, %add3A_175 : vector<256x1xi32>
    %min3A_180 = vector.broadcast %jit3A_177 : i32 to vector<256x1xi32>
    %min3A_181 = arith.minsi %min3A_180, %max3A_179 : vector<256x1xi32>
    %eq3A_182 = vector.broadcast %min3A_181 : vector<256x1xi32> to vector<256x256xi32>
    %eq3A_183 = arith.cmpi eq, %select_n3A_80, %eq3A_182 : vector<256x256xi32>
    %convert_element_type3A_184 = arith.extui %eq3A_183 : vector<256x256xi1> to vector<256x256xi32>
    %convert_element_type3A_185 = arith.sitofp %convert_element_type3A_184 : vector<256x256xi32> to vector<256x256xf32>
    %add3A_186 = arith.addf %add3A_158, %convert_element_type3A_185 : vector<256x256xf32>
    %mul3A_187 = arith.mulf %add3A_172, %add3A_186 : vector<256x256xf32>
    %mul3A_188 = arith.constant 8.000000e+00 : f32
    %mul3A_189 = vector.broadcast %mul3A_188 : f32 to vector<256x1xf32>
    %mul3A_190 = arith.mulf %slice3A_82, %mul3A_189 : vector<256x1xf32>
    %convert_element_type3A_191 = arith.fptosi %mul3A_190 : vector<256x1xf32> to vector<256x1xi32>
    %jit3A_192 = arith.constant 0 : i32
    %jit3A_193 = arith.constant 7 : i32
    %max3A_194 = vector.broadcast %jit3A_192 : i32 to vector<256x1xi32>
    %max3A_195 = arith.maxsi %max3A_194, %convert_element_type3A_191 : vector<256x1xi32>
    %min3A_196 = vector.broadcast %jit3A_193 : i32 to vector<256x1xi32>
    %min3A_197 = arith.minsi %min3A_196, %max3A_195 : vector<256x1xi32>
    %mul3A_198 = arith.constant 8.000000e+00 : f32
    %mul3A_199 = vector.broadcast %mul3A_198 : f32 to vector<256x1xf32>
    %mul3A_200 = arith.mulf %slice3A_83, %mul3A_199 : vector<256x1xf32>
    %convert_element_type3A_201 = arith.fptosi %mul3A_200 : vector<256x1xf32> to vector<256x1xi32>
    %jit3A_202 = arith.constant 0 : i32
    %jit3A_203 = arith.constant 7 : i32
    %max3A_204 = vector.broadcast %jit3A_202 : i32 to vector<256x1xi32>
    %max3A_205 = arith.maxsi %max3A_204, %convert_element_type3A_201 : vector<256x1xi32>
    %min3A_206 = vector.broadcast %jit3A_203 : i32 to vector<256x1xi32>
    %min3A_207 = arith.minsi %min3A_206, %max3A_205 : vector<256x1xi32>
    %broadcast_in_dim3A_208 = arith.constant 0.000000e+00 : f32
    %broadcast_in_dim3A_209 = vector.broadcast %broadcast_in_dim3A_208 : f32 to vector<256x256xf32>
    %broadcast_in_dim3A_210 = arith.constant 0.000000e+00 : f32
    %broadcast_in_dim3A_211 = vector.broadcast %broadcast_in_dim3A_210 : f32 to vector<256x256xf32>
    %add3A_212 = arith.constant -1 : i32
    %add3A_213 = vector.broadcast %add3A_212 : i32 to vector<256x1xi32>
    %add3A_214 = arith.addi %min3A_197, %add3A_213 : vector<256x1xi32>
    %jit3A_215 = arith.constant 0 : i32
    %jit3A_216 = arith.constant 7 : i32
    %max3A_217 = vector.broadcast %jit3A_215 : i32 to vector<256x1xi32>
    %max3A_218 = arith.maxsi %max3A_217, %add3A_214 : vector<256x1xi32>
    %min3A_219 = vector.broadcast %jit3A_216 : i32 to vector<256x1xi32>
    %min3A_220 = arith.minsi %min3A_219, %max3A_218 : vector<256x1xi32>
    %eq3A_221 = vector.broadcast %min3A_220 : vector<256x1xi32> to vector<256x256xi32>
    %eq3A_222 = arith.cmpi eq, %select_n3A, %eq3A_221 : vector<256x256xi32>
    %convert_element_type3A_223 = arith.extui %eq3A_222 : vector<256x256xi1> to vector<256x256xi32>
    %convert_element_type3A_224 = arith.sitofp %convert_element_type3A_223 : vector<256x256xi32> to vector<256x256xf32>
    %add3A_225 = arith.addf %broadcast_in_dim3A_209, %convert_element_type3A_224 : vector<256x256xf32>
    %add3A_226 = arith.constant -1 : i32
    %add3A_227 = vector.broadcast %add3A_226 : i32 to vector<256x1xi32>
    %add3A_228 = arith.addi %min3A_207, %add3A_227 : vector<256x1xi32>
    %jit3A_229 = arith.constant 0 : i32
    %jit3A_230 = arith.constant 7 : i32
    %max3A_231 = vector.broadcast %jit3A_229 : i32 to vector<256x1xi32>
    %max3A_232 = arith.maxsi %max3A_231, %add3A_228 : vector<256x1xi32>
    %min3A_233 = vector.broadcast %jit3A_230 : i32 to vector<256x1xi32>
    %min3A_234 = arith.minsi %min3A_233, %max3A_232 : vector<256x1xi32>
    %eq3A_235 = vector.broadcast %min3A_234 : vector<256x1xi32> to vector<256x256xi32>
    %eq3A_236 = arith.cmpi eq, %select_n3A_80, %eq3A_235 : vector<256x256xi32>
    %convert_element_type3A_237 = arith.extui %eq3A_236 : vector<256x256xi1> to vector<256x256xi32>
    %convert_element_type3A_238 = arith.sitofp %convert_element_type3A_237 : vector<256x256xi32> to vector<256x256xf32>
    %add3A_239 = arith.addf %broadcast_in_dim3A_211, %convert_element_type3A_238 : vector<256x256xf32>
    %add3A_240 = arith.constant 0 : i32
    %add3A_241 = vector.broadcast %add3A_240 : i32 to vector<256x1xi32>
    %add3A_242 = arith.addi %min3A_197, %add3A_241 : vector<256x1xi32>
    %jit3A_243 = arith.constant 0 : i32
    %jit3A_244 = arith.constant 7 : i32
    %max3A_245 = vector.broadcast %jit3A_243 : i32 to vector<256x1xi32>
    %max3A_246 = arith.maxsi %max3A_245, %add3A_242 : vector<256x1xi32>
    %min3A_247 = vector.broadcast %jit3A_244 : i32 to vector<256x1xi32>
    %min3A_248 = arith.minsi %min3A_247, %max3A_246 : vector<256x1xi32>
    %eq3A_249 = vector.broadcast %min3A_248 : vector<256x1xi32> to vector<256x256xi32>
    %eq3A_250 = arith.cmpi eq, %select_n3A, %eq3A_249 : vector<256x256xi32>
    %convert_element_type3A_251 = arith.extui %eq3A_250 : vector<256x256xi1> to vector<256x256xi32>
    %convert_element_type3A_252 = arith.sitofp %convert_element_type3A_251 : vector<256x256xi32> to vector<256x256xf32>
    %add3A_253 = arith.addf %add3A_225, %convert_element_type3A_252 : vector<256x256xf32>
    %add3A_254 = arith.constant 0 : i32
    %add3A_255 = vector.broadcast %add3A_254 : i32 to vector<256x1xi32>
    %add3A_256 = arith.addi %min3A_207, %add3A_255 : vector<256x1xi32>
    %jit3A_257 = arith.constant 0 : i32
    %jit3A_258 = arith.constant 7 : i32
    %max3A_259 = vector.broadcast %jit3A_257 : i32 to vector<256x1xi32>
    %max3A_260 = arith.maxsi %max3A_259, %add3A_256 : vector<256x1xi32>
    %min3A_261 = vector.broadcast %jit3A_258 : i32 to vector<256x1xi32>
    %min3A_262 = arith.minsi %min3A_261, %max3A_260 : vector<256x1xi32>
    %eq3A_263 = vector.broadcast %min3A_262 : vector<256x1xi32> to vector<256x256xi32>
    %eq3A_264 = arith.cmpi eq, %select_n3A_80, %eq3A_263 : vector<256x256xi32>
    %convert_element_type3A_265 = arith.extui %eq3A_264 : vector<256x256xi1> to vector<256x256xi32>
    %convert_element_type3A_266 = arith.sitofp %convert_element_type3A_265 : vector<256x256xi32> to vector<256x256xf32>
    %add3A_267 = arith.addf %add3A_239, %convert_element_type3A_266 : vector<256x256xf32>
    %add3A_268 = arith.constant 1 : i32
    %add3A_269 = vector.broadcast %add3A_268 : i32 to vector<256x1xi32>
    %add3A_270 = arith.addi %min3A_197, %add3A_269 : vector<256x1xi32>
    %jit3A_271 = arith.constant 0 : i32
    %jit3A_272 = arith.constant 7 : i32
    %max3A_273 = vector.broadcast %jit3A_271 : i32 to vector<256x1xi32>
    %max3A_274 = arith.maxsi %max3A_273, %add3A_270 : vector<256x1xi32>
    %min3A_275 = vector.broadcast %jit3A_272 : i32 to vector<256x1xi32>
    %min3A_276 = arith.minsi %min3A_275, %max3A_274 : vector<256x1xi32>
    %eq3A_277 = vector.broadcast %min3A_276 : vector<256x1xi32> to vector<256x256xi32>
    %eq3A_278 = arith.cmpi eq, %select_n3A, %eq3A_277 : vector<256x256xi32>
    %convert_element_type3A_279 = arith.extui %eq3A_278 : vector<256x256xi1> to vector<256x256xi32>
    %convert_element_type3A_280 = arith.sitofp %convert_element_type3A_279 : vector<256x256xi32> to vector<256x256xf32>
    %add3A_281 = arith.addf %add3A_253, %convert_element_type3A_280 : vector<256x256xf32>
    %add3A_282 = arith.constant 1 : i32
    %add3A_283 = vector.broadcast %add3A_282 : i32 to vector<256x1xi32>
    %add3A_284 = arith.addi %min3A_207, %add3A_283 : vector<256x1xi32>
    %jit3A_285 = arith.constant 0 : i32
    %jit3A_286 = arith.constant 7 : i32
    %max3A_287 = vector.broadcast %jit3A_285 : i32 to vector<256x1xi32>
    %max3A_288 = arith.maxsi %max3A_287, %add3A_284 : vector<256x1xi32>
    %min3A_289 = vector.broadcast %jit3A_286 : i32 to vector<256x1xi32>
    %min3A_290 = arith.minsi %min3A_289, %max3A_288 : vector<256x1xi32>
    %eq3A_291 = vector.broadcast %min3A_290 : vector<256x1xi32> to vector<256x256xi32>
    %eq3A_292 = arith.cmpi eq, %select_n3A_80, %eq3A_291 : vector<256x256xi32>
    %convert_element_type3A_293 = arith.extui %eq3A_292 : vector<256x256xi1> to vector<256x256xi32>
    %convert_element_type3A_294 = arith.sitofp %convert_element_type3A_293 : vector<256x256xi32> to vector<256x256xf32>
    %add3A_295 = arith.addf %add3A_267, %convert_element_type3A_294 : vector<256x256xf32>
    %mul3A_296 = arith.mulf %add3A_281, %add3A_295 : vector<256x256xf32>
    %get3A_297 = arith.constant 0 : index
    %get3A_298 = arith.constant 0 : index
    %get3A_299 = vector.load %arg4[%get3A_297, %get3A_298] : memref<256x16xf32, #tpu.memory_space<vmem>>, vector<256x1xf32>
    %get3A_300 = arith.constant 0 : index
    %get3A_301 = arith.constant 1 : index
    %get3A_302 = vector.load %arg4[%get3A_300, %get3A_301] : memref<256x16xf32, #tpu.memory_space<vmem>>, vector<256x1xf32>
    %slice3A_303 = vector.extract_strided_slice %get3A_7 {offsets = [0, 4], sizes = [256, 1], strides = [1, 1]} : vector<256x8xf32> to vector<256x1xf32>
    %gt3A = arith.constant 0.000000e+00 : f32
    %gt3A_304 = vector.broadcast %gt3A : f32 to vector<256x256xf32>
    %gt3A_305 = arith.cmpf ogt, %mul3A_187, %gt3A_304 : vector<256x256xf32>
    %ge3A = vector.broadcast %get3A_299 : vector<256x1xf32> to vector<256x256xf32>
    %ge3A_306 = arith.cmpf oge, %get3A_1, %ge3A : vector<256x256xf32>
    %and3A_307 = arith.andi %gt3A_305, %ge3A_306 : vector<256x256xi1>
    %sub3A_308 = vector.broadcast %slice3A_303 : vector<256x1xf32> to vector<256x256xf32>
    %sub3A_309 = arith.subf %get3A_1, %sub3A_308 : vector<256x256xf32>
    %gt3A_310 = arith.constant 0.000000e+00 : f32
    %gt3A_311 = vector.broadcast %gt3A_310 : f32 to vector<256x256xf32>
    %gt3A_312 = arith.cmpf ogt, %sub3A_309, %gt3A_311 : vector<256x256xf32>
    %exp3A = math.exp %sub3A_309 : vector<256x256xf32>
    %mul3A_313 = arith.constant 9.99999993E-9 : f32
    %mul3A_314 = vector.broadcast %mul3A_313 : f32 to vector<256x256xf32>
    %mul3A_315 = arith.mulf %mul3A_314, %exp3A : vector<256x256xf32>
    %select_n3A_316 = arith.select %gt3A_312, %sub3A_309, %mul3A_315 : vector<256x256xi1>, vector<256x256xf32>
    %exp3A_317 = math.exp %select_n3A_316 : vector<256x256xf32>
    %sub3A_318 = arith.constant 1.000000e+00 : f32
    %sub3A_319 = vector.broadcast %sub3A_318 : f32 to vector<256x256xf32>
    %sub3A_320 = arith.subf %exp3A_317, %sub3A_319 : vector<256x256xf32>
    %jit3A_321 = arith.constant 0.000000e+00 : f32
    %broadcast_in_dim3A_322 = vector.broadcast %jit3A_321 : f32 to vector<256x256xf32>
    %select_n3A_323 = arith.select %and3A_307, %sub3A_320, %broadcast_in_dim3A_322 : vector<256x256xi1>, vector<256x256xf32>
    %mul3A_324 = arith.mulf %mul3A_187, %select_n3A_323 : vector<256x256xf32>
    %reduce_sum3A = arith.constant dense<0.000000e+00> : vector<256xf32>
    %reduce_sum3A_325 = vector.multi_reduction <add>, %mul3A_324, %reduce_sum3A [1] : vector<256x256xf32> to vector<256xf32>
    %broadcast_in_dim3A_326 = vector.shape_cast %reduce_sum3A_325 : vector<256xf32> to vector<256x1xf32>
    %add3A_327 = arith.constant 9.99999993E-9 : f32
    %add3A_328 = vector.broadcast %add3A_327 : f32 to vector<256x1xf32>
    %add3A_329 = arith.addf %broadcast_in_dim3A_326, %add3A_328 : vector<256x1xf32>
    %reduce_max3A = arith.constant dense<0xFF800000> : vector<256xf32>
    %reduce_max3A_330 = vector.multi_reduction <maximumf>, %select_n3A_323, %reduce_max3A [1] : vector<256x256xf32> to vector<256xf32>
    %broadcast_in_dim3A_331 = vector.shape_cast %reduce_max3A_330 : vector<256xf32> to vector<256x1xf32>
    %tanh3A = math.tanh %broadcast_in_dim3A_331 : vector<256x1xf32>
    %mul3A_332 = arith.mulf %mul3A_187, %select_n3A_323 : vector<256x256xf32>
    %div3A_333 = arith.divf %tanh3A, %add3A_329 : vector<256x1xf32>
    %mul3A_334 = vector.broadcast %div3A_333 : vector<256x1xf32> to vector<256x256xf32>
    %mul3A_335 = arith.mulf %mul3A_332, %mul3A_334 : vector<256x256xf32>
    %mul3A_336 = arith.mulf %mul3A_335, %get3A_1 : vector<256x256xf32>
    %slice3A_337 = vector.extract_strided_slice %get3A_7 {offsets = [0, 5], sizes = [256, 1], strides = [1, 1]} : vector<256x8xf32> to vector<256x1xf32>
    %gt3A_338 = arith.constant 0.000000e+00 : f32
    %gt3A_339 = vector.broadcast %gt3A_338 : f32 to vector<256x256xf32>
    %gt3A_340 = arith.cmpf ogt, %mul3A_187, %gt3A_339 : vector<256x256xf32>
    %ge3A_341 = vector.broadcast %get3A_299 : vector<256x1xf32> to vector<256x256xf32>
    %ge3A_342 = arith.cmpf oge, %get3A_1, %ge3A_341 : vector<256x256xf32>
    %and3A_343 = arith.andi %gt3A_340, %ge3A_342 : vector<256x256xi1>
    %sub3A_344 = vector.broadcast %slice3A_337 : vector<256x1xf32> to vector<256x256xf32>
    %sub3A_345 = arith.subf %get3A_1, %sub3A_344 : vector<256x256xf32>
    %gt3A_346 = arith.constant 0.000000e+00 : f32
    %gt3A_347 = vector.broadcast %gt3A_346 : f32 to vector<256x256xf32>
    %gt3A_348 = arith.cmpf ogt, %sub3A_345, %gt3A_347 : vector<256x256xf32>
    %exp3A_349 = math.exp %sub3A_345 : vector<256x256xf32>
    %mul3A_350 = arith.constant 9.99999993E-9 : f32
    %mul3A_351 = vector.broadcast %mul3A_350 : f32 to vector<256x256xf32>
    %mul3A_352 = arith.mulf %mul3A_351, %exp3A_349 : vector<256x256xf32>
    %select_n3A_353 = arith.select %gt3A_348, %sub3A_345, %mul3A_352 : vector<256x256xi1>, vector<256x256xf32>
    %exp3A_354 = math.exp %select_n3A_353 : vector<256x256xf32>
    %sub3A_355 = arith.constant 1.000000e+00 : f32
    %sub3A_356 = vector.broadcast %sub3A_355 : f32 to vector<256x256xf32>
    %sub3A_357 = arith.subf %exp3A_354, %sub3A_356 : vector<256x256xf32>
    %jit3A_358 = arith.constant 0.000000e+00 : f32
    %broadcast_in_dim3A_359 = vector.broadcast %jit3A_358 : f32 to vector<256x256xf32>
    %select_n3A_360 = arith.select %and3A_343, %sub3A_357, %broadcast_in_dim3A_359 : vector<256x256xi1>, vector<256x256xf32>
    %mul3A_361 = arith.mulf %mul3A_187, %select_n3A_360 : vector<256x256xf32>
    %reduce_sum3A_362 = arith.constant dense<0.000000e+00> : vector<256xf32>
    %reduce_sum3A_363 = vector.multi_reduction <add>, %mul3A_361, %reduce_sum3A_362 [1] : vector<256x256xf32> to vector<256xf32>
    %broadcast_in_dim3A_364 = vector.shape_cast %reduce_sum3A_363 : vector<256xf32> to vector<256x1xf32>
    %add3A_365 = arith.constant 9.99999993E-9 : f32
    %add3A_366 = vector.broadcast %add3A_365 : f32 to vector<256x1xf32>
    %add3A_367 = arith.addf %broadcast_in_dim3A_364, %add3A_366 : vector<256x1xf32>
    %reduce_max3A_368 = arith.constant dense<0xFF800000> : vector<256xf32>
    %reduce_max3A_369 = vector.multi_reduction <maximumf>, %select_n3A_360, %reduce_max3A_368 [1] : vector<256x256xf32> to vector<256xf32>
    %broadcast_in_dim3A_370 = vector.shape_cast %reduce_max3A_369 : vector<256xf32> to vector<256x1xf32>
    %tanh3A_371 = math.tanh %broadcast_in_dim3A_370 : vector<256x1xf32>
    %mul3A_372 = arith.mulf %mul3A_187, %select_n3A_360 : vector<256x256xf32>
    %div3A_373 = arith.divf %tanh3A_371, %add3A_367 : vector<256x1xf32>
    %mul3A_374 = vector.broadcast %div3A_373 : vector<256x1xf32> to vector<256x256xf32>
    %mul3A_375 = arith.mulf %mul3A_372, %mul3A_374 : vector<256x256xf32>
    %mul3A_376 = arith.mulf %mul3A_375, %get3A_1 : vector<256x256xf32>
    %slice3A_377 = vector.extract_strided_slice %get3A_7 {offsets = [0, 6], sizes = [256, 1], strides = [1, 1]} : vector<256x8xf32> to vector<256x1xf32>
    %gt3A_378 = arith.constant 0.000000e+00 : f32
    %gt3A_379 = vector.broadcast %gt3A_378 : f32 to vector<256x256xf32>
    %gt3A_380 = arith.cmpf ogt, %mul3A_296, %gt3A_379 : vector<256x256xf32>
    %ge3A_381 = vector.broadcast %get3A_302 : vector<256x1xf32> to vector<256x256xf32>
    %ge3A_382 = arith.cmpf oge, %get3A_4, %ge3A_381 : vector<256x256xf32>
    %and3A_383 = arith.andi %gt3A_380, %ge3A_382 : vector<256x256xi1>
    %sub3A_384 = vector.broadcast %slice3A_377 : vector<256x1xf32> to vector<256x256xf32>
    %sub3A_385 = arith.subf %get3A_4, %sub3A_384 : vector<256x256xf32>
    %gt3A_386 = arith.constant 0.000000e+00 : f32
    %gt3A_387 = vector.broadcast %gt3A_386 : f32 to vector<256x256xf32>
    %gt3A_388 = arith.cmpf ogt, %sub3A_385, %gt3A_387 : vector<256x256xf32>
    %exp3A_389 = math.exp %sub3A_385 : vector<256x256xf32>
    %mul3A_390 = arith.constant 9.99999993E-9 : f32
    %mul3A_391 = vector.broadcast %mul3A_390 : f32 to vector<256x256xf32>
    %mul3A_392 = arith.mulf %mul3A_391, %exp3A_389 : vector<256x256xf32>
    %select_n3A_393 = arith.select %gt3A_388, %sub3A_385, %mul3A_392 : vector<256x256xi1>, vector<256x256xf32>
    %exp3A_394 = math.exp %select_n3A_393 : vector<256x256xf32>
    %sub3A_395 = arith.constant 1.000000e+00 : f32
    %sub3A_396 = vector.broadcast %sub3A_395 : f32 to vector<256x256xf32>
    %sub3A_397 = arith.subf %exp3A_394, %sub3A_396 : vector<256x256xf32>
    %jit3A_398 = arith.constant 0.000000e+00 : f32
    %broadcast_in_dim3A_399 = vector.broadcast %jit3A_398 : f32 to vector<256x256xf32>
    %select_n3A_400 = arith.select %and3A_383, %sub3A_397, %broadcast_in_dim3A_399 : vector<256x256xi1>, vector<256x256xf32>
    %mul3A_401 = arith.mulf %mul3A_296, %select_n3A_400 : vector<256x256xf32>
    %reduce_sum3A_402 = arith.constant dense<0.000000e+00> : vector<256xf32>
    %reduce_sum3A_403 = vector.multi_reduction <add>, %mul3A_401, %reduce_sum3A_402 [1] : vector<256x256xf32> to vector<256xf32>
    %broadcast_in_dim3A_404 = vector.shape_cast %reduce_sum3A_403 : vector<256xf32> to vector<256x1xf32>
    %add3A_405 = arith.constant 9.99999993E-9 : f32
    %add3A_406 = vector.broadcast %add3A_405 : f32 to vector<256x1xf32>
    %add3A_407 = arith.addf %broadcast_in_dim3A_404, %add3A_406 : vector<256x1xf32>
    %reduce_max3A_408 = arith.constant dense<0xFF800000> : vector<256xf32>
    %reduce_max3A_409 = vector.multi_reduction <maximumf>, %select_n3A_400, %reduce_max3A_408 [1] : vector<256x256xf32> to vector<256xf32>
    %broadcast_in_dim3A_410 = vector.shape_cast %reduce_max3A_409 : vector<256xf32> to vector<256x1xf32>
    %tanh3A_411 = math.tanh %broadcast_in_dim3A_410 : vector<256x1xf32>
    %mul3A_412 = arith.mulf %mul3A_296, %select_n3A_400 : vector<256x256xf32>
    %div3A_413 = arith.divf %tanh3A_411, %add3A_407 : vector<256x1xf32>
    %mul3A_414 = vector.broadcast %div3A_413 : vector<256x1xf32> to vector<256x256xf32>
    %mul3A_415 = arith.mulf %mul3A_412, %mul3A_414 : vector<256x256xf32>
    %mul3A_416 = arith.mulf %mul3A_415, %get3A_4 : vector<256x256xf32>
    %get3A_417 = arith.constant 0 : index
    %get3A_418 = arith.constant 0 : index
    %get3A_419 = vector.load %arg5[%get3A_417, %get3A_418] : memref<256x768xf32, #tpu.memory_space<vmem>>, vector<256x768xf32>
    %dot_general3A = arith.constant dense<0.000000e+00> : vector<256x768xf32>
    %dot_general3A_420 = tpu.matmul %mul3A_336, %get3A_419, %dot_general3A {dimension_numbers = #tpu.dot_dimension_numbers<[1], [0], [0], [1], [0, 0, 1, 1], [], []>, transpose_lhs_hint = false} : vector<256x256xf32>, vector<256x768xf32>, vector<256x768xf32> -> vector<256x768xf32>
    %swap3A = arith.constant 0 : index
    %swap3A_421 = arith.constant 0 : index
    %swap3A_422 = vector.load %arg8[%swap3A, %swap3A_421] : memref<256x768xf32, #tpu.memory_space<vmem>>, vector<256x768xf32>
    tpu.vector_store %arg8[%swap3A, %swap3A_421], %dot_general3A_420 {strides = array<i32>} : memref<256x768xf32, #tpu.memory_space<vmem>>, vector<256x768xf32>,
    %get3A_423 = arith.constant 0 : index
    %get3A_424 = arith.constant 0 : index
    %get3A_425 = vector.load %arg5[%get3A_423, %get3A_424] : memref<256x768xf32, #tpu.memory_space<vmem>>, vector<256x768xf32>
    %dot_general3A_426 = arith.constant dense<0.000000e+00> : vector<256x768xf32>
    %dot_general3A_427 = tpu.matmul %mul3A_376, %get3A_425, %dot_general3A_426 {dimension_numbers = #tpu.dot_dimension_numbers<[1], [0], [0], [1], [0, 0, 1, 1], [], []>, transpose_lhs_hint = false} : vector<256x256xf32>, vector<256x768xf32>, vector<256x768xf32> -> vector<256x768xf32>
    %swap3A_428 = arith.constant 0 : index
    %swap3A_429 = arith.constant 0 : index
    %swap3A_430 = vector.load %arg9[%swap3A_428, %swap3A_429] : memref<256x768xf32, #tpu.memory_space<vmem>>, vector<256x768xf32>
    tpu.vector_store %arg9[%swap3A_428, %swap3A_429], %dot_general3A_427 {strides = array<i32>} : memref<256x768xf32, #tpu.memory_space<vmem>>, vector<256x768xf32>,
    %get3A_431 = arith.constant 0 : index
    %get3A_432 = arith.constant 0 : index
    %get3A_433 = vector.load %arg6[%get3A_431, %get3A_432] : memref<256x768xf32, #tpu.memory_space<vmem>>, vector<256x768xf32>
    %dot_general3A_434 = arith.constant dense<0.000000e+00> : vector<256x768xf32>
    %dot_general3A_435 = tpu.matmul %mul3A_416, %get3A_433, %dot_general3A_434 {dimension_numbers = #tpu.dot_dimension_numbers<[1], [0], [0], [1], [0, 0, 1, 1], [], []>, transpose_lhs_hint = false} : vector<256x256xf32>, vector<256x768xf32>, vector<256x768xf32> -> vector<256x768xf32>
    %swap3A_436 = arith.constant 0 : index
    %swap3A_437 = arith.constant 0 : index
    %swap3A_438 = vector.load %arg10[%swap3A_436, %swap3A_437] : memref<256x768xf32, #tpu.memory_space<vmem>>, vector<256x768xf32>
    tpu.vector_store %arg10[%swap3A_436, %swap3A_437], %dot_general3A_435 {strides = array<i32>} : memref<256x768xf32, #tpu.memory_space<vmem>>, vector<256x768xf32>,
    %get3A_439 = arith.constant 0 : index
    %get3A_440 = arith.constant 0 : index
    %get3A_441 = vector.load %arg7[%get3A_439, %get3A_440] : memref<8x256xf32, #tpu.memory_space<vmem>>, vector<8x256xf32>
    %slice3A_442 = vector.extract_strided_slice %get3A_441 {offsets = [0, 0], sizes = [1, 256], strides = [1, 1]} : vector<8x256xf32> to vector<1x256xf32>
    %slice3A_443 = vector.extract_strided_slice %get3A_441 {offsets = [1, 0], sizes = [1, 256], strides = [1, 1]} : vector<8x256xf32> to vector<1x256xf32>
    %slice3A_444 = vector.extract_strided_slice %get3A_441 {offsets = [2, 0], sizes = [1, 256], strides = [1, 1]} : vector<8x256xf32> to vector<1x256xf32>
    %reduce_sum3A_445 = arith.constant dense<0.000000e+00> : vector<256xf32>
    %reduce_sum3A_446 = vector.multi_reduction <add>, %mul3A_335, %reduce_sum3A_445 [1] : vector<256x256xf32> to vector<256xf32>
    %broadcast_in_dim3A_447 = vector.shape_cast %reduce_sum3A_446 : vector<256xf32> to vector<256x1xf32>
    %mul3A_448 = vector.broadcast %slice3A_442 : vector<1x256xf32> to vector<256x256xf32>
    %mul3A_449 = arith.mulf %mul3A_335, %mul3A_448 : vector<256x256xf32>
    %reduce_sum3A_450 = arith.constant dense<0.000000e+00> : vector<256xf32>
    %reduce_sum3A_451 = vector.multi_reduction <add>, %mul3A_449, %reduce_sum3A_450 [1] : vector<256x256xf32> to vector<256xf32>
    %broadcast_in_dim3A_452 = vector.shape_cast %reduce_sum3A_451 : vector<256xf32> to vector<256x1xf32>
    %mul3A_453 = vector.broadcast %slice3A_443 : vector<1x256xf32> to vector<256x256xf32>
    %mul3A_454 = arith.mulf %mul3A_335, %mul3A_453 : vector<256x256xf32>
    %reduce_sum3A_455 = arith.constant dense<0.000000e+00> : vector<256xf32>
    %reduce_sum3A_456 = vector.multi_reduction <add>, %mul3A_454, %reduce_sum3A_455 [1] : vector<256x256xf32> to vector<256xf32>
    %broadcast_in_dim3A_457 = vector.shape_cast %reduce_sum3A_456 : vector<256xf32> to vector<256x1xf32>
    %mul3A_458 = vector.broadcast %slice3A_444 : vector<1x256xf32> to vector<256x256xf32>
    %mul3A_459 = arith.mulf %mul3A_335, %mul3A_458 : vector<256x256xf32>
    %reduce_sum3A_460 = arith.constant dense<0.000000e+00> : vector<256xf32>
    %reduce_sum3A_461 = vector.multi_reduction <add>, %mul3A_459, %reduce_sum3A_460 [1] : vector<256x256xf32> to vector<256xf32>
    %broadcast_in_dim3A_462 = vector.shape_cast %reduce_sum3A_461 : vector<256xf32> to vector<256x1xf32>
    %mul3A_463 = arith.mulf %slice3A, %slice3A : vector<256x1xf32>
    %mul3A_464 = arith.mulf %slice3A_81, %slice3A_81 : vector<256x1xf32>
    %add3A_465 = arith.addf %mul3A_463, %mul3A_464 : vector<256x1xf32>
    %mul3A_466 = arith.mulf %add3A_465, %broadcast_in_dim3A_447 : vector<256x1xf32>
    %mul3A_467 = arith.mulf %slice3A, %broadcast_in_dim3A_452 : vector<256x1xf32>
    %mul3A_468 = arith.mulf %slice3A_81, %broadcast_in_dim3A_457 : vector<256x1xf32>
    %add3A_469 = arith.addf %mul3A_467, %mul3A_468 : vector<256x1xf32>
    %mul3A_470 = arith.constant 2.000000e+00 : f32
    %mul3A_471 = vector.broadcast %mul3A_470 : f32 to vector<256x1xf32>
    %mul3A_472 = arith.mulf %mul3A_471, %add3A_469 : vector<256x1xf32>
    %sub3A_473 = arith.subf %mul3A_466, %mul3A_472 : vector<256x1xf32>
    %add3A_474 = arith.addf %sub3A_473, %broadcast_in_dim3A_462 : vector<256x1xf32>
    %reduce_sum3A_475 = vector.shape_cast %add3A_474 : vector<256x1xf32> to vector<1x256x1xf32>
    %reduce_sum3A_476 = arith.constant dense<0.000000e+00> : vector<1xf32>
    %reduce_sum3A_477 = vector.multi_reduction <add>, %reduce_sum3A_475, %reduce_sum3A_476 [1, 2] : vector<1x256x1xf32> to vector<1xf32>
    %reduce_sum3A_478 = vector.shape_cast %reduce_sum3A_477 : vector<1xf32> to vector<1x1x1xf32>
    %reduce_sum3A_479 = vector.extract %reduce_sum3A_478[0, 0, 0] : f32 from vector<1x1x1xf32>
    %slice3A_480 = vector.extract_strided_slice %get3A_441 {offsets = [3, 0], sizes = [1, 256], strides = [1, 1]} : vector<8x256xf32> to vector<1x256xf32>
    %slice3A_481 = vector.extract_strided_slice %get3A_441 {offsets = [4, 0], sizes = [1, 256], strides = [1, 1]} : vector<8x256xf32> to vector<1x256xf32>
    %slice3A_482 = vector.extract_strided_slice %get3A_441 {offsets = [5, 0], sizes = [1, 256], strides = [1, 1]} : vector<8x256xf32> to vector<1x256xf32>
    %reduce_sum3A_483 = arith.constant dense<0.000000e+00> : vector<256xf32>
    %reduce_sum3A_484 = vector.multi_reduction <add>, %mul3A_415, %reduce_sum3A_483 [1] : vector<256x256xf32> to vector<256xf32>
    %broadcast_in_dim3A_485 = vector.shape_cast %reduce_sum3A_484 : vector<256xf32> to vector<256x1xf32>
    %mul3A_486 = vector.broadcast %slice3A_480 : vector<1x256xf32> to vector<256x256xf32>
    %mul3A_487 = arith.mulf %mul3A_415, %mul3A_486 : vector<256x256xf32>
    %reduce_sum3A_488 = arith.constant dense<0.000000e+00> : vector<256xf32>
    %reduce_sum3A_489 = vector.multi_reduction <add>, %mul3A_487, %reduce_sum3A_488 [1] : vector<256x256xf32> to vector<256xf32>
    %broadcast_in_dim3A_490 = vector.shape_cast %reduce_sum3A_489 : vector<256xf32> to vector<256x1xf32>
    %mul3A_491 = vector.broadcast %slice3A_481 : vector<1x256xf32> to vector<256x256xf32>
    %mul3A_492 = arith.mulf %mul3A_415, %mul3A_491 : vector<256x256xf32>
    %reduce_sum3A_493 = arith.constant dense<0.000000e+00> : vector<256xf32>
    %reduce_sum3A_494 = vector.multi_reduction <add>, %mul3A_492, %reduce_sum3A_493 [1] : vector<256x256xf32> to vector<256xf32>
    %broadcast_in_dim3A_495 = vector.shape_cast %reduce_sum3A_494 : vector<256xf32> to vector<256x1xf32>
    %mul3A_496 = vector.broadcast %slice3A_482 : vector<1x256xf32> to vector<256x256xf32>
    %mul3A_497 = arith.mulf %mul3A_415, %mul3A_496 : vector<256x256xf32>
    %reduce_sum3A_498 = arith.constant dense<0.000000e+00> : vector<256xf32>
    %reduce_sum3A_499 = vector.multi_reduction <add>, %mul3A_497, %reduce_sum3A_498 [1] : vector<256x256xf32> to vector<256xf32>
    %broadcast_in_dim3A_500 = vector.shape_cast %reduce_sum3A_499 : vector<256xf32> to vector<256x1xf32>
    %mul3A_501 = arith.mulf %slice3A_82, %slice3A_82 : vector<256x1xf32>
    %mul3A_502 = arith.mulf %slice3A_83, %slice3A_83 : vector<256x1xf32>
    %add3A_503 = arith.addf %mul3A_501, %mul3A_502 : vector<256x1xf32>
    %mul3A_504 = arith.mulf %add3A_503, %broadcast_in_dim3A_485 : vector<256x1xf32>
    %mul3A_505 = arith.mulf %slice3A_82, %broadcast_in_dim3A_490 : vector<256x1xf32>
    %mul3A_506 = arith.mulf %slice3A_83, %broadcast_in_dim3A_495 : vector<256x1xf32>
    %add3A_507 = arith.addf %mul3A_505, %mul3A_506 : vector<256x1xf32>
    %mul3A_508 = arith.constant 2.000000e+00 : f32
    %mul3A_509 = vector.broadcast %mul3A_508 : f32 to vector<256x1xf32>
    %mul3A_510 = arith.mulf %mul3A_509, %add3A_507 : vector<256x1xf32>
    %sub3A_511 = arith.subf %mul3A_504, %mul3A_510 : vector<256x1xf32>
    %add3A_512 = arith.addf %sub3A_511, %broadcast_in_dim3A_500 : vector<256x1xf32>
    %reduce_sum3A_513 = vector.shape_cast %add3A_512 : vector<256x1xf32> to vector<1x256x1xf32>
    %reduce_sum3A_514 = arith.constant dense<0.000000e+00> : vector<1xf32>
    %reduce_sum3A_515 = vector.multi_reduction <add>, %reduce_sum3A_513, %reduce_sum3A_514 [1, 2] : vector<1x256x1xf32> to vector<1xf32>
    %reduce_sum3A_516 = vector.shape_cast %reduce_sum3A_515 : vector<1xf32> to vector<1x1x1xf32>
    %reduce_sum3A_517 = vector.extract %reduce_sum3A_516[0, 0, 0] : f32 from vector<1x1x1xf32>
    %iota3A_518 = tpu.iota {dimensions = array<i32: 2>} : vector<1x1x128xi32>
    %eq3A_519 = arith.constant 0 : i32
    %eq3A_520 = vector.broadcast %eq3A_519 : i32 to vector<1x1x128xi32>
    %eq3A_521 = arith.cmpi eq, %iota3A_518, %eq3A_520 : vector<1x1x128xi32>
    %jit3A_522 = arith.constant 0.000000e+00 : f32
    %broadcast_in_dim3A_523 = vector.broadcast %reduce_sum3A_479 : f32 to vector<1x1x128xf32>
    %broadcast_in_dim3A_524 = vector.broadcast %jit3A_522 : f32 to vector<1x1x128xf32>
    %select_n3A_525 = arith.select %eq3A_521, %broadcast_in_dim3A_523, %broadcast_in_dim3A_524 : vector<1x1x128xi1>, vector<1x1x128xf32>
    %eq3A_526 = arith.constant 1 : i32
    %eq3A_527 = vector.broadcast %eq3A_526 : i32 to vector<1x1x128xi32>
    %eq3A_528 = arith.cmpi eq, %iota3A_518, %eq3A_527 : vector<1x1x128xi32>
    %jit3A_529 = arith.constant 0.000000e+00 : f32
    %broadcast_in_dim3A_530 = vector.broadcast %reduce_sum3A_517 : f32 to vector<1x1x128xf32>
    %broadcast_in_dim3A_531 = vector.broadcast %jit3A_529 : f32 to vector<1x1x128xf32>
    %select_n3A_532 = arith.select %eq3A_528, %broadcast_in_dim3A_530, %broadcast_in_dim3A_531 : vector<1x1x128xi1>, vector<1x1x128xf32>
    %add3A_533 = arith.addf %select_n3A_525, %select_n3A_532 : vector<1x1x128xf32>
    %swap3A_534 = arith.constant 0 : index
    %swap3A_535 = arith.constant 0 : index
    %swap3A_536 = arith.constant 0 : index
    %swap3A_537 = vector.load %arg11[%swap3A_534, %swap3A_535, %swap3A_536] : memref<1x1x128xf32, #tpu.memory_space<vmem>>, vector<1x1x128xf32>
    tpu.vector_store %arg11[%swap3A_534, %swap3A_535, %swap3A_536], %add3A_533 {strides = array<i32>} : memref<1x1x128xf32, #tpu.memory_space<vmem>>, vector<1x1x128xf32>,
    return
  }
  func.func @transform_0(%arg0: i32) -> (i32, i32) {
    %c0_i32 = arith.constant 0 : i32
    %c0_i32_0 = arith.constant 0 : i32
    return %arg0, %c0_i32 : i32, i32
  }
  func.func @transform_1(%arg0: i32) -> (i32, i32) {
    %c0_i32 = arith.constant 0 : i32
    %c0_i32_0 = arith.constant 0 : i32
    return %arg0, %c0_i32 : i32, i32
  }
  func.func @transform_2(%arg0: i32) -> (i32, i32) {
    %c0_i32 = arith.constant 0 : i32
    %c0_i32_0 = arith.constant 0 : i32
    return %arg0, %c0_i32 : i32, i32
  }
  func.func @transform_3(%arg0: i32) -> (i32, i32) {
    %c0_i32 = arith.constant 0 : i32
    %c0_i32_0 = arith.constant 0 : i32
    return %arg0, %c0_i32 : i32, i32
  }
  func.func @transform_4(%arg0: i32) -> (i32, i32) {
    %c0_i32 = arith.constant 0 : i32
    %c0_i32_0 = arith.constant 0 : i32
    %c0_i32_1 = arith.constant 0 : i32
    return %c0_i32, %c0_i32_0 : i32, i32
  }
  func.func @transform_5(%arg0: i32) -> (i32, i32) {
    %c0_i32 = arith.constant 0 : i32
    %c0_i32_0 = arith.constant 0 : i32
    %c0_i32_1 = arith.constant 0 : i32
    return %c0_i32, %c0_i32_0 : i32, i32
  }
  func.func @transform_6(%arg0: i32) -> (i32, i32) {
    %c0_i32 = arith.constant 0 : i32
    %c0_i32_0 = arith.constant 0 : i32
    %c0_i32_1 = arith.constant 0 : i32
    return %c0_i32, %c0_i32_0 : i32, i32
  }
  func.func @transform_7(%arg0: i32) -> (i32, i32) {
    %c0_i32 = arith.constant 0 : i32
    %c0_i32_0 = arith.constant 0 : i32
    return %arg0, %c0_i32 : i32, i32
  }
  func.func @transform_8(%arg0: i32) -> (i32, i32) {
    %c0_i32 = arith.constant 0 : i32
    %c0_i32_0 = arith.constant 0 : i32
    return %arg0, %c0_i32 : i32, i32
  }
  func.func @transform_9(%arg0: i32) -> (i32, i32) {
    %c0_i32 = arith.constant 0 : i32
    %c0_i32_0 = arith.constant 0 : i32
    return %arg0, %c0_i32 : i32, i32
  }
  func.func @transform_10(%arg0: i32) -> (i32, i32, i32) {
    %c0_i32 = arith.constant 0 : i32
    %c0_i32_0 = arith.constant 0 : i32
    %c0_i32_1 = arith.constant 0 : i32
    return %arg0, %c0_i32, %c0_i32_0 : i32, i32, i32
  }
}

module attributes {stable_mosaic.version = 14 : i64} {
  func.func @_flash_kernel(%arg0: i32, %arg1: memref<1024x768xf32, #tpu.memory_space<vmem>>, %arg2: memref<2048x768xf32, #tpu.memory_space<vmem>>, %arg3: memref<2048x768xf32, #tpu.memory_space<vmem>>, %arg4: memref<1024x768xf32, #tpu.memory_space<vmem>>) attributes {dimension_semantics = [#tpu.dimension_semantics<arbitrary>], iteration_bounds = array<i64: 2>, scalar_prefetch = 0 : i64, scratch_operands = 0 : i64, tpu.core_type = #tpu.core_type<tc>, window_params = [{transform_indices = @transform_0, window_bounds = array<i64: 1024, 768>}, {pipeline_mode = #tpu.pipeline_mode<synchronous>, transform_indices = @transform_1, window_bounds = array<i64: 2048, 768>}, {pipeline_mode = #tpu.pipeline_mode<synchronous>, transform_indices = @transform_2, window_bounds = array<i64: 2048, 768>}, {transform_indices = @transform_3, window_bounds = array<i64: 1024, 768>}]} {
    %iota3A = tpu.iota {dimensions = array<i32: 0>} : vector<1024x1024xi32>
    %iota3A_0 = tpu.iota {dimensions = array<i32: 1>} : vector<1024x1024xi32>
    %le3A = arith.cmpi sle, %iota3A_0, %iota3A : vector<1024x1024xi32>
    %get3A = arith.constant 0 : index
    %get3A_1 = arith.constant 0 : index
    %get3A_2 = vector.load %arg1[%get3A, %get3A_1] : memref<1024x768xf32, #tpu.memory_space<vmem>>, vector<1024x64xf32>
    %mul3A = arith.constant 1.250000e-01 : f32
    %mul3A_3 = vector.broadcast %mul3A : f32 to vector<1024x64xf32>
    %mul3A_4 = arith.mulf %get3A_2, %mul3A_3 : vector<1024x64xf32>
    %convert_element_type3A = arith.truncf %mul3A_4 : vector<1024x64xf32> to vector<1024x64xbf16>
    %get3A_5 = arith.constant 0 : index
    %get3A_6 = arith.constant 64 : index
    %get3A_7 = vector.load %arg1[%get3A_5, %get3A_6] : memref<1024x768xf32, #tpu.memory_space<vmem>>, vector<1024x64xf32>
    %mul3A_8 = arith.constant 1.250000e-01 : f32
    %mul3A_9 = vector.broadcast %mul3A_8 : f32 to vector<1024x64xf32>
    %mul3A_10 = arith.mulf %get3A_7, %mul3A_9 : vector<1024x64xf32>
    %convert_element_type3A_11 = arith.truncf %mul3A_10 : vector<1024x64xf32> to vector<1024x64xbf16>
    %broadcast_in_dim3A = arith.constant 0xFF800000 : f32
    %broadcast_in_dim3A_12 = vector.broadcast %broadcast_in_dim3A : f32 to vector<1024x1xf32>
    %broadcast_in_dim3A_13 = arith.constant 0.000000e+00 : f32
    %broadcast_in_dim3A_14 = vector.broadcast %broadcast_in_dim3A_13 : f32 to vector<1024x1xf32>
    %broadcast_in_dim3A_15 = arith.constant 0.000000e+00 : f32
    %broadcast_in_dim3A_16 = vector.broadcast %broadcast_in_dim3A_15 : f32 to vector<1024x64xf32>
    %broadcast_in_dim3A_17 = arith.constant 0xFF800000 : f32
    %broadcast_in_dim3A_18 = vector.broadcast %broadcast_in_dim3A_17 : f32 to vector<1024x1xf32>
    %broadcast_in_dim3A_19 = arith.constant 0.000000e+00 : f32
    %broadcast_in_dim3A_20 = vector.broadcast %broadcast_in_dim3A_19 : f32 to vector<1024x1xf32>
    %broadcast_in_dim3A_21 = arith.constant 0.000000e+00 : f32
    %broadcast_in_dim3A_22 = vector.broadcast %broadcast_in_dim3A_21 : f32 to vector<1024x64xf32>
    %while3A = arith.constant 0 : i32
    %while3A_23 = arith.subi %arg0, %while3A : i32
    %while3A_24 = arith.addi %while3A, %while3A_23 : i32
    %while3A_25 = arith.constant 1 : i32
    %while3A_26 = arith.divsi %while3A_23, %while3A_25 : i32
    %while3A_27 = arith.muli %while3A_26, %while3A_25 : i32
    %while3A_28 = arith.addi %while3A, %while3A_27 : i32
    %while3A_29 = arith.constant 1 : i32
    %while3A_30:6 = scf.for %while3A_687 = %while3A to %while3A_28 step %while3A_29 iter_args(%while3A_688 = %broadcast_in_dim3A_12, %while3A_689 = %broadcast_in_dim3A_14, %while3A_690 = %broadcast_in_dim3A_16, %while3A_691 = %broadcast_in_dim3A_18, %while3A_692 = %broadcast_in_dim3A_20, %while3A_693 = %broadcast_in_dim3A_22) -> (vector<1024x1xf32>, vector<1024x1xf32>, vector<1024x64xf32>, vector<1024x1xf32>, vector<1024x1xf32>, vector<1024x64xf32>)  : i32 {
      %mul3A_694 = arith.constant 1024 : i32
      %mul3A_695 = arith.muli %while3A_687, %mul3A_694 : i32
      %get3A_696 = arith.index_cast %mul3A_695 : i32 to index
      %get3A_697 = arith.constant 0 : index
      %get3A_698 = vector.load %arg2[%get3A_696, %get3A_697] : memref<2048x768xf32, #tpu.memory_space<vmem>>, vector<1024x64xf32>
      %convert_element_type3A_699 = arith.truncf %get3A_698 : vector<1024x64xf32> to vector<1024x64xbf16>
      %mul3A_700 = arith.constant 1024 : i32
      %mul3A_701 = arith.muli %while3A_687, %mul3A_700 : i32
      %get3A_702 = arith.index_cast %mul3A_701 : i32 to index
      %get3A_703 = arith.constant 0 : index
      %get3A_704 = vector.load %arg3[%get3A_702, %get3A_703] : memref<2048x768xf32, #tpu.memory_space<vmem>>, vector<1024x64xf32>
      %dot_general3A_705 = arith.constant dense<0.000000e+00> : vector<1024x1024xf32>
      %dot_general3A_706 = tpu.matmul %convert_element_type3A, %convert_element_type3A_699, %dot_general3A_705 {dimension_numbers = #tpu.dot_dimension_numbers<[1], [1], [0], [0], [0, 0, 1, 0], [], []>, transpose_lhs_hint = false} : vector<1024x64xbf16>, vector<1024x64xbf16>, vector<1024x1024xf32> -> vector<1024x1024xf32>
      %reduce_max3A_707 = arith.constant dense<0xFF800000> : vector<1024xf32>
      %reduce_max3A_708 = vector.multi_reduction <maximumf>, %dot_general3A_706, %reduce_max3A_707 [1] : vector<1024x1024xf32> to vector<1024xf32>
      %broadcast_in_dim3A_709 = vector.shape_cast %reduce_max3A_708 : vector<1024xf32> to vector<1024x1xf32>
      %max3A_710 = arith.maximumf %while3A_688, %broadcast_in_dim3A_709 : vector<1024x1xf32>
      %sub3A_711 = vector.broadcast %max3A_710 : vector<1024x1xf32> to vector<1024x1024xf32>
      %sub3A_712 = arith.subf %dot_general3A_706, %sub3A_711 : vector<1024x1024xf32>
      %exp3A_713 = math.exp %sub3A_712 : vector<1024x1024xf32>
      %sub3A_714 = arith.subf %while3A_688, %max3A_710 : vector<1024x1xf32>
      %exp3A_715 = math.exp %sub3A_714 : vector<1024x1xf32>
      %mul3A_716 = arith.mulf %while3A_689, %exp3A_715 : vector<1024x1xf32>
      %reduce_sum3A_717 = arith.constant dense<0.000000e+00> : vector<1024xf32>
      %reduce_sum3A_718 = vector.multi_reduction <add>, %exp3A_713, %reduce_sum3A_717 [1] : vector<1024x1024xf32> to vector<1024xf32>
      %broadcast_in_dim3A_719 = vector.shape_cast %reduce_sum3A_718 : vector<1024xf32> to vector<1024x1xf32>
      %add3A_720 = arith.addf %mul3A_716, %broadcast_in_dim3A_719 : vector<1024x1xf32>
      %mul3A_721 = vector.broadcast %exp3A_715 : vector<1024x1xf32> to vector<1024x64xf32>
      %mul3A_722 = arith.mulf %while3A_690, %mul3A_721 : vector<1024x64xf32>
      %dot_general3A_723 = arith.constant dense<0.000000e+00> : vector<1024x64xf32>
      %dot_general3A_724 = tpu.matmul %exp3A_713, %get3A_704, %dot_general3A_723 {dimension_numbers = #tpu.dot_dimension_numbers<[1], [0], [0], [1], [0, 0, 1, 1], [], []>, transpose_lhs_hint = false} : vector<1024x1024xf32>, vector<1024x64xf32>, vector<1024x64xf32> -> vector<1024x64xf32>
      %add3A_725 = arith.addf %mul3A_722, %dot_general3A_724 : vector<1024x64xf32>
      %mul3A_726 = arith.constant 1024 : i32
      %mul3A_727 = arith.muli %while3A_687, %mul3A_726 : i32
      %get3A_728 = arith.index_cast %mul3A_727 : i32 to index
      %get3A_729 = arith.constant 64 : index
      %get3A_730 = vector.load %arg2[%get3A_728, %get3A_729] : memref<2048x768xf32, #tpu.memory_space<vmem>>, vector<1024x64xf32>
      %convert_element_type3A_731 = arith.truncf %get3A_730 : vector<1024x64xf32> to vector<1024x64xbf16>
      %mul3A_732 = arith.constant 1024 : i32
      %mul3A_733 = arith.muli %while3A_687, %mul3A_732 : i32
      %get3A_734 = arith.index_cast %mul3A_733 : i32 to index
      %get3A_735 = arith.constant 64 : index
      %get3A_736 = vector.load %arg3[%get3A_734, %get3A_735] : memref<2048x768xf32, #tpu.memory_space<vmem>>, vector<1024x64xf32>
      %dot_general3A_737 = arith.constant dense<0.000000e+00> : vector<1024x1024xf32>
      %dot_general3A_738 = tpu.matmul %convert_element_type3A_11, %convert_element_type3A_731, %dot_general3A_737 {dimension_numbers = #tpu.dot_dimension_numbers<[1], [1], [0], [0], [0, 0, 1, 0], [], []>, transpose_lhs_hint = false} : vector<1024x64xbf16>, vector<1024x64xbf16>, vector<1024x1024xf32> -> vector<1024x1024xf32>
      %reduce_max3A_739 = arith.constant dense<0xFF800000> : vector<1024xf32>
      %reduce_max3A_740 = vector.multi_reduction <maximumf>, %dot_general3A_738, %reduce_max3A_739 [1] : vector<1024x1024xf32> to vector<1024xf32>
      %broadcast_in_dim3A_741 = vector.shape_cast %reduce_max3A_740 : vector<1024xf32> to vector<1024x1xf32>
      %max3A_742 = arith.maximumf %while3A_691, %broadcast_in_dim3A_741 : vector<1024x1xf32>
      %sub3A_743 = vector.broadcast %max3A_742 : vector<1024x1xf32> to vector<1024x1024xf32>
      %sub3A_744 = arith.subf %dot_general3A_738, %sub3A_743 : vector<1024x1024xf32>
      %exp3A_745 = math.exp %sub3A_744 : vector<1024x1024xf32>
      %sub3A_746 = arith.subf %while3A_691, %max3A_742 : vector<1024x1xf32>
      %exp3A_747 = math.exp %sub3A_746 : vector<1024x1xf32>
      %mul3A_748 = arith.mulf %while3A_692, %exp3A_747 : vector<1024x1xf32>
      %reduce_sum3A_749 = arith.constant dense<0.000000e+00> : vector<1024xf32>
      %reduce_sum3A_750 = vector.multi_reduction <add>, %exp3A_745, %reduce_sum3A_749 [1] : vector<1024x1024xf32> to vector<1024xf32>
      %broadcast_in_dim3A_751 = vector.shape_cast %reduce_sum3A_750 : vector<1024xf32> to vector<1024x1xf32>
      %add3A_752 = arith.addf %mul3A_748, %broadcast_in_dim3A_751 : vector<1024x1xf32>
      %mul3A_753 = vector.broadcast %exp3A_747 : vector<1024x1xf32> to vector<1024x64xf32>
      %mul3A_754 = arith.mulf %while3A_693, %mul3A_753 : vector<1024x64xf32>
      %dot_general3A_755 = arith.constant dense<0.000000e+00> : vector<1024x64xf32>
      %dot_general3A_756 = tpu.matmul %exp3A_745, %get3A_736, %dot_general3A_755 {dimension_numbers = #tpu.dot_dimension_numbers<[1], [0], [0], [1], [0, 0, 1, 1], [], []>, transpose_lhs_hint = false} : vector<1024x1024xf32>, vector<1024x64xf32>, vector<1024x64xf32> -> vector<1024x64xf32>
      %add3A_757 = arith.addf %mul3A_754, %dot_general3A_756 : vector<1024x64xf32>
      scf.yield %max3A_710, %add3A_720, %add3A_725, %max3A_742, %add3A_752, %add3A_757 : vector<1024x1xf32>, vector<1024x1xf32>, vector<1024x64xf32>, vector<1024x1xf32>, vector<1024x1xf32>, vector<1024x64xf32>
    }
    %while3A_31 = arith.constant 1 : i32
    %while3A_32:6 = scf.for %while3A_687 = %while3A_28 to %while3A_24 step %while3A_31 iter_args(%while3A_688 = %while3A_30#0, %while3A_689 = %while3A_30#1, %while3A_690 = %while3A_30#2, %while3A_691 = %while3A_30#3, %while3A_692 = %while3A_30#4, %while3A_693 = %while3A_30#5) -> (vector<1024x1xf32>, vector<1024x1xf32>, vector<1024x64xf32>, vector<1024x1xf32>, vector<1024x1xf32>, vector<1024x64xf32>)  : i32 {
      %mul3A_694 = arith.constant 1024 : i32
      %mul3A_695 = arith.muli %while3A_687, %mul3A_694 : i32
      %get3A_696 = arith.index_cast %mul3A_695 : i32 to index
      %get3A_697 = arith.constant 0 : index
      %get3A_698 = vector.load %arg2[%get3A_696, %get3A_697] : memref<2048x768xf32, #tpu.memory_space<vmem>>, vector<1024x64xf32>
      %convert_element_type3A_699 = arith.truncf %get3A_698 : vector<1024x64xf32> to vector<1024x64xbf16>
      %mul3A_700 = arith.constant 1024 : i32
      %mul3A_701 = arith.muli %while3A_687, %mul3A_700 : i32
      %get3A_702 = arith.index_cast %mul3A_701 : i32 to index
      %get3A_703 = arith.constant 0 : index
      %get3A_704 = vector.load %arg3[%get3A_702, %get3A_703] : memref<2048x768xf32, #tpu.memory_space<vmem>>, vector<1024x64xf32>
      %dot_general3A_705 = arith.constant dense<0.000000e+00> : vector<1024x1024xf32>
      %dot_general3A_706 = tpu.matmul %convert_element_type3A, %convert_element_type3A_699, %dot_general3A_705 {dimension_numbers = #tpu.dot_dimension_numbers<[1], [1], [0], [0], [0, 0, 1, 0], [], []>, transpose_lhs_hint = false} : vector<1024x64xbf16>, vector<1024x64xbf16>, vector<1024x1024xf32> -> vector<1024x1024xf32>
      %reduce_max3A_707 = arith.constant dense<0xFF800000> : vector<1024xf32>
      %reduce_max3A_708 = vector.multi_reduction <maximumf>, %dot_general3A_706, %reduce_max3A_707 [1] : vector<1024x1024xf32> to vector<1024xf32>
      %broadcast_in_dim3A_709 = vector.shape_cast %reduce_max3A_708 : vector<1024xf32> to vector<1024x1xf32>
      %max3A_710 = arith.maximumf %while3A_688, %broadcast_in_dim3A_709 : vector<1024x1xf32>
      %sub3A_711 = vector.broadcast %max3A_710 : vector<1024x1xf32> to vector<1024x1024xf32>
      %sub3A_712 = arith.subf %dot_general3A_706, %sub3A_711 : vector<1024x1024xf32>
      %exp3A_713 = math.exp %sub3A_712 : vector<1024x1024xf32>
      %sub3A_714 = arith.subf %while3A_688, %max3A_710 : vector<1024x1xf32>
      %exp3A_715 = math.exp %sub3A_714 : vector<1024x1xf32>
      %mul3A_716 = arith.mulf %while3A_689, %exp3A_715 : vector<1024x1xf32>
      %reduce_sum3A_717 = arith.constant dense<0.000000e+00> : vector<1024xf32>
      %reduce_sum3A_718 = vector.multi_reduction <add>, %exp3A_713, %reduce_sum3A_717 [1] : vector<1024x1024xf32> to vector<1024xf32>
      %broadcast_in_dim3A_719 = vector.shape_cast %reduce_sum3A_718 : vector<1024xf32> to vector<1024x1xf32>
      %add3A_720 = arith.addf %mul3A_716, %broadcast_in_dim3A_719 : vector<1024x1xf32>
      %mul3A_721 = vector.broadcast %exp3A_715 : vector<1024x1xf32> to vector<1024x64xf32>
      %mul3A_722 = arith.mulf %while3A_690, %mul3A_721 : vector<1024x64xf32>
      %dot_general3A_723 = arith.constant dense<0.000000e+00> : vector<1024x64xf32>
      %dot_general3A_724 = tpu.matmul %exp3A_713, %get3A_704, %dot_general3A_723 {dimension_numbers = #tpu.dot_dimension_numbers<[1], [0], [0], [1], [0, 0, 1, 1], [], []>, transpose_lhs_hint = false} : vector<1024x1024xf32>, vector<1024x64xf32>, vector<1024x64xf32> -> vector<1024x64xf32>
      %add3A_725 = arith.addf %mul3A_722, %dot_general3A_724 : vector<1024x64xf32>
      %mul3A_726 = arith.constant 1024 : i32
      %mul3A_727 = arith.muli %while3A_687, %mul3A_726 : i32
      %get3A_728 = arith.index_cast %mul3A_727 : i32 to index
      %get3A_729 = arith.constant 64 : index
      %get3A_730 = vector.load %arg2[%get3A_728, %get3A_729] : memref<2048x768xf32, #tpu.memory_space<vmem>>, vector<1024x64xf32>
      %convert_element_type3A_731 = arith.truncf %get3A_730 : vector<1024x64xf32> to vector<1024x64xbf16>
      %mul3A_732 = arith.constant 1024 : i32
      %mul3A_733 = arith.muli %while3A_687, %mul3A_732 : i32
      %get3A_734 = arith.index_cast %mul3A_733 : i32 to index
      %get3A_735 = arith.constant 64 : index
      %get3A_736 = vector.load %arg3[%get3A_734, %get3A_735] : memref<2048x768xf32, #tpu.memory_space<vmem>>, vector<1024x64xf32>
      %dot_general3A_737 = arith.constant dense<0.000000e+00> : vector<1024x1024xf32>
      %dot_general3A_738 = tpu.matmul %convert_element_type3A_11, %convert_element_type3A_731, %dot_general3A_737 {dimension_numbers = #tpu.dot_dimension_numbers<[1], [1], [0], [0], [0, 0, 1, 0], [], []>, transpose_lhs_hint = false} : vector<1024x64xbf16>, vector<1024x64xbf16>, vector<1024x1024xf32> -> vector<1024x1024xf32>
      %reduce_max3A_739 = arith.constant dense<0xFF800000> : vector<1024xf32>
      %reduce_max3A_740 = vector.multi_reduction <maximumf>, %dot_general3A_738, %reduce_max3A_739 [1] : vector<1024x1024xf32> to vector<1024xf32>
      %broadcast_in_dim3A_741 = vector.shape_cast %reduce_max3A_740 : vector<1024xf32> to vector<1024x1xf32>
      %max3A_742 = arith.maximumf %while3A_691, %broadcast_in_dim3A_741 : vector<1024x1xf32>
      %sub3A_743 = vector.broadcast %max3A_742 : vector<1024x1xf32> to vector<1024x1024xf32>
      %sub3A_744 = arith.subf %dot_general3A_738, %sub3A_743 : vector<1024x1024xf32>
      %exp3A_745 = math.exp %sub3A_744 : vector<1024x1024xf32>
      %sub3A_746 = arith.subf %while3A_691, %max3A_742 : vector<1024x1xf32>
      %exp3A_747 = math.exp %sub3A_746 : vector<1024x1xf32>
      %mul3A_748 = arith.mulf %while3A_692, %exp3A_747 : vector<1024x1xf32>
      %reduce_sum3A_749 = arith.constant dense<0.000000e+00> : vector<1024xf32>
      %reduce_sum3A_750 = vector.multi_reduction <add>, %exp3A_745, %reduce_sum3A_749 [1] : vector<1024x1024xf32> to vector<1024xf32>
      %broadcast_in_dim3A_751 = vector.shape_cast %reduce_sum3A_750 : vector<1024xf32> to vector<1024x1xf32>
      %add3A_752 = arith.addf %mul3A_748, %broadcast_in_dim3A_751 : vector<1024x1xf32>
      %mul3A_753 = vector.broadcast %exp3A_747 : vector<1024x1xf32> to vector<1024x64xf32>
      %mul3A_754 = arith.mulf %while3A_693, %mul3A_753 : vector<1024x64xf32>
      %dot_general3A_755 = arith.constant dense<0.000000e+00> : vector<1024x64xf32>
      %dot_general3A_756 = tpu.matmul %exp3A_745, %get3A_736, %dot_general3A_755 {dimension_numbers = #tpu.dot_dimension_numbers<[1], [0], [0], [1], [0, 0, 1, 1], [], []>, transpose_lhs_hint = false} : vector<1024x1024xf32>, vector<1024x64xf32>, vector<1024x64xf32> -> vector<1024x64xf32>
      %add3A_757 = arith.addf %mul3A_754, %dot_general3A_756 : vector<1024x64xf32>
      scf.yield %max3A_710, %add3A_720, %add3A_725, %max3A_742, %add3A_752, %add3A_757 : vector<1024x1xf32>, vector<1024x1xf32>, vector<1024x64xf32>, vector<1024x1xf32>, vector<1024x1xf32>, vector<1024x64xf32>
    }
    %mul3A_33 = arith.constant 1024 : i32
    %mul3A_34 = arith.muli %arg0, %mul3A_33 : i32
    %get3A_35 = arith.index_cast %mul3A_34 : i32 to index
    %get3A_36 = arith.constant 0 : index
    %get3A_37 = vector.load %arg2[%get3A_35, %get3A_36] : memref<2048x768xf32, #tpu.memory_space<vmem>>, vector<1024x64xf32>
    %convert_element_type3A_38 = arith.truncf %get3A_37 : vector<1024x64xf32> to vector<1024x64xbf16>
    %mul3A_39 = arith.constant 1024 : i32
    %mul3A_40 = arith.muli %arg0, %mul3A_39 : i32
    %get3A_41 = arith.index_cast %mul3A_40 : i32 to index
    %get3A_42 = arith.constant 0 : index
    %get3A_43 = vector.load %arg3[%get3A_41, %get3A_42] : memref<2048x768xf32, #tpu.memory_space<vmem>>, vector<1024x64xf32>
    %dot_general3A = arith.constant dense<0.000000e+00> : vector<1024x1024xf32>
    %dot_general3A_44 = tpu.matmul %convert_element_type3A, %convert_element_type3A_38, %dot_general3A {dimension_numbers = #tpu.dot_dimension_numbers<[1], [1], [0], [0], [0, 0, 1, 0], [], []>, transpose_lhs_hint = false} : vector<1024x64xbf16>, vector<1024x64xbf16>, vector<1024x1024xf32> -> vector<1024x1024xf32>
    %jit3A = arith.constant -3.40282347E+38 : f32
    %broadcast_in_dim3A_45 = vector.broadcast %jit3A : f32 to vector<1024x1024xf32>
    %select_n3A = arith.select %le3A, %dot_general3A_44, %broadcast_in_dim3A_45 : vector<1024x1024xi1>, vector<1024x1024xf32>
    %reduce_max3A = arith.constant dense<0xFF800000> : vector<1024xf32>
    %reduce_max3A_46 = vector.multi_reduction <maximumf>, %select_n3A, %reduce_max3A [1] : vector<1024x1024xf32> to vector<1024xf32>
    %broadcast_in_dim3A_47 = vector.shape_cast %reduce_max3A_46 : vector<1024xf32> to vector<1024x1xf32>
    %max3A = arith.maximumf %while3A_32#0, %broadcast_in_dim3A_47 : vector<1024x1xf32>
    %sub3A = vector.broadcast %max3A : vector<1024x1xf32> to vector<1024x1024xf32>
    %sub3A_48 = arith.subf %select_n3A, %sub3A : vector<1024x1024xf32>
    %exp3A = math.exp %sub3A_48 : vector<1024x1024xf32>
    %sub3A_49 = arith.subf %while3A_32#0, %max3A : vector<1024x1xf32>
    %exp3A_50 = math.exp %sub3A_49 : vector<1024x1xf32>
    %mul3A_51 = arith.mulf %while3A_32#1, %exp3A_50 : vector<1024x1xf32>
    %reduce_sum3A = arith.constant dense<0.000000e+00> : vector<1024xf32>
    %reduce_sum3A_52 = vector.multi_reduction <add>, %exp3A, %reduce_sum3A [1] : vector<1024x1024xf32> to vector<1024xf32>
    %broadcast_in_dim3A_53 = vector.shape_cast %reduce_sum3A_52 : vector<1024xf32> to vector<1024x1xf32>
    %add3A = arith.addf %mul3A_51, %broadcast_in_dim3A_53 : vector<1024x1xf32>
    %mul3A_54 = vector.broadcast %exp3A_50 : vector<1024x1xf32> to vector<1024x64xf32>
    %mul3A_55 = arith.mulf %while3A_32#2, %mul3A_54 : vector<1024x64xf32>
    %dot_general3A_56 = arith.constant dense<0.000000e+00> : vector<1024x64xf32>
    %dot_general3A_57 = tpu.matmul %exp3A, %get3A_43, %dot_general3A_56 {dimension_numbers = #tpu.dot_dimension_numbers<[1], [0], [0], [1], [0, 0, 1, 1], [], []>, transpose_lhs_hint = false} : vector<1024x1024xf32>, vector<1024x64xf32>, vector<1024x64xf32> -> vector<1024x64xf32>
    %add3A_58 = arith.addf %mul3A_55, %dot_general3A_57 : vector<1024x64xf32>
    %mul3A_59 = arith.constant 1024 : i32
    %mul3A_60 = arith.muli %arg0, %mul3A_59 : i32
    %get3A_61 = arith.index_cast %mul3A_60 : i32 to index
    %get3A_62 = arith.constant 64 : index
    %get3A_63 = vector.load %arg2[%get3A_61, %get3A_62] : memref<2048x768xf32, #tpu.memory_space<vmem>>, vector<1024x64xf32>
    %convert_element_type3A_64 = arith.truncf %get3A_63 : vector<1024x64xf32> to vector<1024x64xbf16>
    %mul3A_65 = arith.constant 1024 : i32
    %mul3A_66 = arith.muli %arg0, %mul3A_65 : i32
    %get3A_67 = arith.index_cast %mul3A_66 : i32 to index
    %get3A_68 = arith.constant 64 : index
    %get3A_69 = vector.load %arg3[%get3A_67, %get3A_68] : memref<2048x768xf32, #tpu.memory_space<vmem>>, vector<1024x64xf32>
    %dot_general3A_70 = arith.constant dense<0.000000e+00> : vector<1024x1024xf32>
    %dot_general3A_71 = tpu.matmul %convert_element_type3A_11, %convert_element_type3A_64, %dot_general3A_70 {dimension_numbers = #tpu.dot_dimension_numbers<[1], [1], [0], [0], [0, 0, 1, 0], [], []>, transpose_lhs_hint = false} : vector<1024x64xbf16>, vector<1024x64xbf16>, vector<1024x1024xf32> -> vector<1024x1024xf32>
    %jit3A_72 = arith.constant -3.40282347E+38 : f32
    %broadcast_in_dim3A_73 = vector.broadcast %jit3A_72 : f32 to vector<1024x1024xf32>
    %select_n3A_74 = arith.select %le3A, %dot_general3A_71, %broadcast_in_dim3A_73 : vector<1024x1024xi1>, vector<1024x1024xf32>
    %reduce_max3A_75 = arith.constant dense<0xFF800000> : vector<1024xf32>
    %reduce_max3A_76 = vector.multi_reduction <maximumf>, %select_n3A_74, %reduce_max3A_75 [1] : vector<1024x1024xf32> to vector<1024xf32>
    %broadcast_in_dim3A_77 = vector.shape_cast %reduce_max3A_76 : vector<1024xf32> to vector<1024x1xf32>
    %max3A_78 = arith.maximumf %while3A_32#3, %broadcast_in_dim3A_77 : vector<1024x1xf32>
    %sub3A_79 = vector.broadcast %max3A_78 : vector<1024x1xf32> to vector<1024x1024xf32>
    %sub3A_80 = arith.subf %select_n3A_74, %sub3A_79 : vector<1024x1024xf32>
    %exp3A_81 = math.exp %sub3A_80 : vector<1024x1024xf32>
    %sub3A_82 = arith.subf %while3A_32#3, %max3A_78 : vector<1024x1xf32>
    %exp3A_83 = math.exp %sub3A_82 : vector<1024x1xf32>
    %mul3A_84 = arith.mulf %while3A_32#4, %exp3A_83 : vector<1024x1xf32>
    %reduce_sum3A_85 = arith.constant dense<0.000000e+00> : vector<1024xf32>
    %reduce_sum3A_86 = vector.multi_reduction <add>, %exp3A_81, %reduce_sum3A_85 [1] : vector<1024x1024xf32> to vector<1024xf32>
    %broadcast_in_dim3A_87 = vector.shape_cast %reduce_sum3A_86 : vector<1024xf32> to vector<1024x1xf32>
    %add3A_88 = arith.addf %mul3A_84, %broadcast_in_dim3A_87 : vector<1024x1xf32>
    %mul3A_89 = vector.broadcast %exp3A_83 : vector<1024x1xf32> to vector<1024x64xf32>
    %mul3A_90 = arith.mulf %while3A_32#5, %mul3A_89 : vector<1024x64xf32>
    %dot_general3A_91 = arith.constant dense<0.000000e+00> : vector<1024x64xf32>
    %dot_general3A_92 = tpu.matmul %exp3A_81, %get3A_69, %dot_general3A_91 {dimension_numbers = #tpu.dot_dimension_numbers<[1], [0], [0], [1], [0, 0, 1, 1], [], []>, transpose_lhs_hint = false} : vector<1024x1024xf32>, vector<1024x64xf32>, vector<1024x64xf32> -> vector<1024x64xf32>
    %add3A_93 = arith.addf %mul3A_90, %dot_general3A_92 : vector<1024x64xf32>
    %div3A = vector.broadcast %add3A : vector<1024x1xf32> to vector<1024x64xf32>
    %div3A_94 = arith.divf %add3A_58, %div3A : vector<1024x64xf32>
    %div3A_95 = vector.broadcast %add3A_88 : vector<1024x1xf32> to vector<1024x64xf32>
    %div3A_96 = arith.divf %add3A_93, %div3A_95 : vector<1024x64xf32>
    %get3A_97 = arith.constant 0 : index
    %get3A_98 = arith.constant 128 : index
    %get3A_99 = vector.load %arg1[%get3A_97, %get3A_98] : memref<1024x768xf32, #tpu.memory_space<vmem>>, vector<1024x64xf32>
    %mul3A_100 = arith.constant 1.250000e-01 : f32
    %mul3A_101 = vector.broadcast %mul3A_100 : f32 to vector<1024x64xf32>
    %mul3A_102 = arith.mulf %get3A_99, %mul3A_101 : vector<1024x64xf32>
    %convert_element_type3A_103 = arith.truncf %mul3A_102 : vector<1024x64xf32> to vector<1024x64xbf16>
    %get3A_104 = arith.constant 0 : index
    %get3A_105 = arith.constant 192 : index
    %get3A_106 = vector.load %arg1[%get3A_104, %get3A_105] : memref<1024x768xf32, #tpu.memory_space<vmem>>, vector<1024x64xf32>
    %mul3A_107 = arith.constant 1.250000e-01 : f32
    %mul3A_108 = vector.broadcast %mul3A_107 : f32 to vector<1024x64xf32>
    %mul3A_109 = arith.mulf %get3A_106, %mul3A_108 : vector<1024x64xf32>
    %convert_element_type3A_110 = arith.truncf %mul3A_109 : vector<1024x64xf32> to vector<1024x64xbf16>
    %broadcast_in_dim3A_111 = arith.constant 0xFF800000 : f32
    %broadcast_in_dim3A_112 = vector.broadcast %broadcast_in_dim3A_111 : f32 to vector<1024x1xf32>
    %broadcast_in_dim3A_113 = arith.constant 0.000000e+00 : f32
    %broadcast_in_dim3A_114 = vector.broadcast %broadcast_in_dim3A_113 : f32 to vector<1024x1xf32>
    %broadcast_in_dim3A_115 = arith.constant 0.000000e+00 : f32
    %broadcast_in_dim3A_116 = vector.broadcast %broadcast_in_dim3A_115 : f32 to vector<1024x64xf32>
    %broadcast_in_dim3A_117 = arith.constant 0xFF800000 : f32
    %broadcast_in_dim3A_118 = vector.broadcast %broadcast_in_dim3A_117 : f32 to vector<1024x1xf32>
    %broadcast_in_dim3A_119 = arith.constant 0.000000e+00 : f32
    %broadcast_in_dim3A_120 = vector.broadcast %broadcast_in_dim3A_119 : f32 to vector<1024x1xf32>
    %broadcast_in_dim3A_121 = arith.constant 0.000000e+00 : f32
    %broadcast_in_dim3A_122 = vector.broadcast %broadcast_in_dim3A_121 : f32 to vector<1024x64xf32>
    %while3A_123 = arith.constant 0 : i32
    %while3A_124 = arith.subi %arg0, %while3A_123 : i32
    %while3A_125 = arith.addi %while3A_123, %while3A_124 : i32
    %while3A_126 = arith.constant 1 : i32
    %while3A_127 = arith.divsi %while3A_124, %while3A_126 : i32
    %while3A_128 = arith.muli %while3A_127, %while3A_126 : i32
    %while3A_129 = arith.addi %while3A_123, %while3A_128 : i32
    %while3A_130 = arith.constant 1 : i32
    %while3A_131:6 = scf.for %while3A_687 = %while3A_123 to %while3A_129 step %while3A_130 iter_args(%while3A_688 = %broadcast_in_dim3A_112, %while3A_689 = %broadcast_in_dim3A_114, %while3A_690 = %broadcast_in_dim3A_116, %while3A_691 = %broadcast_in_dim3A_118, %while3A_692 = %broadcast_in_dim3A_120, %while3A_693 = %broadcast_in_dim3A_122) -> (vector<1024x1xf32>, vector<1024x1xf32>, vector<1024x64xf32>, vector<1024x1xf32>, vector<1024x1xf32>, vector<1024x64xf32>)  : i32 {
      %mul3A_694 = arith.constant 1024 : i32
      %mul3A_695 = arith.muli %while3A_687, %mul3A_694 : i32
      %get3A_696 = arith.index_cast %mul3A_695 : i32 to index
      %get3A_697 = arith.constant 128 : index
      %get3A_698 = vector.load %arg2[%get3A_696, %get3A_697] : memref<2048x768xf32, #tpu.memory_space<vmem>>, vector<1024x64xf32>
      %convert_element_type3A_699 = arith.truncf %get3A_698 : vector<1024x64xf32> to vector<1024x64xbf16>
      %mul3A_700 = arith.constant 1024 : i32
      %mul3A_701 = arith.muli %while3A_687, %mul3A_700 : i32
      %get3A_702 = arith.index_cast %mul3A_701 : i32 to index
      %get3A_703 = arith.constant 128 : index
      %get3A_704 = vector.load %arg3[%get3A_702, %get3A_703] : memref<2048x768xf32, #tpu.memory_space<vmem>>, vector<1024x64xf32>
      %dot_general3A_705 = arith.constant dense<0.000000e+00> : vector<1024x1024xf32>
      %dot_general3A_706 = tpu.matmul %convert_element_type3A_103, %convert_element_type3A_699, %dot_general3A_705 {dimension_numbers = #tpu.dot_dimension_numbers<[1], [1], [0], [0], [0, 0, 1, 0], [], []>, transpose_lhs_hint = false} : vector<1024x64xbf16>, vector<1024x64xbf16>, vector<1024x1024xf32> -> vector<1024x1024xf32>
      %reduce_max3A_707 = arith.constant dense<0xFF800000> : vector<1024xf32>
      %reduce_max3A_708 = vector.multi_reduction <maximumf>, %dot_general3A_706, %reduce_max3A_707 [1] : vector<1024x1024xf32> to vector<1024xf32>
      %broadcast_in_dim3A_709 = vector.shape_cast %reduce_max3A_708 : vector<1024xf32> to vector<1024x1xf32>
      %max3A_710 = arith.maximumf %while3A_688, %broadcast_in_dim3A_709 : vector<1024x1xf32>
      %sub3A_711 = vector.broadcast %max3A_710 : vector<1024x1xf32> to vector<1024x1024xf32>
      %sub3A_712 = arith.subf %dot_general3A_706, %sub3A_711 : vector<1024x1024xf32>
      %exp3A_713 = math.exp %sub3A_712 : vector<1024x1024xf32>
      %sub3A_714 = arith.subf %while3A_688, %max3A_710 : vector<1024x1xf32>
      %exp3A_715 = math.exp %sub3A_714 : vector<1024x1xf32>
      %mul3A_716 = arith.mulf %while3A_689, %exp3A_715 : vector<1024x1xf32>
      %reduce_sum3A_717 = arith.constant dense<0.000000e+00> : vector<1024xf32>
      %reduce_sum3A_718 = vector.multi_reduction <add>, %exp3A_713, %reduce_sum3A_717 [1] : vector<1024x1024xf32> to vector<1024xf32>
      %broadcast_in_dim3A_719 = vector.shape_cast %reduce_sum3A_718 : vector<1024xf32> to vector<1024x1xf32>
      %add3A_720 = arith.addf %mul3A_716, %broadcast_in_dim3A_719 : vector<1024x1xf32>
      %mul3A_721 = vector.broadcast %exp3A_715 : vector<1024x1xf32> to vector<1024x64xf32>
      %mul3A_722 = arith.mulf %while3A_690, %mul3A_721 : vector<1024x64xf32>
      %dot_general3A_723 = arith.constant dense<0.000000e+00> : vector<1024x64xf32>
      %dot_general3A_724 = tpu.matmul %exp3A_713, %get3A_704, %dot_general3A_723 {dimension_numbers = #tpu.dot_dimension_numbers<[1], [0], [0], [1], [0, 0, 1, 1], [], []>, transpose_lhs_hint = false} : vector<1024x1024xf32>, vector<1024x64xf32>, vector<1024x64xf32> -> vector<1024x64xf32>
      %add3A_725 = arith.addf %mul3A_722, %dot_general3A_724 : vector<1024x64xf32>
      %mul3A_726 = arith.constant 1024 : i32
      %mul3A_727 = arith.muli %while3A_687, %mul3A_726 : i32
      %get3A_728 = arith.index_cast %mul3A_727 : i32 to index
      %get3A_729 = arith.constant 192 : index
      %get3A_730 = vector.load %arg2[%get3A_728, %get3A_729] : memref<2048x768xf32, #tpu.memory_space<vmem>>, vector<1024x64xf32>
      %convert_element_type3A_731 = arith.truncf %get3A_730 : vector<1024x64xf32> to vector<1024x64xbf16>
      %mul3A_732 = arith.constant 1024 : i32
      %mul3A_733 = arith.muli %while3A_687, %mul3A_732 : i32
      %get3A_734 = arith.index_cast %mul3A_733 : i32 to index
      %get3A_735 = arith.constant 192 : index
      %get3A_736 = vector.load %arg3[%get3A_734, %get3A_735] : memref<2048x768xf32, #tpu.memory_space<vmem>>, vector<1024x64xf32>
      %dot_general3A_737 = arith.constant dense<0.000000e+00> : vector<1024x1024xf32>
      %dot_general3A_738 = tpu.matmul %convert_element_type3A_110, %convert_element_type3A_731, %dot_general3A_737 {dimension_numbers = #tpu.dot_dimension_numbers<[1], [1], [0], [0], [0, 0, 1, 0], [], []>, transpose_lhs_hint = false} : vector<1024x64xbf16>, vector<1024x64xbf16>, vector<1024x1024xf32> -> vector<1024x1024xf32>
      %reduce_max3A_739 = arith.constant dense<0xFF800000> : vector<1024xf32>
      %reduce_max3A_740 = vector.multi_reduction <maximumf>, %dot_general3A_738, %reduce_max3A_739 [1] : vector<1024x1024xf32> to vector<1024xf32>
      %broadcast_in_dim3A_741 = vector.shape_cast %reduce_max3A_740 : vector<1024xf32> to vector<1024x1xf32>
      %max3A_742 = arith.maximumf %while3A_691, %broadcast_in_dim3A_741 : vector<1024x1xf32>
      %sub3A_743 = vector.broadcast %max3A_742 : vector<1024x1xf32> to vector<1024x1024xf32>
      %sub3A_744 = arith.subf %dot_general3A_738, %sub3A_743 : vector<1024x1024xf32>
      %exp3A_745 = math.exp %sub3A_744 : vector<1024x1024xf32>
      %sub3A_746 = arith.subf %while3A_691, %max3A_742 : vector<1024x1xf32>
      %exp3A_747 = math.exp %sub3A_746 : vector<1024x1xf32>
      %mul3A_748 = arith.mulf %while3A_692, %exp3A_747 : vector<1024x1xf32>
      %reduce_sum3A_749 = arith.constant dense<0.000000e+00> : vector<1024xf32>
      %reduce_sum3A_750 = vector.multi_reduction <add>, %exp3A_745, %reduce_sum3A_749 [1] : vector<1024x1024xf32> to vector<1024xf32>
      %broadcast_in_dim3A_751 = vector.shape_cast %reduce_sum3A_750 : vector<1024xf32> to vector<1024x1xf32>
      %add3A_752 = arith.addf %mul3A_748, %broadcast_in_dim3A_751 : vector<1024x1xf32>
      %mul3A_753 = vector.broadcast %exp3A_747 : vector<1024x1xf32> to vector<1024x64xf32>
      %mul3A_754 = arith.mulf %while3A_693, %mul3A_753 : vector<1024x64xf32>
      %dot_general3A_755 = arith.constant dense<0.000000e+00> : vector<1024x64xf32>
      %dot_general3A_756 = tpu.matmul %exp3A_745, %get3A_736, %dot_general3A_755 {dimension_numbers = #tpu.dot_dimension_numbers<[1], [0], [0], [1], [0, 0, 1, 1], [], []>, transpose_lhs_hint = false} : vector<1024x1024xf32>, vector<1024x64xf32>, vector<1024x64xf32> -> vector<1024x64xf32>
      %add3A_757 = arith.addf %mul3A_754, %dot_general3A_756 : vector<1024x64xf32>
      scf.yield %max3A_710, %add3A_720, %add3A_725, %max3A_742, %add3A_752, %add3A_757 : vector<1024x1xf32>, vector<1024x1xf32>, vector<1024x64xf32>, vector<1024x1xf32>, vector<1024x1xf32>, vector<1024x64xf32>
    }
    %while3A_132 = arith.constant 1 : i32
    %while3A_133:6 = scf.for %while3A_687 = %while3A_129 to %while3A_125 step %while3A_132 iter_args(%while3A_688 = %while3A_131#0, %while3A_689 = %while3A_131#1, %while3A_690 = %while3A_131#2, %while3A_691 = %while3A_131#3, %while3A_692 = %while3A_131#4, %while3A_693 = %while3A_131#5) -> (vector<1024x1xf32>, vector<1024x1xf32>, vector<1024x64xf32>, vector<1024x1xf32>, vector<1024x1xf32>, vector<1024x64xf32>)  : i32 {
      %mul3A_694 = arith.constant 1024 : i32
      %mul3A_695 = arith.muli %while3A_687, %mul3A_694 : i32
      %get3A_696 = arith.index_cast %mul3A_695 : i32 to index
      %get3A_697 = arith.constant 128 : index
      %get3A_698 = vector.load %arg2[%get3A_696, %get3A_697] : memref<2048x768xf32, #tpu.memory_space<vmem>>, vector<1024x64xf32>
      %convert_element_type3A_699 = arith.truncf %get3A_698 : vector<1024x64xf32> to vector<1024x64xbf16>
      %mul3A_700 = arith.constant 1024 : i32
      %mul3A_701 = arith.muli %while3A_687, %mul3A_700 : i32
      %get3A_702 = arith.index_cast %mul3A_701 : i32 to index
      %get3A_703 = arith.constant 128 : index
      %get3A_704 = vector.load %arg3[%get3A_702, %get3A_703] : memref<2048x768xf32, #tpu.memory_space<vmem>>, vector<1024x64xf32>
      %dot_general3A_705 = arith.constant dense<0.000000e+00> : vector<1024x1024xf32>
      %dot_general3A_706 = tpu.matmul %convert_element_type3A_103, %convert_element_type3A_699, %dot_general3A_705 {dimension_numbers = #tpu.dot_dimension_numbers<[1], [1], [0], [0], [0, 0, 1, 0], [], []>, transpose_lhs_hint = false} : vector<1024x64xbf16>, vector<1024x64xbf16>, vector<1024x1024xf32> -> vector<1024x1024xf32>
      %reduce_max3A_707 = arith.constant dense<0xFF800000> : vector<1024xf32>
      %reduce_max3A_708 = vector.multi_reduction <maximumf>, %dot_general3A_706, %reduce_max3A_707 [1] : vector<1024x1024xf32> to vector<1024xf32>
      %broadcast_in_dim3A_709 = vector.shape_cast %reduce_max3A_708 : vector<1024xf32> to vector<1024x1xf32>
      %max3A_710 = arith.maximumf %while3A_688, %broadcast_in_dim3A_709 : vector<1024x1xf32>
      %sub3A_711 = vector.broadcast %max3A_710 : vector<1024x1xf32> to vector<1024x1024xf32>
      %sub3A_712 = arith.subf %dot_general3A_706, %sub3A_711 : vector<1024x1024xf32>
      %exp3A_713 = math.exp %sub3A_712 : vector<1024x1024xf32>
      %sub3A_714 = arith.subf %while3A_688, %max3A_710 : vector<1024x1xf32>
      %exp3A_715 = math.exp %sub3A_714 : vector<1024x1xf32>
      %mul3A_716 = arith.mulf %while3A_689, %exp3A_715 : vector<1024x1xf32>
      %reduce_sum3A_717 = arith.constant dense<0.000000e+00> : vector<1024xf32>
      %reduce_sum3A_718 = vector.multi_reduction <add>, %exp3A_713, %reduce_sum3A_717 [1] : vector<1024x1024xf32> to vector<1024xf32>
      %broadcast_in_dim3A_719 = vector.shape_cast %reduce_sum3A_718 : vector<1024xf32> to vector<1024x1xf32>
      %add3A_720 = arith.addf %mul3A_716, %broadcast_in_dim3A_719 : vector<1024x1xf32>
      %mul3A_721 = vector.broadcast %exp3A_715 : vector<1024x1xf32> to vector<1024x64xf32>
      %mul3A_722 = arith.mulf %while3A_690, %mul3A_721 : vector<1024x64xf32>
      %dot_general3A_723 = arith.constant dense<0.000000e+00> : vector<1024x64xf32>
      %dot_general3A_724 = tpu.matmul %exp3A_713, %get3A_704, %dot_general3A_723 {dimension_numbers = #tpu.dot_dimension_numbers<[1], [0], [0], [1], [0, 0, 1, 1], [], []>, transpose_lhs_hint = false} : vector<1024x1024xf32>, vector<1024x64xf32>, vector<1024x64xf32> -> vector<1024x64xf32>
      %add3A_725 = arith.addf %mul3A_722, %dot_general3A_724 : vector<1024x64xf32>
      %mul3A_726 = arith.constant 1024 : i32
      %mul3A_727 = arith.muli %while3A_687, %mul3A_726 : i32
      %get3A_728 = arith.index_cast %mul3A_727 : i32 to index
      %get3A_729 = arith.constant 192 : index
      %get3A_730 = vector.load %arg2[%get3A_728, %get3A_729] : memref<2048x768xf32, #tpu.memory_space<vmem>>, vector<1024x64xf32>
      %convert_element_type3A_731 = arith.truncf %get3A_730 : vector<1024x64xf32> to vector<1024x64xbf16>
      %mul3A_732 = arith.constant 1024 : i32
      %mul3A_733 = arith.muli %while3A_687, %mul3A_732 : i32
      %get3A_734 = arith.index_cast %mul3A_733 : i32 to index
      %get3A_735 = arith.constant 192 : index
      %get3A_736 = vector.load %arg3[%get3A_734, %get3A_735] : memref<2048x768xf32, #tpu.memory_space<vmem>>, vector<1024x64xf32>
      %dot_general3A_737 = arith.constant dense<0.000000e+00> : vector<1024x1024xf32>
      %dot_general3A_738 = tpu.matmul %convert_element_type3A_110, %convert_element_type3A_731, %dot_general3A_737 {dimension_numbers = #tpu.dot_dimension_numbers<[1], [1], [0], [0], [0, 0, 1, 0], [], []>, transpose_lhs_hint = false} : vector<1024x64xbf16>, vector<1024x64xbf16>, vector<1024x1024xf32> -> vector<1024x1024xf32>
      %reduce_max3A_739 = arith.constant dense<0xFF800000> : vector<1024xf32>
      %reduce_max3A_740 = vector.multi_reduction <maximumf>, %dot_general3A_738, %reduce_max3A_739 [1] : vector<1024x1024xf32> to vector<1024xf32>
      %broadcast_in_dim3A_741 = vector.shape_cast %reduce_max3A_740 : vector<1024xf32> to vector<1024x1xf32>
      %max3A_742 = arith.maximumf %while3A_691, %broadcast_in_dim3A_741 : vector<1024x1xf32>
      %sub3A_743 = vector.broadcast %max3A_742 : vector<1024x1xf32> to vector<1024x1024xf32>
      %sub3A_744 = arith.subf %dot_general3A_738, %sub3A_743 : vector<1024x1024xf32>
      %exp3A_745 = math.exp %sub3A_744 : vector<1024x1024xf32>
      %sub3A_746 = arith.subf %while3A_691, %max3A_742 : vector<1024x1xf32>
      %exp3A_747 = math.exp %sub3A_746 : vector<1024x1xf32>
      %mul3A_748 = arith.mulf %while3A_692, %exp3A_747 : vector<1024x1xf32>
      %reduce_sum3A_749 = arith.constant dense<0.000000e+00> : vector<1024xf32>
      %reduce_sum3A_750 = vector.multi_reduction <add>, %exp3A_745, %reduce_sum3A_749 [1] : vector<1024x1024xf32> to vector<1024xf32>
      %broadcast_in_dim3A_751 = vector.shape_cast %reduce_sum3A_750 : vector<1024xf32> to vector<1024x1xf32>
      %add3A_752 = arith.addf %mul3A_748, %broadcast_in_dim3A_751 : vector<1024x1xf32>
      %mul3A_753 = vector.broadcast %exp3A_747 : vector<1024x1xf32> to vector<1024x64xf32>
      %mul3A_754 = arith.mulf %while3A_693, %mul3A_753 : vector<1024x64xf32>
      %dot_general3A_755 = arith.constant dense<0.000000e+00> : vector<1024x64xf32>
      %dot_general3A_756 = tpu.matmul %exp3A_745, %get3A_736, %dot_general3A_755 {dimension_numbers = #tpu.dot_dimension_numbers<[1], [0], [0], [1], [0, 0, 1, 1], [], []>, transpose_lhs_hint = false} : vector<1024x1024xf32>, vector<1024x64xf32>, vector<1024x64xf32> -> vector<1024x64xf32>
      %add3A_757 = arith.addf %mul3A_754, %dot_general3A_756 : vector<1024x64xf32>
      scf.yield %max3A_710, %add3A_720, %add3A_725, %max3A_742, %add3A_752, %add3A_757 : vector<1024x1xf32>, vector<1024x1xf32>, vector<1024x64xf32>, vector<1024x1xf32>, vector<1024x1xf32>, vector<1024x64xf32>
    }
    %mul3A_134 = arith.constant 1024 : i32
    %mul3A_135 = arith.muli %arg0, %mul3A_134 : i32
    %get3A_136 = arith.index_cast %mul3A_135 : i32 to index
    %get3A_137 = arith.constant 128 : index
    %get3A_138 = vector.load %arg2[%get3A_136, %get3A_137] : memref<2048x768xf32, #tpu.memory_space<vmem>>, vector<1024x64xf32>
    %convert_element_type3A_139 = arith.truncf %get3A_138 : vector<1024x64xf32> to vector<1024x64xbf16>
    %mul3A_140 = arith.constant 1024 : i32
    %mul3A_141 = arith.muli %arg0, %mul3A_140 : i32
    %get3A_142 = arith.index_cast %mul3A_141 : i32 to index
    %get3A_143 = arith.constant 128 : index
    %get3A_144 = vector.load %arg3[%get3A_142, %get3A_143] : memref<2048x768xf32, #tpu.memory_space<vmem>>, vector<1024x64xf32>
    %dot_general3A_145 = arith.constant dense<0.000000e+00> : vector<1024x1024xf32>
    %dot_general3A_146 = tpu.matmul %convert_element_type3A_103, %convert_element_type3A_139, %dot_general3A_145 {dimension_numbers = #tpu.dot_dimension_numbers<[1], [1], [0], [0], [0, 0, 1, 0], [], []>, transpose_lhs_hint = false} : vector<1024x64xbf16>, vector<1024x64xbf16>, vector<1024x1024xf32> -> vector<1024x1024xf32>
    %jit3A_147 = arith.constant -3.40282347E+38 : f32
    %broadcast_in_dim3A_148 = vector.broadcast %jit3A_147 : f32 to vector<1024x1024xf32>
    %select_n3A_149 = arith.select %le3A, %dot_general3A_146, %broadcast_in_dim3A_148 : vector<1024x1024xi1>, vector<1024x1024xf32>
    %reduce_max3A_150 = arith.constant dense<0xFF800000> : vector<1024xf32>
    %reduce_max3A_151 = vector.multi_reduction <maximumf>, %select_n3A_149, %reduce_max3A_150 [1] : vector<1024x1024xf32> to vector<1024xf32>
    %broadcast_in_dim3A_152 = vector.shape_cast %reduce_max3A_151 : vector<1024xf32> to vector<1024x1xf32>
    %max3A_153 = arith.maximumf %while3A_133#0, %broadcast_in_dim3A_152 : vector<1024x1xf32>
    %sub3A_154 = vector.broadcast %max3A_153 : vector<1024x1xf32> to vector<1024x1024xf32>
    %sub3A_155 = arith.subf %select_n3A_149, %sub3A_154 : vector<1024x1024xf32>
    %exp3A_156 = math.exp %sub3A_155 : vector<1024x1024xf32>
    %sub3A_157 = arith.subf %while3A_133#0, %max3A_153 : vector<1024x1xf32>
    %exp3A_158 = math.exp %sub3A_157 : vector<1024x1xf32>
    %mul3A_159 = arith.mulf %while3A_133#1, %exp3A_158 : vector<1024x1xf32>
    %reduce_sum3A_160 = arith.constant dense<0.000000e+00> : vector<1024xf32>
    %reduce_sum3A_161 = vector.multi_reduction <add>, %exp3A_156, %reduce_sum3A_160 [1] : vector<1024x1024xf32> to vector<1024xf32>
    %broadcast_in_dim3A_162 = vector.shape_cast %reduce_sum3A_161 : vector<1024xf32> to vector<1024x1xf32>
    %add3A_163 = arith.addf %mul3A_159, %broadcast_in_dim3A_162 : vector<1024x1xf32>
    %mul3A_164 = vector.broadcast %exp3A_158 : vector<1024x1xf32> to vector<1024x64xf32>
    %mul3A_165 = arith.mulf %while3A_133#2, %mul3A_164 : vector<1024x64xf32>
    %dot_general3A_166 = arith.constant dense<0.000000e+00> : vector<1024x64xf32>
    %dot_general3A_167 = tpu.matmul %exp3A_156, %get3A_144, %dot_general3A_166 {dimension_numbers = #tpu.dot_dimension_numbers<[1], [0], [0], [1], [0, 0, 1, 1], [], []>, transpose_lhs_hint = false} : vector<1024x1024xf32>, vector<1024x64xf32>, vector<1024x64xf32> -> vector<1024x64xf32>
    %add3A_168 = arith.addf %mul3A_165, %dot_general3A_167 : vector<1024x64xf32>
    %mul3A_169 = arith.constant 1024 : i32
    %mul3A_170 = arith.muli %arg0, %mul3A_169 : i32
    %get3A_171 = arith.index_cast %mul3A_170 : i32 to index
    %get3A_172 = arith.constant 192 : index
    %get3A_173 = vector.load %arg2[%get3A_171, %get3A_172] : memref<2048x768xf32, #tpu.memory_space<vmem>>, vector<1024x64xf32>
    %convert_element_type3A_174 = arith.truncf %get3A_173 : vector<1024x64xf32> to vector<1024x64xbf16>
    %mul3A_175 = arith.constant 1024 : i32
    %mul3A_176 = arith.muli %arg0, %mul3A_175 : i32
    %get3A_177 = arith.index_cast %mul3A_176 : i32 to index
    %get3A_178 = arith.constant 192 : index
    %get3A_179 = vector.load %arg3[%get3A_177, %get3A_178] : memref<2048x768xf32, #tpu.memory_space<vmem>>, vector<1024x64xf32>
    %dot_general3A_180 = arith.constant dense<0.000000e+00> : vector<1024x1024xf32>
    %dot_general3A_181 = tpu.matmul %convert_element_type3A_110, %convert_element_type3A_174, %dot_general3A_180 {dimension_numbers = #tpu.dot_dimension_numbers<[1], [1], [0], [0], [0, 0, 1, 0], [], []>, transpose_lhs_hint = false} : vector<1024x64xbf16>, vector<1024x64xbf16>, vector<1024x1024xf32> -> vector<1024x1024xf32>
    %jit3A_182 = arith.constant -3.40282347E+38 : f32
    %broadcast_in_dim3A_183 = vector.broadcast %jit3A_182 : f32 to vector<1024x1024xf32>
    %select_n3A_184 = arith.select %le3A, %dot_general3A_181, %broadcast_in_dim3A_183 : vector<1024x1024xi1>, vector<1024x1024xf32>
    %reduce_max3A_185 = arith.constant dense<0xFF800000> : vector<1024xf32>
    %reduce_max3A_186 = vector.multi_reduction <maximumf>, %select_n3A_184, %reduce_max3A_185 [1] : vector<1024x1024xf32> to vector<1024xf32>
    %broadcast_in_dim3A_187 = vector.shape_cast %reduce_max3A_186 : vector<1024xf32> to vector<1024x1xf32>
    %max3A_188 = arith.maximumf %while3A_133#3, %broadcast_in_dim3A_187 : vector<1024x1xf32>
    %sub3A_189 = vector.broadcast %max3A_188 : vector<1024x1xf32> to vector<1024x1024xf32>
    %sub3A_190 = arith.subf %select_n3A_184, %sub3A_189 : vector<1024x1024xf32>
    %exp3A_191 = math.exp %sub3A_190 : vector<1024x1024xf32>
    %sub3A_192 = arith.subf %while3A_133#3, %max3A_188 : vector<1024x1xf32>
    %exp3A_193 = math.exp %sub3A_192 : vector<1024x1xf32>
    %mul3A_194 = arith.mulf %while3A_133#4, %exp3A_193 : vector<1024x1xf32>
    %reduce_sum3A_195 = arith.constant dense<0.000000e+00> : vector<1024xf32>
    %reduce_sum3A_196 = vector.multi_reduction <add>, %exp3A_191, %reduce_sum3A_195 [1] : vector<1024x1024xf32> to vector<1024xf32>
    %broadcast_in_dim3A_197 = vector.shape_cast %reduce_sum3A_196 : vector<1024xf32> to vector<1024x1xf32>
    %add3A_198 = arith.addf %mul3A_194, %broadcast_in_dim3A_197 : vector<1024x1xf32>
    %mul3A_199 = vector.broadcast %exp3A_193 : vector<1024x1xf32> to vector<1024x64xf32>
    %mul3A_200 = arith.mulf %while3A_133#5, %mul3A_199 : vector<1024x64xf32>
    %dot_general3A_201 = arith.constant dense<0.000000e+00> : vector<1024x64xf32>
    %dot_general3A_202 = tpu.matmul %exp3A_191, %get3A_179, %dot_general3A_201 {dimension_numbers = #tpu.dot_dimension_numbers<[1], [0], [0], [1], [0, 0, 1, 1], [], []>, transpose_lhs_hint = false} : vector<1024x1024xf32>, vector<1024x64xf32>, vector<1024x64xf32> -> vector<1024x64xf32>
    %add3A_203 = arith.addf %mul3A_200, %dot_general3A_202 : vector<1024x64xf32>
    %div3A_204 = vector.broadcast %add3A_163 : vector<1024x1xf32> to vector<1024x64xf32>
    %div3A_205 = arith.divf %add3A_168, %div3A_204 : vector<1024x64xf32>
    %div3A_206 = vector.broadcast %add3A_198 : vector<1024x1xf32> to vector<1024x64xf32>
    %div3A_207 = arith.divf %add3A_203, %div3A_206 : vector<1024x64xf32>
    %get3A_208 = arith.constant 0 : index
    %get3A_209 = arith.constant 256 : index
    %get3A_210 = vector.load %arg1[%get3A_208, %get3A_209] : memref<1024x768xf32, #tpu.memory_space<vmem>>, vector<1024x64xf32>
    %mul3A_211 = arith.constant 1.250000e-01 : f32
    %mul3A_212 = vector.broadcast %mul3A_211 : f32 to vector<1024x64xf32>
    %mul3A_213 = arith.mulf %get3A_210, %mul3A_212 : vector<1024x64xf32>
    %convert_element_type3A_214 = arith.truncf %mul3A_213 : vector<1024x64xf32> to vector<1024x64xbf16>
    %get3A_215 = arith.constant 0 : index
    %get3A_216 = arith.constant 320 : index
    %get3A_217 = vector.load %arg1[%get3A_215, %get3A_216] : memref<1024x768xf32, #tpu.memory_space<vmem>>, vector<1024x64xf32>
    %mul3A_218 = arith.constant 1.250000e-01 : f32
    %mul3A_219 = vector.broadcast %mul3A_218 : f32 to vector<1024x64xf32>
    %mul3A_220 = arith.mulf %get3A_217, %mul3A_219 : vector<1024x64xf32>
    %convert_element_type3A_221 = arith.truncf %mul3A_220 : vector<1024x64xf32> to vector<1024x64xbf16>
    %broadcast_in_dim3A_222 = arith.constant 0xFF800000 : f32
    %broadcast_in_dim3A_223 = vector.broadcast %broadcast_in_dim3A_222 : f32 to vector<1024x1xf32>
    %broadcast_in_dim3A_224 = arith.constant 0.000000e+00 : f32
    %broadcast_in_dim3A_225 = vector.broadcast %broadcast_in_dim3A_224 : f32 to vector<1024x1xf32>
    %broadcast_in_dim3A_226 = arith.constant 0.000000e+00 : f32
    %broadcast_in_dim3A_227 = vector.broadcast %broadcast_in_dim3A_226 : f32 to vector<1024x64xf32>
    %broadcast_in_dim3A_228 = arith.constant 0xFF800000 : f32
    %broadcast_in_dim3A_229 = vector.broadcast %broadcast_in_dim3A_228 : f32 to vector<1024x1xf32>
    %broadcast_in_dim3A_230 = arith.constant 0.000000e+00 : f32
    %broadcast_in_dim3A_231 = vector.broadcast %broadcast_in_dim3A_230 : f32 to vector<1024x1xf32>
    %broadcast_in_dim3A_232 = arith.constant 0.000000e+00 : f32
    %broadcast_in_dim3A_233 = vector.broadcast %broadcast_in_dim3A_232 : f32 to vector<1024x64xf32>
    %while3A_234 = arith.constant 0 : i32
    %while3A_235 = arith.subi %arg0, %while3A_234 : i32
    %while3A_236 = arith.addi %while3A_234, %while3A_235 : i32
    %while3A_237 = arith.constant 1 : i32
    %while3A_238 = arith.divsi %while3A_235, %while3A_237 : i32
    %while3A_239 = arith.muli %while3A_238, %while3A_237 : i32
    %while3A_240 = arith.addi %while3A_234, %while3A_239 : i32
    %while3A_241 = arith.constant 1 : i32
    %while3A_242:6 = scf.for %while3A_687 = %while3A_234 to %while3A_240 step %while3A_241 iter_args(%while3A_688 = %broadcast_in_dim3A_223, %while3A_689 = %broadcast_in_dim3A_225, %while3A_690 = %broadcast_in_dim3A_227, %while3A_691 = %broadcast_in_dim3A_229, %while3A_692 = %broadcast_in_dim3A_231, %while3A_693 = %broadcast_in_dim3A_233) -> (vector<1024x1xf32>, vector<1024x1xf32>, vector<1024x64xf32>, vector<1024x1xf32>, vector<1024x1xf32>, vector<1024x64xf32>)  : i32 {
      %mul3A_694 = arith.constant 1024 : i32
      %mul3A_695 = arith.muli %while3A_687, %mul3A_694 : i32
      %get3A_696 = arith.index_cast %mul3A_695 : i32 to index
      %get3A_697 = arith.constant 256 : index
      %get3A_698 = vector.load %arg2[%get3A_696, %get3A_697] : memref<2048x768xf32, #tpu.memory_space<vmem>>, vector<1024x64xf32>
      %convert_element_type3A_699 = arith.truncf %get3A_698 : vector<1024x64xf32> to vector<1024x64xbf16>
      %mul3A_700 = arith.constant 1024 : i32
      %mul3A_701 = arith.muli %while3A_687, %mul3A_700 : i32
      %get3A_702 = arith.index_cast %mul3A_701 : i32 to index
      %get3A_703 = arith.constant 256 : index
      %get3A_704 = vector.load %arg3[%get3A_702, %get3A_703] : memref<2048x768xf32, #tpu.memory_space<vmem>>, vector<1024x64xf32>
      %dot_general3A_705 = arith.constant dense<0.000000e+00> : vector<1024x1024xf32>
      %dot_general3A_706 = tpu.matmul %convert_element_type3A_214, %convert_element_type3A_699, %dot_general3A_705 {dimension_numbers = #tpu.dot_dimension_numbers<[1], [1], [0], [0], [0, 0, 1, 0], [], []>, transpose_lhs_hint = false} : vector<1024x64xbf16>, vector<1024x64xbf16>, vector<1024x1024xf32> -> vector<1024x1024xf32>
      %reduce_max3A_707 = arith.constant dense<0xFF800000> : vector<1024xf32>
      %reduce_max3A_708 = vector.multi_reduction <maximumf>, %dot_general3A_706, %reduce_max3A_707 [1] : vector<1024x1024xf32> to vector<1024xf32>
      %broadcast_in_dim3A_709 = vector.shape_cast %reduce_max3A_708 : vector<1024xf32> to vector<1024x1xf32>
      %max3A_710 = arith.maximumf %while3A_688, %broadcast_in_dim3A_709 : vector<1024x1xf32>
      %sub3A_711 = vector.broadcast %max3A_710 : vector<1024x1xf32> to vector<1024x1024xf32>
      %sub3A_712 = arith.subf %dot_general3A_706, %sub3A_711 : vector<1024x1024xf32>
      %exp3A_713 = math.exp %sub3A_712 : vector<1024x1024xf32>
      %sub3A_714 = arith.subf %while3A_688, %max3A_710 : vector<1024x1xf32>
      %exp3A_715 = math.exp %sub3A_714 : vector<1024x1xf32>
      %mul3A_716 = arith.mulf %while3A_689, %exp3A_715 : vector<1024x1xf32>
      %reduce_sum3A_717 = arith.constant dense<0.000000e+00> : vector<1024xf32>
      %reduce_sum3A_718 = vector.multi_reduction <add>, %exp3A_713, %reduce_sum3A_717 [1] : vector<1024x1024xf32> to vector<1024xf32>
      %broadcast_in_dim3A_719 = vector.shape_cast %reduce_sum3A_718 : vector<1024xf32> to vector<1024x1xf32>
      %add3A_720 = arith.addf %mul3A_716, %broadcast_in_dim3A_719 : vector<1024x1xf32>
      %mul3A_721 = vector.broadcast %exp3A_715 : vector<1024x1xf32> to vector<1024x64xf32>
      %mul3A_722 = arith.mulf %while3A_690, %mul3A_721 : vector<1024x64xf32>
      %dot_general3A_723 = arith.constant dense<0.000000e+00> : vector<1024x64xf32>
      %dot_general3A_724 = tpu.matmul %exp3A_713, %get3A_704, %dot_general3A_723 {dimension_numbers = #tpu.dot_dimension_numbers<[1], [0], [0], [1], [0, 0, 1, 1], [], []>, transpose_lhs_hint = false} : vector<1024x1024xf32>, vector<1024x64xf32>, vector<1024x64xf32> -> vector<1024x64xf32>
      %add3A_725 = arith.addf %mul3A_722, %dot_general3A_724 : vector<1024x64xf32>
      %mul3A_726 = arith.constant 1024 : i32
      %mul3A_727 = arith.muli %while3A_687, %mul3A_726 : i32
      %get3A_728 = arith.index_cast %mul3A_727 : i32 to index
      %get3A_729 = arith.constant 320 : index
      %get3A_730 = vector.load %arg2[%get3A_728, %get3A_729] : memref<2048x768xf32, #tpu.memory_space<vmem>>, vector<1024x64xf32>
      %convert_element_type3A_731 = arith.truncf %get3A_730 : vector<1024x64xf32> to vector<1024x64xbf16>
      %mul3A_732 = arith.constant 1024 : i32
      %mul3A_733 = arith.muli %while3A_687, %mul3A_732 : i32
      %get3A_734 = arith.index_cast %mul3A_733 : i32 to index
      %get3A_735 = arith.constant 320 : index
      %get3A_736 = vector.load %arg3[%get3A_734, %get3A_735] : memref<2048x768xf32, #tpu.memory_space<vmem>>, vector<1024x64xf32>
      %dot_general3A_737 = arith.constant dense<0.000000e+00> : vector<1024x1024xf32>
      %dot_general3A_738 = tpu.matmul %convert_element_type3A_221, %convert_element_type3A_731, %dot_general3A_737 {dimension_numbers = #tpu.dot_dimension_numbers<[1], [1], [0], [0], [0, 0, 1, 0], [], []>, transpose_lhs_hint = false} : vector<1024x64xbf16>, vector<1024x64xbf16>, vector<1024x1024xf32> -> vector<1024x1024xf32>
      %reduce_max3A_739 = arith.constant dense<0xFF800000> : vector<1024xf32>
      %reduce_max3A_740 = vector.multi_reduction <maximumf>, %dot_general3A_738, %reduce_max3A_739 [1] : vector<1024x1024xf32> to vector<1024xf32>
      %broadcast_in_dim3A_741 = vector.shape_cast %reduce_max3A_740 : vector<1024xf32> to vector<1024x1xf32>
      %max3A_742 = arith.maximumf %while3A_691, %broadcast_in_dim3A_741 : vector<1024x1xf32>
      %sub3A_743 = vector.broadcast %max3A_742 : vector<1024x1xf32> to vector<1024x1024xf32>
      %sub3A_744 = arith.subf %dot_general3A_738, %sub3A_743 : vector<1024x1024xf32>
      %exp3A_745 = math.exp %sub3A_744 : vector<1024x1024xf32>
      %sub3A_746 = arith.subf %while3A_691, %max3A_742 : vector<1024x1xf32>
      %exp3A_747 = math.exp %sub3A_746 : vector<1024x1xf32>
      %mul3A_748 = arith.mulf %while3A_692, %exp3A_747 : vector<1024x1xf32>
      %reduce_sum3A_749 = arith.constant dense<0.000000e+00> : vector<1024xf32>
      %reduce_sum3A_750 = vector.multi_reduction <add>, %exp3A_745, %reduce_sum3A_749 [1] : vector<1024x1024xf32> to vector<1024xf32>
      %broadcast_in_dim3A_751 = vector.shape_cast %reduce_sum3A_750 : vector<1024xf32> to vector<1024x1xf32>
      %add3A_752 = arith.addf %mul3A_748, %broadcast_in_dim3A_751 : vector<1024x1xf32>
      %mul3A_753 = vector.broadcast %exp3A_747 : vector<1024x1xf32> to vector<1024x64xf32>
      %mul3A_754 = arith.mulf %while3A_693, %mul3A_753 : vector<1024x64xf32>
      %dot_general3A_755 = arith.constant dense<0.000000e+00> : vector<1024x64xf32>
      %dot_general3A_756 = tpu.matmul %exp3A_745, %get3A_736, %dot_general3A_755 {dimension_numbers = #tpu.dot_dimension_numbers<[1], [0], [0], [1], [0, 0, 1, 1], [], []>, transpose_lhs_hint = false} : vector<1024x1024xf32>, vector<1024x64xf32>, vector<1024x64xf32> -> vector<1024x64xf32>
      %add3A_757 = arith.addf %mul3A_754, %dot_general3A_756 : vector<1024x64xf32>
      scf.yield %max3A_710, %add3A_720, %add3A_725, %max3A_742, %add3A_752, %add3A_757 : vector<1024x1xf32>, vector<1024x1xf32>, vector<1024x64xf32>, vector<1024x1xf32>, vector<1024x1xf32>, vector<1024x64xf32>
    }
    %while3A_243 = arith.constant 1 : i32
    %while3A_244:6 = scf.for %while3A_687 = %while3A_240 to %while3A_236 step %while3A_243 iter_args(%while3A_688 = %while3A_242#0, %while3A_689 = %while3A_242#1, %while3A_690 = %while3A_242#2, %while3A_691 = %while3A_242#3, %while3A_692 = %while3A_242#4, %while3A_693 = %while3A_242#5) -> (vector<1024x1xf32>, vector<1024x1xf32>, vector<1024x64xf32>, vector<1024x1xf32>, vector<1024x1xf32>, vector<1024x64xf32>)  : i32 {
      %mul3A_694 = arith.constant 1024 : i32
      %mul3A_695 = arith.muli %while3A_687, %mul3A_694 : i32
      %get3A_696 = arith.index_cast %mul3A_695 : i32 to index
      %get3A_697 = arith.constant 256 : index
      %get3A_698 = vector.load %arg2[%get3A_696, %get3A_697] : memref<2048x768xf32, #tpu.memory_space<vmem>>, vector<1024x64xf32>
      %convert_element_type3A_699 = arith.truncf %get3A_698 : vector<1024x64xf32> to vector<1024x64xbf16>
      %mul3A_700 = arith.constant 1024 : i32
      %mul3A_701 = arith.muli %while3A_687, %mul3A_700 : i32
      %get3A_702 = arith.index_cast %mul3A_701 : i32 to index
      %get3A_703 = arith.constant 256 : index
      %get3A_704 = vector.load %arg3[%get3A_702, %get3A_703] : memref<2048x768xf32, #tpu.memory_space<vmem>>, vector<1024x64xf32>
      %dot_general3A_705 = arith.constant dense<0.000000e+00> : vector<1024x1024xf32>
      %dot_general3A_706 = tpu.matmul %convert_element_type3A_214, %convert_element_type3A_699, %dot_general3A_705 {dimension_numbers = #tpu.dot_dimension_numbers<[1], [1], [0], [0], [0, 0, 1, 0], [], []>, transpose_lhs_hint = false} : vector<1024x64xbf16>, vector<1024x64xbf16>, vector<1024x1024xf32> -> vector<1024x1024xf32>
      %reduce_max3A_707 = arith.constant dense<0xFF800000> : vector<1024xf32>
      %reduce_max3A_708 = vector.multi_reduction <maximumf>, %dot_general3A_706, %reduce_max3A_707 [1] : vector<1024x1024xf32> to vector<1024xf32>
      %broadcast_in_dim3A_709 = vector.shape_cast %reduce_max3A_708 : vector<1024xf32> to vector<1024x1xf32>
      %max3A_710 = arith.maximumf %while3A_688, %broadcast_in_dim3A_709 : vector<1024x1xf32>
      %sub3A_711 = vector.broadcast %max3A_710 : vector<1024x1xf32> to vector<1024x1024xf32>
      %sub3A_712 = arith.subf %dot_general3A_706, %sub3A_711 : vector<1024x1024xf32>
      %exp3A_713 = math.exp %sub3A_712 : vector<1024x1024xf32>
      %sub3A_714 = arith.subf %while3A_688, %max3A_710 : vector<1024x1xf32>
      %exp3A_715 = math.exp %sub3A_714 : vector<1024x1xf32>
      %mul3A_716 = arith.mulf %while3A_689, %exp3A_715 : vector<1024x1xf32>
      %reduce_sum3A_717 = arith.constant dense<0.000000e+00> : vector<1024xf32>
      %reduce_sum3A_718 = vector.multi_reduction <add>, %exp3A_713, %reduce_sum3A_717 [1] : vector<1024x1024xf32> to vector<1024xf32>
      %broadcast_in_dim3A_719 = vector.shape_cast %reduce_sum3A_718 : vector<1024xf32> to vector<1024x1xf32>
      %add3A_720 = arith.addf %mul3A_716, %broadcast_in_dim3A_719 : vector<1024x1xf32>
      %mul3A_721 = vector.broadcast %exp3A_715 : vector<1024x1xf32> to vector<1024x64xf32>
      %mul3A_722 = arith.mulf %while3A_690, %mul3A_721 : vector<1024x64xf32>
      %dot_general3A_723 = arith.constant dense<0.000000e+00> : vector<1024x64xf32>
      %dot_general3A_724 = tpu.matmul %exp3A_713, %get3A_704, %dot_general3A_723 {dimension_numbers = #tpu.dot_dimension_numbers<[1], [0], [0], [1], [0, 0, 1, 1], [], []>, transpose_lhs_hint = false} : vector<1024x1024xf32>, vector<1024x64xf32>, vector<1024x64xf32> -> vector<1024x64xf32>
      %add3A_725 = arith.addf %mul3A_722, %dot_general3A_724 : vector<1024x64xf32>
      %mul3A_726 = arith.constant 1024 : i32
      %mul3A_727 = arith.muli %while3A_687, %mul3A_726 : i32
      %get3A_728 = arith.index_cast %mul3A_727 : i32 to index
      %get3A_729 = arith.constant 320 : index
      %get3A_730 = vector.load %arg2[%get3A_728, %get3A_729] : memref<2048x768xf32, #tpu.memory_space<vmem>>, vector<1024x64xf32>
      %convert_element_type3A_731 = arith.truncf %get3A_730 : vector<1024x64xf32> to vector<1024x64xbf16>
      %mul3A_732 = arith.constant 1024 : i32
      %mul3A_733 = arith.muli %while3A_687, %mul3A_732 : i32
      %get3A_734 = arith.index_cast %mul3A_733 : i32 to index
      %get3A_735 = arith.constant 320 : index
      %get3A_736 = vector.load %arg3[%get3A_734, %get3A_735] : memref<2048x768xf32, #tpu.memory_space<vmem>>, vector<1024x64xf32>
      %dot_general3A_737 = arith.constant dense<0.000000e+00> : vector<1024x1024xf32>
      %dot_general3A_738 = tpu.matmul %convert_element_type3A_221, %convert_element_type3A_731, %dot_general3A_737 {dimension_numbers = #tpu.dot_dimension_numbers<[1], [1], [0], [0], [0, 0, 1, 0], [], []>, transpose_lhs_hint = false} : vector<1024x64xbf16>, vector<1024x64xbf16>, vector<1024x1024xf32> -> vector<1024x1024xf32>
      %reduce_max3A_739 = arith.constant dense<0xFF800000> : vector<1024xf32>
      %reduce_max3A_740 = vector.multi_reduction <maximumf>, %dot_general3A_738, %reduce_max3A_739 [1] : vector<1024x1024xf32> to vector<1024xf32>
      %broadcast_in_dim3A_741 = vector.shape_cast %reduce_max3A_740 : vector<1024xf32> to vector<1024x1xf32>
      %max3A_742 = arith.maximumf %while3A_691, %broadcast_in_dim3A_741 : vector<1024x1xf32>
      %sub3A_743 = vector.broadcast %max3A_742 : vector<1024x1xf32> to vector<1024x1024xf32>
      %sub3A_744 = arith.subf %dot_general3A_738, %sub3A_743 : vector<1024x1024xf32>
      %exp3A_745 = math.exp %sub3A_744 : vector<1024x1024xf32>
      %sub3A_746 = arith.subf %while3A_691, %max3A_742 : vector<1024x1xf32>
      %exp3A_747 = math.exp %sub3A_746 : vector<1024x1xf32>
      %mul3A_748 = arith.mulf %while3A_692, %exp3A_747 : vector<1024x1xf32>
      %reduce_sum3A_749 = arith.constant dense<0.000000e+00> : vector<1024xf32>
      %reduce_sum3A_750 = vector.multi_reduction <add>, %exp3A_745, %reduce_sum3A_749 [1] : vector<1024x1024xf32> to vector<1024xf32>
      %broadcast_in_dim3A_751 = vector.shape_cast %reduce_sum3A_750 : vector<1024xf32> to vector<1024x1xf32>
      %add3A_752 = arith.addf %mul3A_748, %broadcast_in_dim3A_751 : vector<1024x1xf32>
      %mul3A_753 = vector.broadcast %exp3A_747 : vector<1024x1xf32> to vector<1024x64xf32>
      %mul3A_754 = arith.mulf %while3A_693, %mul3A_753 : vector<1024x64xf32>
      %dot_general3A_755 = arith.constant dense<0.000000e+00> : vector<1024x64xf32>
      %dot_general3A_756 = tpu.matmul %exp3A_745, %get3A_736, %dot_general3A_755 {dimension_numbers = #tpu.dot_dimension_numbers<[1], [0], [0], [1], [0, 0, 1, 1], [], []>, transpose_lhs_hint = false} : vector<1024x1024xf32>, vector<1024x64xf32>, vector<1024x64xf32> -> vector<1024x64xf32>
      %add3A_757 = arith.addf %mul3A_754, %dot_general3A_756 : vector<1024x64xf32>
      scf.yield %max3A_710, %add3A_720, %add3A_725, %max3A_742, %add3A_752, %add3A_757 : vector<1024x1xf32>, vector<1024x1xf32>, vector<1024x64xf32>, vector<1024x1xf32>, vector<1024x1xf32>, vector<1024x64xf32>
    }
    %mul3A_245 = arith.constant 1024 : i32
    %mul3A_246 = arith.muli %arg0, %mul3A_245 : i32
    %get3A_247 = arith.index_cast %mul3A_246 : i32 to index
    %get3A_248 = arith.constant 256 : index
    %get3A_249 = vector.load %arg2[%get3A_247, %get3A_248] : memref<2048x768xf32, #tpu.memory_space<vmem>>, vector<1024x64xf32>
    %convert_element_type3A_250 = arith.truncf %get3A_249 : vector<1024x64xf32> to vector<1024x64xbf16>
    %mul3A_251 = arith.constant 1024 : i32
    %mul3A_252 = arith.muli %arg0, %mul3A_251 : i32
    %get3A_253 = arith.index_cast %mul3A_252 : i32 to index
    %get3A_254 = arith.constant 256 : index
    %get3A_255 = vector.load %arg3[%get3A_253, %get3A_254] : memref<2048x768xf32, #tpu.memory_space<vmem>>, vector<1024x64xf32>
    %dot_general3A_256 = arith.constant dense<0.000000e+00> : vector<1024x1024xf32>
    %dot_general3A_257 = tpu.matmul %convert_element_type3A_214, %convert_element_type3A_250, %dot_general3A_256 {dimension_numbers = #tpu.dot_dimension_numbers<[1], [1], [0], [0], [0, 0, 1, 0], [], []>, transpose_lhs_hint = false} : vector<1024x64xbf16>, vector<1024x64xbf16>, vector<1024x1024xf32> -> vector<1024x1024xf32>
    %jit3A_258 = arith.constant -3.40282347E+38 : f32
    %broadcast_in_dim3A_259 = vector.broadcast %jit3A_258 : f32 to vector<1024x1024xf32>
    %select_n3A_260 = arith.select %le3A, %dot_general3A_257, %broadcast_in_dim3A_259 : vector<1024x1024xi1>, vector<1024x1024xf32>
    %reduce_max3A_261 = arith.constant dense<0xFF800000> : vector<1024xf32>
    %reduce_max3A_262 = vector.multi_reduction <maximumf>, %select_n3A_260, %reduce_max3A_261 [1] : vector<1024x1024xf32> to vector<1024xf32>
    %broadcast_in_dim3A_263 = vector.shape_cast %reduce_max3A_262 : vector<1024xf32> to vector<1024x1xf32>
    %max3A_264 = arith.maximumf %while3A_244#0, %broadcast_in_dim3A_263 : vector<1024x1xf32>
    %sub3A_265 = vector.broadcast %max3A_264 : vector<1024x1xf32> to vector<1024x1024xf32>
    %sub3A_266 = arith.subf %select_n3A_260, %sub3A_265 : vector<1024x1024xf32>
    %exp3A_267 = math.exp %sub3A_266 : vector<1024x1024xf32>
    %sub3A_268 = arith.subf %while3A_244#0, %max3A_264 : vector<1024x1xf32>
    %exp3A_269 = math.exp %sub3A_268 : vector<1024x1xf32>
    %mul3A_270 = arith.mulf %while3A_244#1, %exp3A_269 : vector<1024x1xf32>
    %reduce_sum3A_271 = arith.constant dense<0.000000e+00> : vector<1024xf32>
    %reduce_sum3A_272 = vector.multi_reduction <add>, %exp3A_267, %reduce_sum3A_271 [1] : vector<1024x1024xf32> to vector<1024xf32>
    %broadcast_in_dim3A_273 = vector.shape_cast %reduce_sum3A_272 : vector<1024xf32> to vector<1024x1xf32>
    %add3A_274 = arith.addf %mul3A_270, %broadcast_in_dim3A_273 : vector<1024x1xf32>
    %mul3A_275 = vector.broadcast %exp3A_269 : vector<1024x1xf32> to vector<1024x64xf32>
    %mul3A_276 = arith.mulf %while3A_244#2, %mul3A_275 : vector<1024x64xf32>
    %dot_general3A_277 = arith.constant dense<0.000000e+00> : vector<1024x64xf32>
    %dot_general3A_278 = tpu.matmul %exp3A_267, %get3A_255, %dot_general3A_277 {dimension_numbers = #tpu.dot_dimension_numbers<[1], [0], [0], [1], [0, 0, 1, 1], [], []>, transpose_lhs_hint = false} : vector<1024x1024xf32>, vector<1024x64xf32>, vector<1024x64xf32> -> vector<1024x64xf32>
    %add3A_279 = arith.addf %mul3A_276, %dot_general3A_278 : vector<1024x64xf32>
    %mul3A_280 = arith.constant 1024 : i32
    %mul3A_281 = arith.muli %arg0, %mul3A_280 : i32
    %get3A_282 = arith.index_cast %mul3A_281 : i32 to index
    %get3A_283 = arith.constant 320 : index
    %get3A_284 = vector.load %arg2[%get3A_282, %get3A_283] : memref<2048x768xf32, #tpu.memory_space<vmem>>, vector<1024x64xf32>
    %convert_element_type3A_285 = arith.truncf %get3A_284 : vector<1024x64xf32> to vector<1024x64xbf16>
    %mul3A_286 = arith.constant 1024 : i32
    %mul3A_287 = arith.muli %arg0, %mul3A_286 : i32
    %get3A_288 = arith.index_cast %mul3A_287 : i32 to index
    %get3A_289 = arith.constant 320 : index
    %get3A_290 = vector.load %arg3[%get3A_288, %get3A_289] : memref<2048x768xf32, #tpu.memory_space<vmem>>, vector<1024x64xf32>
    %dot_general3A_291 = arith.constant dense<0.000000e+00> : vector<1024x1024xf32>
    %dot_general3A_292 = tpu.matmul %convert_element_type3A_221, %convert_element_type3A_285, %dot_general3A_291 {dimension_numbers = #tpu.dot_dimension_numbers<[1], [1], [0], [0], [0, 0, 1, 0], [], []>, transpose_lhs_hint = false} : vector<1024x64xbf16>, vector<1024x64xbf16>, vector<1024x1024xf32> -> vector<1024x1024xf32>
    %jit3A_293 = arith.constant -3.40282347E+38 : f32
    %broadcast_in_dim3A_294 = vector.broadcast %jit3A_293 : f32 to vector<1024x1024xf32>
    %select_n3A_295 = arith.select %le3A, %dot_general3A_292, %broadcast_in_dim3A_294 : vector<1024x1024xi1>, vector<1024x1024xf32>
    %reduce_max3A_296 = arith.constant dense<0xFF800000> : vector<1024xf32>
    %reduce_max3A_297 = vector.multi_reduction <maximumf>, %select_n3A_295, %reduce_max3A_296 [1] : vector<1024x1024xf32> to vector<1024xf32>
    %broadcast_in_dim3A_298 = vector.shape_cast %reduce_max3A_297 : vector<1024xf32> to vector<1024x1xf32>
    %max3A_299 = arith.maximumf %while3A_244#3, %broadcast_in_dim3A_298 : vector<1024x1xf32>
    %sub3A_300 = vector.broadcast %max3A_299 : vector<1024x1xf32> to vector<1024x1024xf32>
    %sub3A_301 = arith.subf %select_n3A_295, %sub3A_300 : vector<1024x1024xf32>
    %exp3A_302 = math.exp %sub3A_301 : vector<1024x1024xf32>
    %sub3A_303 = arith.subf %while3A_244#3, %max3A_299 : vector<1024x1xf32>
    %exp3A_304 = math.exp %sub3A_303 : vector<1024x1xf32>
    %mul3A_305 = arith.mulf %while3A_244#4, %exp3A_304 : vector<1024x1xf32>
    %reduce_sum3A_306 = arith.constant dense<0.000000e+00> : vector<1024xf32>
    %reduce_sum3A_307 = vector.multi_reduction <add>, %exp3A_302, %reduce_sum3A_306 [1] : vector<1024x1024xf32> to vector<1024xf32>
    %broadcast_in_dim3A_308 = vector.shape_cast %reduce_sum3A_307 : vector<1024xf32> to vector<1024x1xf32>
    %add3A_309 = arith.addf %mul3A_305, %broadcast_in_dim3A_308 : vector<1024x1xf32>
    %mul3A_310 = vector.broadcast %exp3A_304 : vector<1024x1xf32> to vector<1024x64xf32>
    %mul3A_311 = arith.mulf %while3A_244#5, %mul3A_310 : vector<1024x64xf32>
    %dot_general3A_312 = arith.constant dense<0.000000e+00> : vector<1024x64xf32>
    %dot_general3A_313 = tpu.matmul %exp3A_302, %get3A_290, %dot_general3A_312 {dimension_numbers = #tpu.dot_dimension_numbers<[1], [0], [0], [1], [0, 0, 1, 1], [], []>, transpose_lhs_hint = false} : vector<1024x1024xf32>, vector<1024x64xf32>, vector<1024x64xf32> -> vector<1024x64xf32>
    %add3A_314 = arith.addf %mul3A_311, %dot_general3A_313 : vector<1024x64xf32>
    %div3A_315 = vector.broadcast %add3A_274 : vector<1024x1xf32> to vector<1024x64xf32>
    %div3A_316 = arith.divf %add3A_279, %div3A_315 : vector<1024x64xf32>
    %div3A_317 = vector.broadcast %add3A_309 : vector<1024x1xf32> to vector<1024x64xf32>
    %div3A_318 = arith.divf %add3A_314, %div3A_317 : vector<1024x64xf32>
    %get3A_319 = arith.constant 0 : index
    %get3A_320 = arith.constant 384 : index
    %get3A_321 = vector.load %arg1[%get3A_319, %get3A_320] : memref<1024x768xf32, #tpu.memory_space<vmem>>, vector<1024x64xf32>
    %mul3A_322 = arith.constant 1.250000e-01 : f32
    %mul3A_323 = vector.broadcast %mul3A_322 : f32 to vector<1024x64xf32>
    %mul3A_324 = arith.mulf %get3A_321, %mul3A_323 : vector<1024x64xf32>
    %convert_element_type3A_325 = arith.truncf %mul3A_324 : vector<1024x64xf32> to vector<1024x64xbf16>
    %get3A_326 = arith.constant 0 : index
    %get3A_327 = arith.constant 448 : index
    %get3A_328 = vector.load %arg1[%get3A_326, %get3A_327] : memref<1024x768xf32, #tpu.memory_space<vmem>>, vector<1024x64xf32>
    %mul3A_329 = arith.constant 1.250000e-01 : f32
    %mul3A_330 = vector.broadcast %mul3A_329 : f32 to vector<1024x64xf32>
    %mul3A_331 = arith.mulf %get3A_328, %mul3A_330 : vector<1024x64xf32>
    %convert_element_type3A_332 = arith.truncf %mul3A_331 : vector<1024x64xf32> to vector<1024x64xbf16>
    %broadcast_in_dim3A_333 = arith.constant 0xFF800000 : f32
    %broadcast_in_dim3A_334 = vector.broadcast %broadcast_in_dim3A_333 : f32 to vector<1024x1xf32>
    %broadcast_in_dim3A_335 = arith.constant 0.000000e+00 : f32
    %broadcast_in_dim3A_336 = vector.broadcast %broadcast_in_dim3A_335 : f32 to vector<1024x1xf32>
    %broadcast_in_dim3A_337 = arith.constant 0.000000e+00 : f32
    %broadcast_in_dim3A_338 = vector.broadcast %broadcast_in_dim3A_337 : f32 to vector<1024x64xf32>
    %broadcast_in_dim3A_339 = arith.constant 0xFF800000 : f32
    %broadcast_in_dim3A_340 = vector.broadcast %broadcast_in_dim3A_339 : f32 to vector<1024x1xf32>
    %broadcast_in_dim3A_341 = arith.constant 0.000000e+00 : f32
    %broadcast_in_dim3A_342 = vector.broadcast %broadcast_in_dim3A_341 : f32 to vector<1024x1xf32>
    %broadcast_in_dim3A_343 = arith.constant 0.000000e+00 : f32
    %broadcast_in_dim3A_344 = vector.broadcast %broadcast_in_dim3A_343 : f32 to vector<1024x64xf32>
    %while3A_345 = arith.constant 0 : i32
    %while3A_346 = arith.subi %arg0, %while3A_345 : i32
    %while3A_347 = arith.addi %while3A_345, %while3A_346 : i32
    %while3A_348 = arith.constant 1 : i32
    %while3A_349 = arith.divsi %while3A_346, %while3A_348 : i32
    %while3A_350 = arith.muli %while3A_349, %while3A_348 : i32
    %while3A_351 = arith.addi %while3A_345, %while3A_350 : i32
    %while3A_352 = arith.constant 1 : i32
    %while3A_353:6 = scf.for %while3A_687 = %while3A_345 to %while3A_351 step %while3A_352 iter_args(%while3A_688 = %broadcast_in_dim3A_334, %while3A_689 = %broadcast_in_dim3A_336, %while3A_690 = %broadcast_in_dim3A_338, %while3A_691 = %broadcast_in_dim3A_340, %while3A_692 = %broadcast_in_dim3A_342, %while3A_693 = %broadcast_in_dim3A_344) -> (vector<1024x1xf32>, vector<1024x1xf32>, vector<1024x64xf32>, vector<1024x1xf32>, vector<1024x1xf32>, vector<1024x64xf32>)  : i32 {
      %mul3A_694 = arith.constant 1024 : i32
      %mul3A_695 = arith.muli %while3A_687, %mul3A_694 : i32
      %get3A_696 = arith.index_cast %mul3A_695 : i32 to index
      %get3A_697 = arith.constant 384 : index
      %get3A_698 = vector.load %arg2[%get3A_696, %get3A_697] : memref<2048x768xf32, #tpu.memory_space<vmem>>, vector<1024x64xf32>
      %convert_element_type3A_699 = arith.truncf %get3A_698 : vector<1024x64xf32> to vector<1024x64xbf16>
      %mul3A_700 = arith.constant 1024 : i32
      %mul3A_701 = arith.muli %while3A_687, %mul3A_700 : i32
      %get3A_702 = arith.index_cast %mul3A_701 : i32 to index
      %get3A_703 = arith.constant 384 : index
      %get3A_704 = vector.load %arg3[%get3A_702, %get3A_703] : memref<2048x768xf32, #tpu.memory_space<vmem>>, vector<1024x64xf32>
      %dot_general3A_705 = arith.constant dense<0.000000e+00> : vector<1024x1024xf32>
      %dot_general3A_706 = tpu.matmul %convert_element_type3A_325, %convert_element_type3A_699, %dot_general3A_705 {dimension_numbers = #tpu.dot_dimension_numbers<[1], [1], [0], [0], [0, 0, 1, 0], [], []>, transpose_lhs_hint = false} : vector<1024x64xbf16>, vector<1024x64xbf16>, vector<1024x1024xf32> -> vector<1024x1024xf32>
      %reduce_max3A_707 = arith.constant dense<0xFF800000> : vector<1024xf32>
      %reduce_max3A_708 = vector.multi_reduction <maximumf>, %dot_general3A_706, %reduce_max3A_707 [1] : vector<1024x1024xf32> to vector<1024xf32>
      %broadcast_in_dim3A_709 = vector.shape_cast %reduce_max3A_708 : vector<1024xf32> to vector<1024x1xf32>
      %max3A_710 = arith.maximumf %while3A_688, %broadcast_in_dim3A_709 : vector<1024x1xf32>
      %sub3A_711 = vector.broadcast %max3A_710 : vector<1024x1xf32> to vector<1024x1024xf32>
      %sub3A_712 = arith.subf %dot_general3A_706, %sub3A_711 : vector<1024x1024xf32>
      %exp3A_713 = math.exp %sub3A_712 : vector<1024x1024xf32>
      %sub3A_714 = arith.subf %while3A_688, %max3A_710 : vector<1024x1xf32>
      %exp3A_715 = math.exp %sub3A_714 : vector<1024x1xf32>
      %mul3A_716 = arith.mulf %while3A_689, %exp3A_715 : vector<1024x1xf32>
      %reduce_sum3A_717 = arith.constant dense<0.000000e+00> : vector<1024xf32>
      %reduce_sum3A_718 = vector.multi_reduction <add>, %exp3A_713, %reduce_sum3A_717 [1] : vector<1024x1024xf32> to vector<1024xf32>
      %broadcast_in_dim3A_719 = vector.shape_cast %reduce_sum3A_718 : vector<1024xf32> to vector<1024x1xf32>
      %add3A_720 = arith.addf %mul3A_716, %broadcast_in_dim3A_719 : vector<1024x1xf32>
      %mul3A_721 = vector.broadcast %exp3A_715 : vector<1024x1xf32> to vector<1024x64xf32>
      %mul3A_722 = arith.mulf %while3A_690, %mul3A_721 : vector<1024x64xf32>
      %dot_general3A_723 = arith.constant dense<0.000000e+00> : vector<1024x64xf32>
      %dot_general3A_724 = tpu.matmul %exp3A_713, %get3A_704, %dot_general3A_723 {dimension_numbers = #tpu.dot_dimension_numbers<[1], [0], [0], [1], [0, 0, 1, 1], [], []>, transpose_lhs_hint = false} : vector<1024x1024xf32>, vector<1024x64xf32>, vector<1024x64xf32> -> vector<1024x64xf32>
      %add3A_725 = arith.addf %mul3A_722, %dot_general3A_724 : vector<1024x64xf32>
      %mul3A_726 = arith.constant 1024 : i32
      %mul3A_727 = arith.muli %while3A_687, %mul3A_726 : i32
      %get3A_728 = arith.index_cast %mul3A_727 : i32 to index
      %get3A_729 = arith.constant 448 : index
      %get3A_730 = vector.load %arg2[%get3A_728, %get3A_729] : memref<2048x768xf32, #tpu.memory_space<vmem>>, vector<1024x64xf32>
      %convert_element_type3A_731 = arith.truncf %get3A_730 : vector<1024x64xf32> to vector<1024x64xbf16>
      %mul3A_732 = arith.constant 1024 : i32
      %mul3A_733 = arith.muli %while3A_687, %mul3A_732 : i32
      %get3A_734 = arith.index_cast %mul3A_733 : i32 to index
      %get3A_735 = arith.constant 448 : index
      %get3A_736 = vector.load %arg3[%get3A_734, %get3A_735] : memref<2048x768xf32, #tpu.memory_space<vmem>>, vector<1024x64xf32>
      %dot_general3A_737 = arith.constant dense<0.000000e+00> : vector<1024x1024xf32>
      %dot_general3A_738 = tpu.matmul %convert_element_type3A_332, %convert_element_type3A_731, %dot_general3A_737 {dimension_numbers = #tpu.dot_dimension_numbers<[1], [1], [0], [0], [0, 0, 1, 0], [], []>, transpose_lhs_hint = false} : vector<1024x64xbf16>, vector<1024x64xbf16>, vector<1024x1024xf32> -> vector<1024x1024xf32>
      %reduce_max3A_739 = arith.constant dense<0xFF800000> : vector<1024xf32>
      %reduce_max3A_740 = vector.multi_reduction <maximumf>, %dot_general3A_738, %reduce_max3A_739 [1] : vector<1024x1024xf32> to vector<1024xf32>
      %broadcast_in_dim3A_741 = vector.shape_cast %reduce_max3A_740 : vector<1024xf32> to vector<1024x1xf32>
      %max3A_742 = arith.maximumf %while3A_691, %broadcast_in_dim3A_741 : vector<1024x1xf32>
      %sub3A_743 = vector.broadcast %max3A_742 : vector<1024x1xf32> to vector<1024x1024xf32>
      %sub3A_744 = arith.subf %dot_general3A_738, %sub3A_743 : vector<1024x1024xf32>
      %exp3A_745 = math.exp %sub3A_744 : vector<1024x1024xf32>
      %sub3A_746 = arith.subf %while3A_691, %max3A_742 : vector<1024x1xf32>
      %exp3A_747 = math.exp %sub3A_746 : vector<1024x1xf32>
      %mul3A_748 = arith.mulf %while3A_692, %exp3A_747 : vector<1024x1xf32>
      %reduce_sum3A_749 = arith.constant dense<0.000000e+00> : vector<1024xf32>
      %reduce_sum3A_750 = vector.multi_reduction <add>, %exp3A_745, %reduce_sum3A_749 [1] : vector<1024x1024xf32> to vector<1024xf32>
      %broadcast_in_dim3A_751 = vector.shape_cast %reduce_sum3A_750 : vector<1024xf32> to vector<1024x1xf32>
      %add3A_752 = arith.addf %mul3A_748, %broadcast_in_dim3A_751 : vector<1024x1xf32>
      %mul3A_753 = vector.broadcast %exp3A_747 : vector<1024x1xf32> to vector<1024x64xf32>
      %mul3A_754 = arith.mulf %while3A_693, %mul3A_753 : vector<1024x64xf32>
      %dot_general3A_755 = arith.constant dense<0.000000e+00> : vector<1024x64xf32>
      %dot_general3A_756 = tpu.matmul %exp3A_745, %get3A_736, %dot_general3A_755 {dimension_numbers = #tpu.dot_dimension_numbers<[1], [0], [0], [1], [0, 0, 1, 1], [], []>, transpose_lhs_hint = false} : vector<1024x1024xf32>, vector<1024x64xf32>, vector<1024x64xf32> -> vector<1024x64xf32>
      %add3A_757 = arith.addf %mul3A_754, %dot_general3A_756 : vector<1024x64xf32>
      scf.yield %max3A_710, %add3A_720, %add3A_725, %max3A_742, %add3A_752, %add3A_757 : vector<1024x1xf32>, vector<1024x1xf32>, vector<1024x64xf32>, vector<1024x1xf32>, vector<1024x1xf32>, vector<1024x64xf32>
    }
    %while3A_354 = arith.constant 1 : i32
    %while3A_355:6 = scf.for %while3A_687 = %while3A_351 to %while3A_347 step %while3A_354 iter_args(%while3A_688 = %while3A_353#0, %while3A_689 = %while3A_353#1, %while3A_690 = %while3A_353#2, %while3A_691 = %while3A_353#3, %while3A_692 = %while3A_353#4, %while3A_693 = %while3A_353#5) -> (vector<1024x1xf32>, vector<1024x1xf32>, vector<1024x64xf32>, vector<1024x1xf32>, vector<1024x1xf32>, vector<1024x64xf32>)  : i32 {
      %mul3A_694 = arith.constant 1024 : i32
      %mul3A_695 = arith.muli %while3A_687, %mul3A_694 : i32
      %get3A_696 = arith.index_cast %mul3A_695 : i32 to index
      %get3A_697 = arith.constant 384 : index
      %get3A_698 = vector.load %arg2[%get3A_696, %get3A_697] : memref<2048x768xf32, #tpu.memory_space<vmem>>, vector<1024x64xf32>
      %convert_element_type3A_699 = arith.truncf %get3A_698 : vector<1024x64xf32> to vector<1024x64xbf16>
      %mul3A_700 = arith.constant 1024 : i32
      %mul3A_701 = arith.muli %while3A_687, %mul3A_700 : i32
      %get3A_702 = arith.index_cast %mul3A_701 : i32 to index
      %get3A_703 = arith.constant 384 : index
      %get3A_704 = vector.load %arg3[%get3A_702, %get3A_703] : memref<2048x768xf32, #tpu.memory_space<vmem>>, vector<1024x64xf32>
      %dot_general3A_705 = arith.constant dense<0.000000e+00> : vector<1024x1024xf32>
      %dot_general3A_706 = tpu.matmul %convert_element_type3A_325, %convert_element_type3A_699, %dot_general3A_705 {dimension_numbers = #tpu.dot_dimension_numbers<[1], [1], [0], [0], [0, 0, 1, 0], [], []>, transpose_lhs_hint = false} : vector<1024x64xbf16>, vector<1024x64xbf16>, vector<1024x1024xf32> -> vector<1024x1024xf32>
      %reduce_max3A_707 = arith.constant dense<0xFF800000> : vector<1024xf32>
      %reduce_max3A_708 = vector.multi_reduction <maximumf>, %dot_general3A_706, %reduce_max3A_707 [1] : vector<1024x1024xf32> to vector<1024xf32>
      %broadcast_in_dim3A_709 = vector.shape_cast %reduce_max3A_708 : vector<1024xf32> to vector<1024x1xf32>
      %max3A_710 = arith.maximumf %while3A_688, %broadcast_in_dim3A_709 : vector<1024x1xf32>
      %sub3A_711 = vector.broadcast %max3A_710 : vector<1024x1xf32> to vector<1024x1024xf32>
      %sub3A_712 = arith.subf %dot_general3A_706, %sub3A_711 : vector<1024x1024xf32>
      %exp3A_713 = math.exp %sub3A_712 : vector<1024x1024xf32>
      %sub3A_714 = arith.subf %while3A_688, %max3A_710 : vector<1024x1xf32>
      %exp3A_715 = math.exp %sub3A_714 : vector<1024x1xf32>
      %mul3A_716 = arith.mulf %while3A_689, %exp3A_715 : vector<1024x1xf32>
      %reduce_sum3A_717 = arith.constant dense<0.000000e+00> : vector<1024xf32>
      %reduce_sum3A_718 = vector.multi_reduction <add>, %exp3A_713, %reduce_sum3A_717 [1] : vector<1024x1024xf32> to vector<1024xf32>
      %broadcast_in_dim3A_719 = vector.shape_cast %reduce_sum3A_718 : vector<1024xf32> to vector<1024x1xf32>
      %add3A_720 = arith.addf %mul3A_716, %broadcast_in_dim3A_719 : vector<1024x1xf32>
      %mul3A_721 = vector.broadcast %exp3A_715 : vector<1024x1xf32> to vector<1024x64xf32>
      %mul3A_722 = arith.mulf %while3A_690, %mul3A_721 : vector<1024x64xf32>
      %dot_general3A_723 = arith.constant dense<0.000000e+00> : vector<1024x64xf32>
      %dot_general3A_724 = tpu.matmul %exp3A_713, %get3A_704, %dot_general3A_723 {dimension_numbers = #tpu.dot_dimension_numbers<[1], [0], [0], [1], [0, 0, 1, 1], [], []>, transpose_lhs_hint = false} : vector<1024x1024xf32>, vector<1024x64xf32>, vector<1024x64xf32> -> vector<1024x64xf32>
      %add3A_725 = arith.addf %mul3A_722, %dot_general3A_724 : vector<1024x64xf32>
      %mul3A_726 = arith.constant 1024 : i32
      %mul3A_727 = arith.muli %while3A_687, %mul3A_726 : i32
      %get3A_728 = arith.index_cast %mul3A_727 : i32 to index
      %get3A_729 = arith.constant 448 : index
      %get3A_730 = vector.load %arg2[%get3A_728, %get3A_729] : memref<2048x768xf32, #tpu.memory_space<vmem>>, vector<1024x64xf32>
      %convert_element_type3A_731 = arith.truncf %get3A_730 : vector<1024x64xf32> to vector<1024x64xbf16>
      %mul3A_732 = arith.constant 1024 : i32
      %mul3A_733 = arith.muli %while3A_687, %mul3A_732 : i32
      %get3A_734 = arith.index_cast %mul3A_733 : i32 to index
      %get3A_735 = arith.constant 448 : index
      %get3A_736 = vector.load %arg3[%get3A_734, %get3A_735] : memref<2048x768xf32, #tpu.memory_space<vmem>>, vector<1024x64xf32>
      %dot_general3A_737 = arith.constant dense<0.000000e+00> : vector<1024x1024xf32>
      %dot_general3A_738 = tpu.matmul %convert_element_type3A_332, %convert_element_type3A_731, %dot_general3A_737 {dimension_numbers = #tpu.dot_dimension_numbers<[1], [1], [0], [0], [0, 0, 1, 0], [], []>, transpose_lhs_hint = false} : vector<1024x64xbf16>, vector<1024x64xbf16>, vector<1024x1024xf32> -> vector<1024x1024xf32>
      %reduce_max3A_739 = arith.constant dense<0xFF800000> : vector<1024xf32>
      %reduce_max3A_740 = vector.multi_reduction <maximumf>, %dot_general3A_738, %reduce_max3A_739 [1] : vector<1024x1024xf32> to vector<1024xf32>
      %broadcast_in_dim3A_741 = vector.shape_cast %reduce_max3A_740 : vector<1024xf32> to vector<1024x1xf32>
      %max3A_742 = arith.maximumf %while3A_691, %broadcast_in_dim3A_741 : vector<1024x1xf32>
      %sub3A_743 = vector.broadcast %max3A_742 : vector<1024x1xf32> to vector<1024x1024xf32>
      %sub3A_744 = arith.subf %dot_general3A_738, %sub3A_743 : vector<1024x1024xf32>
      %exp3A_745 = math.exp %sub3A_744 : vector<1024x1024xf32>
      %sub3A_746 = arith.subf %while3A_691, %max3A_742 : vector<1024x1xf32>
      %exp3A_747 = math.exp %sub3A_746 : vector<1024x1xf32>
      %mul3A_748 = arith.mulf %while3A_692, %exp3A_747 : vector<1024x1xf32>
      %reduce_sum3A_749 = arith.constant dense<0.000000e+00> : vector<1024xf32>
      %reduce_sum3A_750 = vector.multi_reduction <add>, %exp3A_745, %reduce_sum3A_749 [1] : vector<1024x1024xf32> to vector<1024xf32>
      %broadcast_in_dim3A_751 = vector.shape_cast %reduce_sum3A_750 : vector<1024xf32> to vector<1024x1xf32>
      %add3A_752 = arith.addf %mul3A_748, %broadcast_in_dim3A_751 : vector<1024x1xf32>
      %mul3A_753 = vector.broadcast %exp3A_747 : vector<1024x1xf32> to vector<1024x64xf32>
      %mul3A_754 = arith.mulf %while3A_693, %mul3A_753 : vector<1024x64xf32>
      %dot_general3A_755 = arith.constant dense<0.000000e+00> : vector<1024x64xf32>
      %dot_general3A_756 = tpu.matmul %exp3A_745, %get3A_736, %dot_general3A_755 {dimension_numbers = #tpu.dot_dimension_numbers<[1], [0], [0], [1], [0, 0, 1, 1], [], []>, transpose_lhs_hint = false} : vector<1024x1024xf32>, vector<1024x64xf32>, vector<1024x64xf32> -> vector<1024x64xf32>
      %add3A_757 = arith.addf %mul3A_754, %dot_general3A_756 : vector<1024x64xf32>
      scf.yield %max3A_710, %add3A_720, %add3A_725, %max3A_742, %add3A_752, %add3A_757 : vector<1024x1xf32>, vector<1024x1xf32>, vector<1024x64xf32>, vector<1024x1xf32>, vector<1024x1xf32>, vector<1024x64xf32>
    }
    %mul3A_356 = arith.constant 1024 : i32
    %mul3A_357 = arith.muli %arg0, %mul3A_356 : i32
    %get3A_358 = arith.index_cast %mul3A_357 : i32 to index
    %get3A_359 = arith.constant 384 : index
    %get3A_360 = vector.load %arg2[%get3A_358, %get3A_359] : memref<2048x768xf32, #tpu.memory_space<vmem>>, vector<1024x64xf32>
    %convert_element_type3A_361 = arith.truncf %get3A_360 : vector<1024x64xf32> to vector<1024x64xbf16>
    %mul3A_362 = arith.constant 1024 : i32
    %mul3A_363 = arith.muli %arg0, %mul3A_362 : i32
    %get3A_364 = arith.index_cast %mul3A_363 : i32 to index
    %get3A_365 = arith.constant 384 : index
    %get3A_366 = vector.load %arg3[%get3A_364, %get3A_365] : memref<2048x768xf32, #tpu.memory_space<vmem>>, vector<1024x64xf32>
    %dot_general3A_367 = arith.constant dense<0.000000e+00> : vector<1024x1024xf32>
    %dot_general3A_368 = tpu.matmul %convert_element_type3A_325, %convert_element_type3A_361, %dot_general3A_367 {dimension_numbers = #tpu.dot_dimension_numbers<[1], [1], [0], [0], [0, 0, 1, 0], [], []>, transpose_lhs_hint = false} : vector<1024x64xbf16>, vector<1024x64xbf16>, vector<1024x1024xf32> -> vector<1024x1024xf32>
    %jit3A_369 = arith.constant -3.40282347E+38 : f32
    %broadcast_in_dim3A_370 = vector.broadcast %jit3A_369 : f32 to vector<1024x1024xf32>
    %select_n3A_371 = arith.select %le3A, %dot_general3A_368, %broadcast_in_dim3A_370 : vector<1024x1024xi1>, vector<1024x1024xf32>
    %reduce_max3A_372 = arith.constant dense<0xFF800000> : vector<1024xf32>
    %reduce_max3A_373 = vector.multi_reduction <maximumf>, %select_n3A_371, %reduce_max3A_372 [1] : vector<1024x1024xf32> to vector<1024xf32>
    %broadcast_in_dim3A_374 = vector.shape_cast %reduce_max3A_373 : vector<1024xf32> to vector<1024x1xf32>
    %max3A_375 = arith.maximumf %while3A_355#0, %broadcast_in_dim3A_374 : vector<1024x1xf32>
    %sub3A_376 = vector.broadcast %max3A_375 : vector<1024x1xf32> to vector<1024x1024xf32>
    %sub3A_377 = arith.subf %select_n3A_371, %sub3A_376 : vector<1024x1024xf32>
    %exp3A_378 = math.exp %sub3A_377 : vector<1024x1024xf32>
    %sub3A_379 = arith.subf %while3A_355#0, %max3A_375 : vector<1024x1xf32>
    %exp3A_380 = math.exp %sub3A_379 : vector<1024x1xf32>
    %mul3A_381 = arith.mulf %while3A_355#1, %exp3A_380 : vector<1024x1xf32>
    %reduce_sum3A_382 = arith.constant dense<0.000000e+00> : vector<1024xf32>
    %reduce_sum3A_383 = vector.multi_reduction <add>, %exp3A_378, %reduce_sum3A_382 [1] : vector<1024x1024xf32> to vector<1024xf32>
    %broadcast_in_dim3A_384 = vector.shape_cast %reduce_sum3A_383 : vector<1024xf32> to vector<1024x1xf32>
    %add3A_385 = arith.addf %mul3A_381, %broadcast_in_dim3A_384 : vector<1024x1xf32>
    %mul3A_386 = vector.broadcast %exp3A_380 : vector<1024x1xf32> to vector<1024x64xf32>
    %mul3A_387 = arith.mulf %while3A_355#2, %mul3A_386 : vector<1024x64xf32>
    %dot_general3A_388 = arith.constant dense<0.000000e+00> : vector<1024x64xf32>
    %dot_general3A_389 = tpu.matmul %exp3A_378, %get3A_366, %dot_general3A_388 {dimension_numbers = #tpu.dot_dimension_numbers<[1], [0], [0], [1], [0, 0, 1, 1], [], []>, transpose_lhs_hint = false} : vector<1024x1024xf32>, vector<1024x64xf32>, vector<1024x64xf32> -> vector<1024x64xf32>
    %add3A_390 = arith.addf %mul3A_387, %dot_general3A_389 : vector<1024x64xf32>
    %mul3A_391 = arith.constant 1024 : i32
    %mul3A_392 = arith.muli %arg0, %mul3A_391 : i32
    %get3A_393 = arith.index_cast %mul3A_392 : i32 to index
    %get3A_394 = arith.constant 448 : index
    %get3A_395 = vector.load %arg2[%get3A_393, %get3A_394] : memref<2048x768xf32, #tpu.memory_space<vmem>>, vector<1024x64xf32>
    %convert_element_type3A_396 = arith.truncf %get3A_395 : vector<1024x64xf32> to vector<1024x64xbf16>
    %mul3A_397 = arith.constant 1024 : i32
    %mul3A_398 = arith.muli %arg0, %mul3A_397 : i32
    %get3A_399 = arith.index_cast %mul3A_398 : i32 to index
    %get3A_400 = arith.constant 448 : index
    %get3A_401 = vector.load %arg3[%get3A_399, %get3A_400] : memref<2048x768xf32, #tpu.memory_space<vmem>>, vector<1024x64xf32>
    %dot_general3A_402 = arith.constant dense<0.000000e+00> : vector<1024x1024xf32>
    %dot_general3A_403 = tpu.matmul %convert_element_type3A_332, %convert_element_type3A_396, %dot_general3A_402 {dimension_numbers = #tpu.dot_dimension_numbers<[1], [1], [0], [0], [0, 0, 1, 0], [], []>, transpose_lhs_hint = false} : vector<1024x64xbf16>, vector<1024x64xbf16>, vector<1024x1024xf32> -> vector<1024x1024xf32>
    %jit3A_404 = arith.constant -3.40282347E+38 : f32
    %broadcast_in_dim3A_405 = vector.broadcast %jit3A_404 : f32 to vector<1024x1024xf32>
    %select_n3A_406 = arith.select %le3A, %dot_general3A_403, %broadcast_in_dim3A_405 : vector<1024x1024xi1>, vector<1024x1024xf32>
    %reduce_max3A_407 = arith.constant dense<0xFF800000> : vector<1024xf32>
    %reduce_max3A_408 = vector.multi_reduction <maximumf>, %select_n3A_406, %reduce_max3A_407 [1] : vector<1024x1024xf32> to vector<1024xf32>
    %broadcast_in_dim3A_409 = vector.shape_cast %reduce_max3A_408 : vector<1024xf32> to vector<1024x1xf32>
    %max3A_410 = arith.maximumf %while3A_355#3, %broadcast_in_dim3A_409 : vector<1024x1xf32>
    %sub3A_411 = vector.broadcast %max3A_410 : vector<1024x1xf32> to vector<1024x1024xf32>
    %sub3A_412 = arith.subf %select_n3A_406, %sub3A_411 : vector<1024x1024xf32>
    %exp3A_413 = math.exp %sub3A_412 : vector<1024x1024xf32>
    %sub3A_414 = arith.subf %while3A_355#3, %max3A_410 : vector<1024x1xf32>
    %exp3A_415 = math.exp %sub3A_414 : vector<1024x1xf32>
    %mul3A_416 = arith.mulf %while3A_355#4, %exp3A_415 : vector<1024x1xf32>
    %reduce_sum3A_417 = arith.constant dense<0.000000e+00> : vector<1024xf32>
    %reduce_sum3A_418 = vector.multi_reduction <add>, %exp3A_413, %reduce_sum3A_417 [1] : vector<1024x1024xf32> to vector<1024xf32>
    %broadcast_in_dim3A_419 = vector.shape_cast %reduce_sum3A_418 : vector<1024xf32> to vector<1024x1xf32>
    %add3A_420 = arith.addf %mul3A_416, %broadcast_in_dim3A_419 : vector<1024x1xf32>
    %mul3A_421 = vector.broadcast %exp3A_415 : vector<1024x1xf32> to vector<1024x64xf32>
    %mul3A_422 = arith.mulf %while3A_355#5, %mul3A_421 : vector<1024x64xf32>
    %dot_general3A_423 = arith.constant dense<0.000000e+00> : vector<1024x64xf32>
    %dot_general3A_424 = tpu.matmul %exp3A_413, %get3A_401, %dot_general3A_423 {dimension_numbers = #tpu.dot_dimension_numbers<[1], [0], [0], [1], [0, 0, 1, 1], [], []>, transpose_lhs_hint = false} : vector<1024x1024xf32>, vector<1024x64xf32>, vector<1024x64xf32> -> vector<1024x64xf32>
    %add3A_425 = arith.addf %mul3A_422, %dot_general3A_424 : vector<1024x64xf32>
    %div3A_426 = vector.broadcast %add3A_385 : vector<1024x1xf32> to vector<1024x64xf32>
    %div3A_427 = arith.divf %add3A_390, %div3A_426 : vector<1024x64xf32>
    %div3A_428 = vector.broadcast %add3A_420 : vector<1024x1xf32> to vector<1024x64xf32>
    %div3A_429 = arith.divf %add3A_425, %div3A_428 : vector<1024x64xf32>
    %get3A_430 = arith.constant 0 : index
    %get3A_431 = arith.constant 512 : index
    %get3A_432 = vector.load %arg1[%get3A_430, %get3A_431] : memref<1024x768xf32, #tpu.memory_space<vmem>>, vector<1024x64xf32>
    %mul3A_433 = arith.constant 1.250000e-01 : f32
    %mul3A_434 = vector.broadcast %mul3A_433 : f32 to vector<1024x64xf32>
    %mul3A_435 = arith.mulf %get3A_432, %mul3A_434 : vector<1024x64xf32>
    %convert_element_type3A_436 = arith.truncf %mul3A_435 : vector<1024x64xf32> to vector<1024x64xbf16>
    %get3A_437 = arith.constant 0 : index
    %get3A_438 = arith.constant 576 : index
    %get3A_439 = vector.load %arg1[%get3A_437, %get3A_438] : memref<1024x768xf32, #tpu.memory_space<vmem>>, vector<1024x64xf32>
    %mul3A_440 = arith.constant 1.250000e-01 : f32
    %mul3A_441 = vector.broadcast %mul3A_440 : f32 to vector<1024x64xf32>
    %mul3A_442 = arith.mulf %get3A_439, %mul3A_441 : vector<1024x64xf32>
    %convert_element_type3A_443 = arith.truncf %mul3A_442 : vector<1024x64xf32> to vector<1024x64xbf16>
    %broadcast_in_dim3A_444 = arith.constant 0xFF800000 : f32
    %broadcast_in_dim3A_445 = vector.broadcast %broadcast_in_dim3A_444 : f32 to vector<1024x1xf32>
    %broadcast_in_dim3A_446 = arith.constant 0.000000e+00 : f32
    %broadcast_in_dim3A_447 = vector.broadcast %broadcast_in_dim3A_446 : f32 to vector<1024x1xf32>
    %broadcast_in_dim3A_448 = arith.constant 0.000000e+00 : f32
    %broadcast_in_dim3A_449 = vector.broadcast %broadcast_in_dim3A_448 : f32 to vector<1024x64xf32>
    %broadcast_in_dim3A_450 = arith.constant 0xFF800000 : f32
    %broadcast_in_dim3A_451 = vector.broadcast %broadcast_in_dim3A_450 : f32 to vector<1024x1xf32>
    %broadcast_in_dim3A_452 = arith.constant 0.000000e+00 : f32
    %broadcast_in_dim3A_453 = vector.broadcast %broadcast_in_dim3A_452 : f32 to vector<1024x1xf32>
    %broadcast_in_dim3A_454 = arith.constant 0.000000e+00 : f32
    %broadcast_in_dim3A_455 = vector.broadcast %broadcast_in_dim3A_454 : f32 to vector<1024x64xf32>
    %while3A_456 = arith.constant 0 : i32
    %while3A_457 = arith.subi %arg0, %while3A_456 : i32
    %while3A_458 = arith.addi %while3A_456, %while3A_457 : i32
    %while3A_459 = arith.constant 1 : i32
    %while3A_460 = arith.divsi %while3A_457, %while3A_459 : i32
    %while3A_461 = arith.muli %while3A_460, %while3A_459 : i32
    %while3A_462 = arith.addi %while3A_456, %while3A_461 : i32
    %while3A_463 = arith.constant 1 : i32
    %while3A_464:6 = scf.for %while3A_687 = %while3A_456 to %while3A_462 step %while3A_463 iter_args(%while3A_688 = %broadcast_in_dim3A_445, %while3A_689 = %broadcast_in_dim3A_447, %while3A_690 = %broadcast_in_dim3A_449, %while3A_691 = %broadcast_in_dim3A_451, %while3A_692 = %broadcast_in_dim3A_453, %while3A_693 = %broadcast_in_dim3A_455) -> (vector<1024x1xf32>, vector<1024x1xf32>, vector<1024x64xf32>, vector<1024x1xf32>, vector<1024x1xf32>, vector<1024x64xf32>)  : i32 {
      %mul3A_694 = arith.constant 1024 : i32
      %mul3A_695 = arith.muli %while3A_687, %mul3A_694 : i32
      %get3A_696 = arith.index_cast %mul3A_695 : i32 to index
      %get3A_697 = arith.constant 512 : index
      %get3A_698 = vector.load %arg2[%get3A_696, %get3A_697] : memref<2048x768xf32, #tpu.memory_space<vmem>>, vector<1024x64xf32>
      %convert_element_type3A_699 = arith.truncf %get3A_698 : vector<1024x64xf32> to vector<1024x64xbf16>
      %mul3A_700 = arith.constant 1024 : i32
      %mul3A_701 = arith.muli %while3A_687, %mul3A_700 : i32
      %get3A_702 = arith.index_cast %mul3A_701 : i32 to index
      %get3A_703 = arith.constant 512 : index
      %get3A_704 = vector.load %arg3[%get3A_702, %get3A_703] : memref<2048x768xf32, #tpu.memory_space<vmem>>, vector<1024x64xf32>
      %dot_general3A_705 = arith.constant dense<0.000000e+00> : vector<1024x1024xf32>
      %dot_general3A_706 = tpu.matmul %convert_element_type3A_436, %convert_element_type3A_699, %dot_general3A_705 {dimension_numbers = #tpu.dot_dimension_numbers<[1], [1], [0], [0], [0, 0, 1, 0], [], []>, transpose_lhs_hint = false} : vector<1024x64xbf16>, vector<1024x64xbf16>, vector<1024x1024xf32> -> vector<1024x1024xf32>
      %reduce_max3A_707 = arith.constant dense<0xFF800000> : vector<1024xf32>
      %reduce_max3A_708 = vector.multi_reduction <maximumf>, %dot_general3A_706, %reduce_max3A_707 [1] : vector<1024x1024xf32> to vector<1024xf32>
      %broadcast_in_dim3A_709 = vector.shape_cast %reduce_max3A_708 : vector<1024xf32> to vector<1024x1xf32>
      %max3A_710 = arith.maximumf %while3A_688, %broadcast_in_dim3A_709 : vector<1024x1xf32>
      %sub3A_711 = vector.broadcast %max3A_710 : vector<1024x1xf32> to vector<1024x1024xf32>
      %sub3A_712 = arith.subf %dot_general3A_706, %sub3A_711 : vector<1024x1024xf32>
      %exp3A_713 = math.exp %sub3A_712 : vector<1024x1024xf32>
      %sub3A_714 = arith.subf %while3A_688, %max3A_710 : vector<1024x1xf32>
      %exp3A_715 = math.exp %sub3A_714 : vector<1024x1xf32>
      %mul3A_716 = arith.mulf %while3A_689, %exp3A_715 : vector<1024x1xf32>
      %reduce_sum3A_717 = arith.constant dense<0.000000e+00> : vector<1024xf32>
      %reduce_sum3A_718 = vector.multi_reduction <add>, %exp3A_713, %reduce_sum3A_717 [1] : vector<1024x1024xf32> to vector<1024xf32>
      %broadcast_in_dim3A_719 = vector.shape_cast %reduce_sum3A_718 : vector<1024xf32> to vector<1024x1xf32>
      %add3A_720 = arith.addf %mul3A_716, %broadcast_in_dim3A_719 : vector<1024x1xf32>
      %mul3A_721 = vector.broadcast %exp3A_715 : vector<1024x1xf32> to vector<1024x64xf32>
      %mul3A_722 = arith.mulf %while3A_690, %mul3A_721 : vector<1024x64xf32>
      %dot_general3A_723 = arith.constant dense<0.000000e+00> : vector<1024x64xf32>
      %dot_general3A_724 = tpu.matmul %exp3A_713, %get3A_704, %dot_general3A_723 {dimension_numbers = #tpu.dot_dimension_numbers<[1], [0], [0], [1], [0, 0, 1, 1], [], []>, transpose_lhs_hint = false} : vector<1024x1024xf32>, vector<1024x64xf32>, vector<1024x64xf32> -> vector<1024x64xf32>
      %add3A_725 = arith.addf %mul3A_722, %dot_general3A_724 : vector<1024x64xf32>
      %mul3A_726 = arith.constant 1024 : i32
      %mul3A_727 = arith.muli %while3A_687, %mul3A_726 : i32
      %get3A_728 = arith.index_cast %mul3A_727 : i32 to index
      %get3A_729 = arith.constant 576 : index
      %get3A_730 = vector.load %arg2[%get3A_728, %get3A_729] : memref<2048x768xf32, #tpu.memory_space<vmem>>, vector<1024x64xf32>
      %convert_element_type3A_731 = arith.truncf %get3A_730 : vector<1024x64xf32> to vector<1024x64xbf16>
      %mul3A_732 = arith.constant 1024 : i32
      %mul3A_733 = arith.muli %while3A_687, %mul3A_732 : i32
      %get3A_734 = arith.index_cast %mul3A_733 : i32 to index
      %get3A_735 = arith.constant 576 : index
      %get3A_736 = vector.load %arg3[%get3A_734, %get3A_735] : memref<2048x768xf32, #tpu.memory_space<vmem>>, vector<1024x64xf32>
      %dot_general3A_737 = arith.constant dense<0.000000e+00> : vector<1024x1024xf32>
      %dot_general3A_738 = tpu.matmul %convert_element_type3A_443, %convert_element_type3A_731, %dot_general3A_737 {dimension_numbers = #tpu.dot_dimension_numbers<[1], [1], [0], [0], [0, 0, 1, 0], [], []>, transpose_lhs_hint = false} : vector<1024x64xbf16>, vector<1024x64xbf16>, vector<1024x1024xf32> -> vector<1024x1024xf32>
      %reduce_max3A_739 = arith.constant dense<0xFF800000> : vector<1024xf32>
      %reduce_max3A_740 = vector.multi_reduction <maximumf>, %dot_general3A_738, %reduce_max3A_739 [1] : vector<1024x1024xf32> to vector<1024xf32>
      %broadcast_in_dim3A_741 = vector.shape_cast %reduce_max3A_740 : vector<1024xf32> to vector<1024x1xf32>
      %max3A_742 = arith.maximumf %while3A_691, %broadcast_in_dim3A_741 : vector<1024x1xf32>
      %sub3A_743 = vector.broadcast %max3A_742 : vector<1024x1xf32> to vector<1024x1024xf32>
      %sub3A_744 = arith.subf %dot_general3A_738, %sub3A_743 : vector<1024x1024xf32>
      %exp3A_745 = math.exp %sub3A_744 : vector<1024x1024xf32>
      %sub3A_746 = arith.subf %while3A_691, %max3A_742 : vector<1024x1xf32>
      %exp3A_747 = math.exp %sub3A_746 : vector<1024x1xf32>
      %mul3A_748 = arith.mulf %while3A_692, %exp3A_747 : vector<1024x1xf32>
      %reduce_sum3A_749 = arith.constant dense<0.000000e+00> : vector<1024xf32>
      %reduce_sum3A_750 = vector.multi_reduction <add>, %exp3A_745, %reduce_sum3A_749 [1] : vector<1024x1024xf32> to vector<1024xf32>
      %broadcast_in_dim3A_751 = vector.shape_cast %reduce_sum3A_750 : vector<1024xf32> to vector<1024x1xf32>
      %add3A_752 = arith.addf %mul3A_748, %broadcast_in_dim3A_751 : vector<1024x1xf32>
      %mul3A_753 = vector.broadcast %exp3A_747 : vector<1024x1xf32> to vector<1024x64xf32>
      %mul3A_754 = arith.mulf %while3A_693, %mul3A_753 : vector<1024x64xf32>
      %dot_general3A_755 = arith.constant dense<0.000000e+00> : vector<1024x64xf32>
      %dot_general3A_756 = tpu.matmul %exp3A_745, %get3A_736, %dot_general3A_755 {dimension_numbers = #tpu.dot_dimension_numbers<[1], [0], [0], [1], [0, 0, 1, 1], [], []>, transpose_lhs_hint = false} : vector<1024x1024xf32>, vector<1024x64xf32>, vector<1024x64xf32> -> vector<1024x64xf32>
      %add3A_757 = arith.addf %mul3A_754, %dot_general3A_756 : vector<1024x64xf32>
      scf.yield %max3A_710, %add3A_720, %add3A_725, %max3A_742, %add3A_752, %add3A_757 : vector<1024x1xf32>, vector<1024x1xf32>, vector<1024x64xf32>, vector<1024x1xf32>, vector<1024x1xf32>, vector<1024x64xf32>
    }
    %while3A_465 = arith.constant 1 : i32
    %while3A_466:6 = scf.for %while3A_687 = %while3A_462 to %while3A_458 step %while3A_465 iter_args(%while3A_688 = %while3A_464#0, %while3A_689 = %while3A_464#1, %while3A_690 = %while3A_464#2, %while3A_691 = %while3A_464#3, %while3A_692 = %while3A_464#4, %while3A_693 = %while3A_464#5) -> (vector<1024x1xf32>, vector<1024x1xf32>, vector<1024x64xf32>, vector<1024x1xf32>, vector<1024x1xf32>, vector<1024x64xf32>)  : i32 {
      %mul3A_694 = arith.constant 1024 : i32
      %mul3A_695 = arith.muli %while3A_687, %mul3A_694 : i32
      %get3A_696 = arith.index_cast %mul3A_695 : i32 to index
      %get3A_697 = arith.constant 512 : index
      %get3A_698 = vector.load %arg2[%get3A_696, %get3A_697] : memref<2048x768xf32, #tpu.memory_space<vmem>>, vector<1024x64xf32>
      %convert_element_type3A_699 = arith.truncf %get3A_698 : vector<1024x64xf32> to vector<1024x64xbf16>
      %mul3A_700 = arith.constant 1024 : i32
      %mul3A_701 = arith.muli %while3A_687, %mul3A_700 : i32
      %get3A_702 = arith.index_cast %mul3A_701 : i32 to index
      %get3A_703 = arith.constant 512 : index
      %get3A_704 = vector.load %arg3[%get3A_702, %get3A_703] : memref<2048x768xf32, #tpu.memory_space<vmem>>, vector<1024x64xf32>
      %dot_general3A_705 = arith.constant dense<0.000000e+00> : vector<1024x1024xf32>
      %dot_general3A_706 = tpu.matmul %convert_element_type3A_436, %convert_element_type3A_699, %dot_general3A_705 {dimension_numbers = #tpu.dot_dimension_numbers<[1], [1], [0], [0], [0, 0, 1, 0], [], []>, transpose_lhs_hint = false} : vector<1024x64xbf16>, vector<1024x64xbf16>, vector<1024x1024xf32> -> vector<1024x1024xf32>
      %reduce_max3A_707 = arith.constant dense<0xFF800000> : vector<1024xf32>
      %reduce_max3A_708 = vector.multi_reduction <maximumf>, %dot_general3A_706, %reduce_max3A_707 [1] : vector<1024x1024xf32> to vector<1024xf32>
      %broadcast_in_dim3A_709 = vector.shape_cast %reduce_max3A_708 : vector<1024xf32> to vector<1024x1xf32>
      %max3A_710 = arith.maximumf %while3A_688, %broadcast_in_dim3A_709 : vector<1024x1xf32>
      %sub3A_711 = vector.broadcast %max3A_710 : vector<1024x1xf32> to vector<1024x1024xf32>
      %sub3A_712 = arith.subf %dot_general3A_706, %sub3A_711 : vector<1024x1024xf32>
      %exp3A_713 = math.exp %sub3A_712 : vector<1024x1024xf32>
      %sub3A_714 = arith.subf %while3A_688, %max3A_710 : vector<1024x1xf32>
      %exp3A_715 = math.exp %sub3A_714 : vector<1024x1xf32>
      %mul3A_716 = arith.mulf %while3A_689, %exp3A_715 : vector<1024x1xf32>
      %reduce_sum3A_717 = arith.constant dense<0.000000e+00> : vector<1024xf32>
      %reduce_sum3A_718 = vector.multi_reduction <add>, %exp3A_713, %reduce_sum3A_717 [1] : vector<1024x1024xf32> to vector<1024xf32>
      %broadcast_in_dim3A_719 = vector.shape_cast %reduce_sum3A_718 : vector<1024xf32> to vector<1024x1xf32>
      %add3A_720 = arith.addf %mul3A_716, %broadcast_in_dim3A_719 : vector<1024x1xf32>
      %mul3A_721 = vector.broadcast %exp3A_715 : vector<1024x1xf32> to vector<1024x64xf32>
      %mul3A_722 = arith.mulf %while3A_690, %mul3A_721 : vector<1024x64xf32>
      %dot_general3A_723 = arith.constant dense<0.000000e+00> : vector<1024x64xf32>
      %dot_general3A_724 = tpu.matmul %exp3A_713, %get3A_704, %dot_general3A_723 {dimension_numbers = #tpu.dot_dimension_numbers<[1], [0], [0], [1], [0, 0, 1, 1], [], []>, transpose_lhs_hint = false} : vector<1024x1024xf32>, vector<1024x64xf32>, vector<1024x64xf32> -> vector<1024x64xf32>
      %add3A_725 = arith.addf %mul3A_722, %dot_general3A_724 : vector<1024x64xf32>
      %mul3A_726 = arith.constant 1024 : i32
      %mul3A_727 = arith.muli %while3A_687, %mul3A_726 : i32
      %get3A_728 = arith.index_cast %mul3A_727 : i32 to index
      %get3A_729 = arith.constant 576 : index
      %get3A_730 = vector.load %arg2[%get3A_728, %get3A_729] : memref<2048x768xf32, #tpu.memory_space<vmem>>, vector<1024x64xf32>
      %convert_element_type3A_731 = arith.truncf %get3A_730 : vector<1024x64xf32> to vector<1024x64xbf16>
      %mul3A_732 = arith.constant 1024 : i32
      %mul3A_733 = arith.muli %while3A_687, %mul3A_732 : i32
      %get3A_734 = arith.index_cast %mul3A_733 : i32 to index
      %get3A_735 = arith.constant 576 : index
      %get3A_736 = vector.load %arg3[%get3A_734, %get3A_735] : memref<2048x768xf32, #tpu.memory_space<vmem>>, vector<1024x64xf32>
      %dot_general3A_737 = arith.constant dense<0.000000e+00> : vector<1024x1024xf32>
      %dot_general3A_738 = tpu.matmul %convert_element_type3A_443, %convert_element_type3A_731, %dot_general3A_737 {dimension_numbers = #tpu.dot_dimension_numbers<[1], [1], [0], [0], [0, 0, 1, 0], [], []>, transpose_lhs_hint = false} : vector<1024x64xbf16>, vector<1024x64xbf16>, vector<1024x1024xf32> -> vector<1024x1024xf32>
      %reduce_max3A_739 = arith.constant dense<0xFF800000> : vector<1024xf32>
      %reduce_max3A_740 = vector.multi_reduction <maximumf>, %dot_general3A_738, %reduce_max3A_739 [1] : vector<1024x1024xf32> to vector<1024xf32>
      %broadcast_in_dim3A_741 = vector.shape_cast %reduce_max3A_740 : vector<1024xf32> to vector<1024x1xf32>
      %max3A_742 = arith.maximumf %while3A_691, %broadcast_in_dim3A_741 : vector<1024x1xf32>
      %sub3A_743 = vector.broadcast %max3A_742 : vector<1024x1xf32> to vector<1024x1024xf32>
      %sub3A_744 = arith.subf %dot_general3A_738, %sub3A_743 : vector<1024x1024xf32>
      %exp3A_745 = math.exp %sub3A_744 : vector<1024x1024xf32>
      %sub3A_746 = arith.subf %while3A_691, %max3A_742 : vector<1024x1xf32>
      %exp3A_747 = math.exp %sub3A_746 : vector<1024x1xf32>
      %mul3A_748 = arith.mulf %while3A_692, %exp3A_747 : vector<1024x1xf32>
      %reduce_sum3A_749 = arith.constant dense<0.000000e+00> : vector<1024xf32>
      %reduce_sum3A_750 = vector.multi_reduction <add>, %exp3A_745, %reduce_sum3A_749 [1] : vector<1024x1024xf32> to vector<1024xf32>
      %broadcast_in_dim3A_751 = vector.shape_cast %reduce_sum3A_750 : vector<1024xf32> to vector<1024x1xf32>
      %add3A_752 = arith.addf %mul3A_748, %broadcast_in_dim3A_751 : vector<1024x1xf32>
      %mul3A_753 = vector.broadcast %exp3A_747 : vector<1024x1xf32> to vector<1024x64xf32>
      %mul3A_754 = arith.mulf %while3A_693, %mul3A_753 : vector<1024x64xf32>
      %dot_general3A_755 = arith.constant dense<0.000000e+00> : vector<1024x64xf32>
      %dot_general3A_756 = tpu.matmul %exp3A_745, %get3A_736, %dot_general3A_755 {dimension_numbers = #tpu.dot_dimension_numbers<[1], [0], [0], [1], [0, 0, 1, 1], [], []>, transpose_lhs_hint = false} : vector<1024x1024xf32>, vector<1024x64xf32>, vector<1024x64xf32> -> vector<1024x64xf32>
      %add3A_757 = arith.addf %mul3A_754, %dot_general3A_756 : vector<1024x64xf32>
      scf.yield %max3A_710, %add3A_720, %add3A_725, %max3A_742, %add3A_752, %add3A_757 : vector<1024x1xf32>, vector<1024x1xf32>, vector<1024x64xf32>, vector<1024x1xf32>, vector<1024x1xf32>, vector<1024x64xf32>
    }
    %mul3A_467 = arith.constant 1024 : i32
    %mul3A_468 = arith.muli %arg0, %mul3A_467 : i32
    %get3A_469 = arith.index_cast %mul3A_468 : i32 to index
    %get3A_470 = arith.constant 512 : index
    %get3A_471 = vector.load %arg2[%get3A_469, %get3A_470] : memref<2048x768xf32, #tpu.memory_space<vmem>>, vector<1024x64xf32>
    %convert_element_type3A_472 = arith.truncf %get3A_471 : vector<1024x64xf32> to vector<1024x64xbf16>
    %mul3A_473 = arith.constant 1024 : i32
    %mul3A_474 = arith.muli %arg0, %mul3A_473 : i32
    %get3A_475 = arith.index_cast %mul3A_474 : i32 to index
    %get3A_476 = arith.constant 512 : index
    %get3A_477 = vector.load %arg3[%get3A_475, %get3A_476] : memref<2048x768xf32, #tpu.memory_space<vmem>>, vector<1024x64xf32>
    %dot_general3A_478 = arith.constant dense<0.000000e+00> : vector<1024x1024xf32>
    %dot_general3A_479 = tpu.matmul %convert_element_type3A_436, %convert_element_type3A_472, %dot_general3A_478 {dimension_numbers = #tpu.dot_dimension_numbers<[1], [1], [0], [0], [0, 0, 1, 0], [], []>, transpose_lhs_hint = false} : vector<1024x64xbf16>, vector<1024x64xbf16>, vector<1024x1024xf32> -> vector<1024x1024xf32>
    %jit3A_480 = arith.constant -3.40282347E+38 : f32
    %broadcast_in_dim3A_481 = vector.broadcast %jit3A_480 : f32 to vector<1024x1024xf32>
    %select_n3A_482 = arith.select %le3A, %dot_general3A_479, %broadcast_in_dim3A_481 : vector<1024x1024xi1>, vector<1024x1024xf32>
    %reduce_max3A_483 = arith.constant dense<0xFF800000> : vector<1024xf32>
    %reduce_max3A_484 = vector.multi_reduction <maximumf>, %select_n3A_482, %reduce_max3A_483 [1] : vector<1024x1024xf32> to vector<1024xf32>
    %broadcast_in_dim3A_485 = vector.shape_cast %reduce_max3A_484 : vector<1024xf32> to vector<1024x1xf32>
    %max3A_486 = arith.maximumf %while3A_466#0, %broadcast_in_dim3A_485 : vector<1024x1xf32>
    %sub3A_487 = vector.broadcast %max3A_486 : vector<1024x1xf32> to vector<1024x1024xf32>
    %sub3A_488 = arith.subf %select_n3A_482, %sub3A_487 : vector<1024x1024xf32>
    %exp3A_489 = math.exp %sub3A_488 : vector<1024x1024xf32>
    %sub3A_490 = arith.subf %while3A_466#0, %max3A_486 : vector<1024x1xf32>
    %exp3A_491 = math.exp %sub3A_490 : vector<1024x1xf32>
    %mul3A_492 = arith.mulf %while3A_466#1, %exp3A_491 : vector<1024x1xf32>
    %reduce_sum3A_493 = arith.constant dense<0.000000e+00> : vector<1024xf32>
    %reduce_sum3A_494 = vector.multi_reduction <add>, %exp3A_489, %reduce_sum3A_493 [1] : vector<1024x1024xf32> to vector<1024xf32>
    %broadcast_in_dim3A_495 = vector.shape_cast %reduce_sum3A_494 : vector<1024xf32> to vector<1024x1xf32>
    %add3A_496 = arith.addf %mul3A_492, %broadcast_in_dim3A_495 : vector<1024x1xf32>
    %mul3A_497 = vector.broadcast %exp3A_491 : vector<1024x1xf32> to vector<1024x64xf32>
    %mul3A_498 = arith.mulf %while3A_466#2, %mul3A_497 : vector<1024x64xf32>
    %dot_general3A_499 = arith.constant dense<0.000000e+00> : vector<1024x64xf32>
    %dot_general3A_500 = tpu.matmul %exp3A_489, %get3A_477, %dot_general3A_499 {dimension_numbers = #tpu.dot_dimension_numbers<[1], [0], [0], [1], [0, 0, 1, 1], [], []>, transpose_lhs_hint = false} : vector<1024x1024xf32>, vector<1024x64xf32>, vector<1024x64xf32> -> vector<1024x64xf32>
    %add3A_501 = arith.addf %mul3A_498, %dot_general3A_500 : vector<1024x64xf32>
    %mul3A_502 = arith.constant 1024 : i32
    %mul3A_503 = arith.muli %arg0, %mul3A_502 : i32
    %get3A_504 = arith.index_cast %mul3A_503 : i32 to index
    %get3A_505 = arith.constant 576 : index
    %get3A_506 = vector.load %arg2[%get3A_504, %get3A_505] : memref<2048x768xf32, #tpu.memory_space<vmem>>, vector<1024x64xf32>
    %convert_element_type3A_507 = arith.truncf %get3A_506 : vector<1024x64xf32> to vector<1024x64xbf16>
    %mul3A_508 = arith.constant 1024 : i32
    %mul3A_509 = arith.muli %arg0, %mul3A_508 : i32
    %get3A_510 = arith.index_cast %mul3A_509 : i32 to index
    %get3A_511 = arith.constant 576 : index
    %get3A_512 = vector.load %arg3[%get3A_510, %get3A_511] : memref<2048x768xf32, #tpu.memory_space<vmem>>, vector<1024x64xf32>
    %dot_general3A_513 = arith.constant dense<0.000000e+00> : vector<1024x1024xf32>
    %dot_general3A_514 = tpu.matmul %convert_element_type3A_443, %convert_element_type3A_507, %dot_general3A_513 {dimension_numbers = #tpu.dot_dimension_numbers<[1], [1], [0], [0], [0, 0, 1, 0], [], []>, transpose_lhs_hint = false} : vector<1024x64xbf16>, vector<1024x64xbf16>, vector<1024x1024xf32> -> vector<1024x1024xf32>
    %jit3A_515 = arith.constant -3.40282347E+38 : f32
    %broadcast_in_dim3A_516 = vector.broadcast %jit3A_515 : f32 to vector<1024x1024xf32>
    %select_n3A_517 = arith.select %le3A, %dot_general3A_514, %broadcast_in_dim3A_516 : vector<1024x1024xi1>, vector<1024x1024xf32>
    %reduce_max3A_518 = arith.constant dense<0xFF800000> : vector<1024xf32>
    %reduce_max3A_519 = vector.multi_reduction <maximumf>, %select_n3A_517, %reduce_max3A_518 [1] : vector<1024x1024xf32> to vector<1024xf32>
    %broadcast_in_dim3A_520 = vector.shape_cast %reduce_max3A_519 : vector<1024xf32> to vector<1024x1xf32>
    %max3A_521 = arith.maximumf %while3A_466#3, %broadcast_in_dim3A_520 : vector<1024x1xf32>
    %sub3A_522 = vector.broadcast %max3A_521 : vector<1024x1xf32> to vector<1024x1024xf32>
    %sub3A_523 = arith.subf %select_n3A_517, %sub3A_522 : vector<1024x1024xf32>
    %exp3A_524 = math.exp %sub3A_523 : vector<1024x1024xf32>
    %sub3A_525 = arith.subf %while3A_466#3, %max3A_521 : vector<1024x1xf32>
    %exp3A_526 = math.exp %sub3A_525 : vector<1024x1xf32>
    %mul3A_527 = arith.mulf %while3A_466#4, %exp3A_526 : vector<1024x1xf32>
    %reduce_sum3A_528 = arith.constant dense<0.000000e+00> : vector<1024xf32>
    %reduce_sum3A_529 = vector.multi_reduction <add>, %exp3A_524, %reduce_sum3A_528 [1] : vector<1024x1024xf32> to vector<1024xf32>
    %broadcast_in_dim3A_530 = vector.shape_cast %reduce_sum3A_529 : vector<1024xf32> to vector<1024x1xf32>
    %add3A_531 = arith.addf %mul3A_527, %broadcast_in_dim3A_530 : vector<1024x1xf32>
    %mul3A_532 = vector.broadcast %exp3A_526 : vector<1024x1xf32> to vector<1024x64xf32>
    %mul3A_533 = arith.mulf %while3A_466#5, %mul3A_532 : vector<1024x64xf32>
    %dot_general3A_534 = arith.constant dense<0.000000e+00> : vector<1024x64xf32>
    %dot_general3A_535 = tpu.matmul %exp3A_524, %get3A_512, %dot_general3A_534 {dimension_numbers = #tpu.dot_dimension_numbers<[1], [0], [0], [1], [0, 0, 1, 1], [], []>, transpose_lhs_hint = false} : vector<1024x1024xf32>, vector<1024x64xf32>, vector<1024x64xf32> -> vector<1024x64xf32>
    %add3A_536 = arith.addf %mul3A_533, %dot_general3A_535 : vector<1024x64xf32>
    %div3A_537 = vector.broadcast %add3A_496 : vector<1024x1xf32> to vector<1024x64xf32>
    %div3A_538 = arith.divf %add3A_501, %div3A_537 : vector<1024x64xf32>
    %div3A_539 = vector.broadcast %add3A_531 : vector<1024x1xf32> to vector<1024x64xf32>
    %div3A_540 = arith.divf %add3A_536, %div3A_539 : vector<1024x64xf32>
    %get3A_541 = arith.constant 0 : index
    %get3A_542 = arith.constant 640 : index
    %get3A_543 = vector.load %arg1[%get3A_541, %get3A_542] : memref<1024x768xf32, #tpu.memory_space<vmem>>, vector<1024x64xf32>
    %mul3A_544 = arith.constant 1.250000e-01 : f32
    %mul3A_545 = vector.broadcast %mul3A_544 : f32 to vector<1024x64xf32>
    %mul3A_546 = arith.mulf %get3A_543, %mul3A_545 : vector<1024x64xf32>
    %convert_element_type3A_547 = arith.truncf %mul3A_546 : vector<1024x64xf32> to vector<1024x64xbf16>
    %get3A_548 = arith.constant 0 : index
    %get3A_549 = arith.constant 704 : index
    %get3A_550 = vector.load %arg1[%get3A_548, %get3A_549] : memref<1024x768xf32, #tpu.memory_space<vmem>>, vector<1024x64xf32>
    %mul3A_551 = arith.constant 1.250000e-01 : f32
    %mul3A_552 = vector.broadcast %mul3A_551 : f32 to vector<1024x64xf32>
    %mul3A_553 = arith.mulf %get3A_550, %mul3A_552 : vector<1024x64xf32>
    %convert_element_type3A_554 = arith.truncf %mul3A_553 : vector<1024x64xf32> to vector<1024x64xbf16>
    %broadcast_in_dim3A_555 = arith.constant 0xFF800000 : f32
    %broadcast_in_dim3A_556 = vector.broadcast %broadcast_in_dim3A_555 : f32 to vector<1024x1xf32>
    %broadcast_in_dim3A_557 = arith.constant 0.000000e+00 : f32
    %broadcast_in_dim3A_558 = vector.broadcast %broadcast_in_dim3A_557 : f32 to vector<1024x1xf32>
    %broadcast_in_dim3A_559 = arith.constant 0.000000e+00 : f32
    %broadcast_in_dim3A_560 = vector.broadcast %broadcast_in_dim3A_559 : f32 to vector<1024x64xf32>
    %broadcast_in_dim3A_561 = arith.constant 0xFF800000 : f32
    %broadcast_in_dim3A_562 = vector.broadcast %broadcast_in_dim3A_561 : f32 to vector<1024x1xf32>
    %broadcast_in_dim3A_563 = arith.constant 0.000000e+00 : f32
    %broadcast_in_dim3A_564 = vector.broadcast %broadcast_in_dim3A_563 : f32 to vector<1024x1xf32>
    %broadcast_in_dim3A_565 = arith.constant 0.000000e+00 : f32
    %broadcast_in_dim3A_566 = vector.broadcast %broadcast_in_dim3A_565 : f32 to vector<1024x64xf32>
    %while3A_567 = arith.constant 0 : i32
    %while3A_568 = arith.subi %arg0, %while3A_567 : i32
    %while3A_569 = arith.addi %while3A_567, %while3A_568 : i32
    %while3A_570 = arith.constant 1 : i32
    %while3A_571 = arith.divsi %while3A_568, %while3A_570 : i32
    %while3A_572 = arith.muli %while3A_571, %while3A_570 : i32
    %while3A_573 = arith.addi %while3A_567, %while3A_572 : i32
    %while3A_574 = arith.constant 1 : i32
    %while3A_575:6 = scf.for %while3A_687 = %while3A_567 to %while3A_573 step %while3A_574 iter_args(%while3A_688 = %broadcast_in_dim3A_556, %while3A_689 = %broadcast_in_dim3A_558, %while3A_690 = %broadcast_in_dim3A_560, %while3A_691 = %broadcast_in_dim3A_562, %while3A_692 = %broadcast_in_dim3A_564, %while3A_693 = %broadcast_in_dim3A_566) -> (vector<1024x1xf32>, vector<1024x1xf32>, vector<1024x64xf32>, vector<1024x1xf32>, vector<1024x1xf32>, vector<1024x64xf32>)  : i32 {
      %mul3A_694 = arith.constant 1024 : i32
      %mul3A_695 = arith.muli %while3A_687, %mul3A_694 : i32
      %get3A_696 = arith.index_cast %mul3A_695 : i32 to index
      %get3A_697 = arith.constant 640 : index
      %get3A_698 = vector.load %arg2[%get3A_696, %get3A_697] : memref<2048x768xf32, #tpu.memory_space<vmem>>, vector<1024x64xf32>
      %convert_element_type3A_699 = arith.truncf %get3A_698 : vector<1024x64xf32> to vector<1024x64xbf16>
      %mul3A_700 = arith.constant 1024 : i32
      %mul3A_701 = arith.muli %while3A_687, %mul3A_700 : i32
      %get3A_702 = arith.index_cast %mul3A_701 : i32 to index
      %get3A_703 = arith.constant 640 : index
      %get3A_704 = vector.load %arg3[%get3A_702, %get3A_703] : memref<2048x768xf32, #tpu.memory_space<vmem>>, vector<1024x64xf32>
      %dot_general3A_705 = arith.constant dense<0.000000e+00> : vector<1024x1024xf32>
      %dot_general3A_706 = tpu.matmul %convert_element_type3A_547, %convert_element_type3A_699, %dot_general3A_705 {dimension_numbers = #tpu.dot_dimension_numbers<[1], [1], [0], [0], [0, 0, 1, 0], [], []>, transpose_lhs_hint = false} : vector<1024x64xbf16>, vector<1024x64xbf16>, vector<1024x1024xf32> -> vector<1024x1024xf32>
      %reduce_max3A_707 = arith.constant dense<0xFF800000> : vector<1024xf32>
      %reduce_max3A_708 = vector.multi_reduction <maximumf>, %dot_general3A_706, %reduce_max3A_707 [1] : vector<1024x1024xf32> to vector<1024xf32>
      %broadcast_in_dim3A_709 = vector.shape_cast %reduce_max3A_708 : vector<1024xf32> to vector<1024x1xf32>
      %max3A_710 = arith.maximumf %while3A_688, %broadcast_in_dim3A_709 : vector<1024x1xf32>
      %sub3A_711 = vector.broadcast %max3A_710 : vector<1024x1xf32> to vector<1024x1024xf32>
      %sub3A_712 = arith.subf %dot_general3A_706, %sub3A_711 : vector<1024x1024xf32>
      %exp3A_713 = math.exp %sub3A_712 : vector<1024x1024xf32>
      %sub3A_714 = arith.subf %while3A_688, %max3A_710 : vector<1024x1xf32>
      %exp3A_715 = math.exp %sub3A_714 : vector<1024x1xf32>
      %mul3A_716 = arith.mulf %while3A_689, %exp3A_715 : vector<1024x1xf32>
      %reduce_sum3A_717 = arith.constant dense<0.000000e+00> : vector<1024xf32>
      %reduce_sum3A_718 = vector.multi_reduction <add>, %exp3A_713, %reduce_sum3A_717 [1] : vector<1024x1024xf32> to vector<1024xf32>
      %broadcast_in_dim3A_719 = vector.shape_cast %reduce_sum3A_718 : vector<1024xf32> to vector<1024x1xf32>
      %add3A_720 = arith.addf %mul3A_716, %broadcast_in_dim3A_719 : vector<1024x1xf32>
      %mul3A_721 = vector.broadcast %exp3A_715 : vector<1024x1xf32> to vector<1024x64xf32>
      %mul3A_722 = arith.mulf %while3A_690, %mul3A_721 : vector<1024x64xf32>
      %dot_general3A_723 = arith.constant dense<0.000000e+00> : vector<1024x64xf32>
      %dot_general3A_724 = tpu.matmul %exp3A_713, %get3A_704, %dot_general3A_723 {dimension_numbers = #tpu.dot_dimension_numbers<[1], [0], [0], [1], [0, 0, 1, 1], [], []>, transpose_lhs_hint = false} : vector<1024x1024xf32>, vector<1024x64xf32>, vector<1024x64xf32> -> vector<1024x64xf32>
      %add3A_725 = arith.addf %mul3A_722, %dot_general3A_724 : vector<1024x64xf32>
      %mul3A_726 = arith.constant 1024 : i32
      %mul3A_727 = arith.muli %while3A_687, %mul3A_726 : i32
      %get3A_728 = arith.index_cast %mul3A_727 : i32 to index
      %get3A_729 = arith.constant 704 : index
      %get3A_730 = vector.load %arg2[%get3A_728, %get3A_729] : memref<2048x768xf32, #tpu.memory_space<vmem>>, vector<1024x64xf32>
      %convert_element_type3A_731 = arith.truncf %get3A_730 : vector<1024x64xf32> to vector<1024x64xbf16>
      %mul3A_732 = arith.constant 1024 : i32
      %mul3A_733 = arith.muli %while3A_687, %mul3A_732 : i32
      %get3A_734 = arith.index_cast %mul3A_733 : i32 to index
      %get3A_735 = arith.constant 704 : index
      %get3A_736 = vector.load %arg3[%get3A_734, %get3A_735] : memref<2048x768xf32, #tpu.memory_space<vmem>>, vector<1024x64xf32>
      %dot_general3A_737 = arith.constant dense<0.000000e+00> : vector<1024x1024xf32>
      %dot_general3A_738 = tpu.matmul %convert_element_type3A_554, %convert_element_type3A_731, %dot_general3A_737 {dimension_numbers = #tpu.dot_dimension_numbers<[1], [1], [0], [0], [0, 0, 1, 0], [], []>, transpose_lhs_hint = false} : vector<1024x64xbf16>, vector<1024x64xbf16>, vector<1024x1024xf32> -> vector<1024x1024xf32>
      %reduce_max3A_739 = arith.constant dense<0xFF800000> : vector<1024xf32>
      %reduce_max3A_740 = vector.multi_reduction <maximumf>, %dot_general3A_738, %reduce_max3A_739 [1] : vector<1024x1024xf32> to vector<1024xf32>
      %broadcast_in_dim3A_741 = vector.shape_cast %reduce_max3A_740 : vector<1024xf32> to vector<1024x1xf32>
      %max3A_742 = arith.maximumf %while3A_691, %broadcast_in_dim3A_741 : vector<1024x1xf32>
      %sub3A_743 = vector.broadcast %max3A_742 : vector<1024x1xf32> to vector<1024x1024xf32>
      %sub3A_744 = arith.subf %dot_general3A_738, %sub3A_743 : vector<1024x1024xf32>
      %exp3A_745 = math.exp %sub3A_744 : vector<1024x1024xf32>
      %sub3A_746 = arith.subf %while3A_691, %max3A_742 : vector<1024x1xf32>
      %exp3A_747 = math.exp %sub3A_746 : vector<1024x1xf32>
      %mul3A_748 = arith.mulf %while3A_692, %exp3A_747 : vector<1024x1xf32>
      %reduce_sum3A_749 = arith.constant dense<0.000000e+00> : vector<1024xf32>
      %reduce_sum3A_750 = vector.multi_reduction <add>, %exp3A_745, %reduce_sum3A_749 [1] : vector<1024x1024xf32> to vector<1024xf32>
      %broadcast_in_dim3A_751 = vector.shape_cast %reduce_sum3A_750 : vector<1024xf32> to vector<1024x1xf32>
      %add3A_752 = arith.addf %mul3A_748, %broadcast_in_dim3A_751 : vector<1024x1xf32>
      %mul3A_753 = vector.broadcast %exp3A_747 : vector<1024x1xf32> to vector<1024x64xf32>
      %mul3A_754 = arith.mulf %while3A_693, %mul3A_753 : vector<1024x64xf32>
      %dot_general3A_755 = arith.constant dense<0.000000e+00> : vector<1024x64xf32>
      %dot_general3A_756 = tpu.matmul %exp3A_745, %get3A_736, %dot_general3A_755 {dimension_numbers = #tpu.dot_dimension_numbers<[1], [0], [0], [1], [0, 0, 1, 1], [], []>, transpose_lhs_hint = false} : vector<1024x1024xf32>, vector<1024x64xf32>, vector<1024x64xf32> -> vector<1024x64xf32>
      %add3A_757 = arith.addf %mul3A_754, %dot_general3A_756 : vector<1024x64xf32>
      scf.yield %max3A_710, %add3A_720, %add3A_725, %max3A_742, %add3A_752, %add3A_757 : vector<1024x1xf32>, vector<1024x1xf32>, vector<1024x64xf32>, vector<1024x1xf32>, vector<1024x1xf32>, vector<1024x64xf32>
    }
    %while3A_576 = arith.constant 1 : i32
    %while3A_577:6 = scf.for %while3A_687 = %while3A_573 to %while3A_569 step %while3A_576 iter_args(%while3A_688 = %while3A_575#0, %while3A_689 = %while3A_575#1, %while3A_690 = %while3A_575#2, %while3A_691 = %while3A_575#3, %while3A_692 = %while3A_575#4, %while3A_693 = %while3A_575#5) -> (vector<1024x1xf32>, vector<1024x1xf32>, vector<1024x64xf32>, vector<1024x1xf32>, vector<1024x1xf32>, vector<1024x64xf32>)  : i32 {
      %mul3A_694 = arith.constant 1024 : i32
      %mul3A_695 = arith.muli %while3A_687, %mul3A_694 : i32
      %get3A_696 = arith.index_cast %mul3A_695 : i32 to index
      %get3A_697 = arith.constant 640 : index
      %get3A_698 = vector.load %arg2[%get3A_696, %get3A_697] : memref<2048x768xf32, #tpu.memory_space<vmem>>, vector<1024x64xf32>
      %convert_element_type3A_699 = arith.truncf %get3A_698 : vector<1024x64xf32> to vector<1024x64xbf16>
      %mul3A_700 = arith.constant 1024 : i32
      %mul3A_701 = arith.muli %while3A_687, %mul3A_700 : i32
      %get3A_702 = arith.index_cast %mul3A_701 : i32 to index
      %get3A_703 = arith.constant 640 : index
      %get3A_704 = vector.load %arg3[%get3A_702, %get3A_703] : memref<2048x768xf32, #tpu.memory_space<vmem>>, vector<1024x64xf32>
      %dot_general3A_705 = arith.constant dense<0.000000e+00> : vector<1024x1024xf32>
      %dot_general3A_706 = tpu.matmul %convert_element_type3A_547, %convert_element_type3A_699, %dot_general3A_705 {dimension_numbers = #tpu.dot_dimension_numbers<[1], [1], [0], [0], [0, 0, 1, 0], [], []>, transpose_lhs_hint = false} : vector<1024x64xbf16>, vector<1024x64xbf16>, vector<1024x1024xf32> -> vector<1024x1024xf32>
      %reduce_max3A_707 = arith.constant dense<0xFF800000> : vector<1024xf32>
      %reduce_max3A_708 = vector.multi_reduction <maximumf>, %dot_general3A_706, %reduce_max3A_707 [1] : vector<1024x1024xf32> to vector<1024xf32>
      %broadcast_in_dim3A_709 = vector.shape_cast %reduce_max3A_708 : vector<1024xf32> to vector<1024x1xf32>
      %max3A_710 = arith.maximumf %while3A_688, %broadcast_in_dim3A_709 : vector<1024x1xf32>
      %sub3A_711 = vector.broadcast %max3A_710 : vector<1024x1xf32> to vector<1024x1024xf32>
      %sub3A_712 = arith.subf %dot_general3A_706, %sub3A_711 : vector<1024x1024xf32>
      %exp3A_713 = math.exp %sub3A_712 : vector<1024x1024xf32>
      %sub3A_714 = arith.subf %while3A_688, %max3A_710 : vector<1024x1xf32>
      %exp3A_715 = math.exp %sub3A_714 : vector<1024x1xf32>
      %mul3A_716 = arith.mulf %while3A_689, %exp3A_715 : vector<1024x1xf32>
      %reduce_sum3A_717 = arith.constant dense<0.000000e+00> : vector<1024xf32>
      %reduce_sum3A_718 = vector.multi_reduction <add>, %exp3A_713, %reduce_sum3A_717 [1] : vector<1024x1024xf32> to vector<1024xf32>
      %broadcast_in_dim3A_719 = vector.shape_cast %reduce_sum3A_718 : vector<1024xf32> to vector<1024x1xf32>
      %add3A_720 = arith.addf %mul3A_716, %broadcast_in_dim3A_719 : vector<1024x1xf32>
      %mul3A_721 = vector.broadcast %exp3A_715 : vector<1024x1xf32> to vector<1024x64xf32>
      %mul3A_722 = arith.mulf %while3A_690, %mul3A_721 : vector<1024x64xf32>
      %dot_general3A_723 = arith.constant dense<0.000000e+00> : vector<1024x64xf32>
      %dot_general3A_724 = tpu.matmul %exp3A_713, %get3A_704, %dot_general3A_723 {dimension_numbers = #tpu.dot_dimension_numbers<[1], [0], [0], [1], [0, 0, 1, 1], [], []>, transpose_lhs_hint = false} : vector<1024x1024xf32>, vector<1024x64xf32>, vector<1024x64xf32> -> vector<1024x64xf32>
      %add3A_725 = arith.addf %mul3A_722, %dot_general3A_724 : vector<1024x64xf32>
      %mul3A_726 = arith.constant 1024 : i32
      %mul3A_727 = arith.muli %while3A_687, %mul3A_726 : i32
      %get3A_728 = arith.index_cast %mul3A_727 : i32 to index
      %get3A_729 = arith.constant 704 : index
      %get3A_730 = vector.load %arg2[%get3A_728, %get3A_729] : memref<2048x768xf32, #tpu.memory_space<vmem>>, vector<1024x64xf32>
      %convert_element_type3A_731 = arith.truncf %get3A_730 : vector<1024x64xf32> to vector<1024x64xbf16>
      %mul3A_732 = arith.constant 1024 : i32
      %mul3A_733 = arith.muli %while3A_687, %mul3A_732 : i32
      %get3A_734 = arith.index_cast %mul3A_733 : i32 to index
      %get3A_735 = arith.constant 704 : index
      %get3A_736 = vector.load %arg3[%get3A_734, %get3A_735] : memref<2048x768xf32, #tpu.memory_space<vmem>>, vector<1024x64xf32>
      %dot_general3A_737 = arith.constant dense<0.000000e+00> : vector<1024x1024xf32>
      %dot_general3A_738 = tpu.matmul %convert_element_type3A_554, %convert_element_type3A_731, %dot_general3A_737 {dimension_numbers = #tpu.dot_dimension_numbers<[1], [1], [0], [0], [0, 0, 1, 0], [], []>, transpose_lhs_hint = false} : vector<1024x64xbf16>, vector<1024x64xbf16>, vector<1024x1024xf32> -> vector<1024x1024xf32>
      %reduce_max3A_739 = arith.constant dense<0xFF800000> : vector<1024xf32>
      %reduce_max3A_740 = vector.multi_reduction <maximumf>, %dot_general3A_738, %reduce_max3A_739 [1] : vector<1024x1024xf32> to vector<1024xf32>
      %broadcast_in_dim3A_741 = vector.shape_cast %reduce_max3A_740 : vector<1024xf32> to vector<1024x1xf32>
      %max3A_742 = arith.maximumf %while3A_691, %broadcast_in_dim3A_741 : vector<1024x1xf32>
      %sub3A_743 = vector.broadcast %max3A_742 : vector<1024x1xf32> to vector<1024x1024xf32>
      %sub3A_744 = arith.subf %dot_general3A_738, %sub3A_743 : vector<1024x1024xf32>
      %exp3A_745 = math.exp %sub3A_744 : vector<1024x1024xf32>
      %sub3A_746 = arith.subf %while3A_691, %max3A_742 : vector<1024x1xf32>
      %exp3A_747 = math.exp %sub3A_746 : vector<1024x1xf32>
      %mul3A_748 = arith.mulf %while3A_692, %exp3A_747 : vector<1024x1xf32>
      %reduce_sum3A_749 = arith.constant dense<0.000000e+00> : vector<1024xf32>
      %reduce_sum3A_750 = vector.multi_reduction <add>, %exp3A_745, %reduce_sum3A_749 [1] : vector<1024x1024xf32> to vector<1024xf32>
      %broadcast_in_dim3A_751 = vector.shape_cast %reduce_sum3A_750 : vector<1024xf32> to vector<1024x1xf32>
      %add3A_752 = arith.addf %mul3A_748, %broadcast_in_dim3A_751 : vector<1024x1xf32>
      %mul3A_753 = vector.broadcast %exp3A_747 : vector<1024x1xf32> to vector<1024x64xf32>
      %mul3A_754 = arith.mulf %while3A_693, %mul3A_753 : vector<1024x64xf32>
      %dot_general3A_755 = arith.constant dense<0.000000e+00> : vector<1024x64xf32>
      %dot_general3A_756 = tpu.matmul %exp3A_745, %get3A_736, %dot_general3A_755 {dimension_numbers = #tpu.dot_dimension_numbers<[1], [0], [0], [1], [0, 0, 1, 1], [], []>, transpose_lhs_hint = false} : vector<1024x1024xf32>, vector<1024x64xf32>, vector<1024x64xf32> -> vector<1024x64xf32>
      %add3A_757 = arith.addf %mul3A_754, %dot_general3A_756 : vector<1024x64xf32>
      scf.yield %max3A_710, %add3A_720, %add3A_725, %max3A_742, %add3A_752, %add3A_757 : vector<1024x1xf32>, vector<1024x1xf32>, vector<1024x64xf32>, vector<1024x1xf32>, vector<1024x1xf32>, vector<1024x64xf32>
    }
    %mul3A_578 = arith.constant 1024 : i32
    %mul3A_579 = arith.muli %arg0, %mul3A_578 : i32
    %get3A_580 = arith.index_cast %mul3A_579 : i32 to index
    %get3A_581 = arith.constant 640 : index
    %get3A_582 = vector.load %arg2[%get3A_580, %get3A_581] : memref<2048x768xf32, #tpu.memory_space<vmem>>, vector<1024x64xf32>
    %convert_element_type3A_583 = arith.truncf %get3A_582 : vector<1024x64xf32> to vector<1024x64xbf16>
    %mul3A_584 = arith.constant 1024 : i32
    %mul3A_585 = arith.muli %arg0, %mul3A_584 : i32
    %get3A_586 = arith.index_cast %mul3A_585 : i32 to index
    %get3A_587 = arith.constant 640 : index
    %get3A_588 = vector.load %arg3[%get3A_586, %get3A_587] : memref<2048x768xf32, #tpu.memory_space<vmem>>, vector<1024x64xf32>
    %dot_general3A_589 = arith.constant dense<0.000000e+00> : vector<1024x1024xf32>
    %dot_general3A_590 = tpu.matmul %convert_element_type3A_547, %convert_element_type3A_583, %dot_general3A_589 {dimension_numbers = #tpu.dot_dimension_numbers<[1], [1], [0], [0], [0, 0, 1, 0], [], []>, transpose_lhs_hint = false} : vector<1024x64xbf16>, vector<1024x64xbf16>, vector<1024x1024xf32> -> vector<1024x1024xf32>
    %jit3A_591 = arith.constant -3.40282347E+38 : f32
    %broadcast_in_dim3A_592 = vector.broadcast %jit3A_591 : f32 to vector<1024x1024xf32>
    %select_n3A_593 = arith.select %le3A, %dot_general3A_590, %broadcast_in_dim3A_592 : vector<1024x1024xi1>, vector<1024x1024xf32>
    %reduce_max3A_594 = arith.constant dense<0xFF800000> : vector<1024xf32>
    %reduce_max3A_595 = vector.multi_reduction <maximumf>, %select_n3A_593, %reduce_max3A_594 [1] : vector<1024x1024xf32> to vector<1024xf32>
    %broadcast_in_dim3A_596 = vector.shape_cast %reduce_max3A_595 : vector<1024xf32> to vector<1024x1xf32>
    %max3A_597 = arith.maximumf %while3A_577#0, %broadcast_in_dim3A_596 : vector<1024x1xf32>
    %sub3A_598 = vector.broadcast %max3A_597 : vector<1024x1xf32> to vector<1024x1024xf32>
    %sub3A_599 = arith.subf %select_n3A_593, %sub3A_598 : vector<1024x1024xf32>
    %exp3A_600 = math.exp %sub3A_599 : vector<1024x1024xf32>
    %sub3A_601 = arith.subf %while3A_577#0, %max3A_597 : vector<1024x1xf32>
    %exp3A_602 = math.exp %sub3A_601 : vector<1024x1xf32>
    %mul3A_603 = arith.mulf %while3A_577#1, %exp3A_602 : vector<1024x1xf32>
    %reduce_sum3A_604 = arith.constant dense<0.000000e+00> : vector<1024xf32>
    %reduce_sum3A_605 = vector.multi_reduction <add>, %exp3A_600, %reduce_sum3A_604 [1] : vector<1024x1024xf32> to vector<1024xf32>
    %broadcast_in_dim3A_606 = vector.shape_cast %reduce_sum3A_605 : vector<1024xf32> to vector<1024x1xf32>
    %add3A_607 = arith.addf %mul3A_603, %broadcast_in_dim3A_606 : vector<1024x1xf32>
    %mul3A_608 = vector.broadcast %exp3A_602 : vector<1024x1xf32> to vector<1024x64xf32>
    %mul3A_609 = arith.mulf %while3A_577#2, %mul3A_608 : vector<1024x64xf32>
    %dot_general3A_610 = arith.constant dense<0.000000e+00> : vector<1024x64xf32>
    %dot_general3A_611 = tpu.matmul %exp3A_600, %get3A_588, %dot_general3A_610 {dimension_numbers = #tpu.dot_dimension_numbers<[1], [0], [0], [1], [0, 0, 1, 1], [], []>, transpose_lhs_hint = false} : vector<1024x1024xf32>, vector<1024x64xf32>, vector<1024x64xf32> -> vector<1024x64xf32>
    %add3A_612 = arith.addf %mul3A_609, %dot_general3A_611 : vector<1024x64xf32>
    %mul3A_613 = arith.constant 1024 : i32
    %mul3A_614 = arith.muli %arg0, %mul3A_613 : i32
    %get3A_615 = arith.index_cast %mul3A_614 : i32 to index
    %get3A_616 = arith.constant 704 : index
    %get3A_617 = vector.load %arg2[%get3A_615, %get3A_616] : memref<2048x768xf32, #tpu.memory_space<vmem>>, vector<1024x64xf32>
    %convert_element_type3A_618 = arith.truncf %get3A_617 : vector<1024x64xf32> to vector<1024x64xbf16>
    %mul3A_619 = arith.constant 1024 : i32
    %mul3A_620 = arith.muli %arg0, %mul3A_619 : i32
    %get3A_621 = arith.index_cast %mul3A_620 : i32 to index
    %get3A_622 = arith.constant 704 : index
    %get3A_623 = vector.load %arg3[%get3A_621, %get3A_622] : memref<2048x768xf32, #tpu.memory_space<vmem>>, vector<1024x64xf32>
    %dot_general3A_624 = arith.constant dense<0.000000e+00> : vector<1024x1024xf32>
    %dot_general3A_625 = tpu.matmul %convert_element_type3A_554, %convert_element_type3A_618, %dot_general3A_624 {dimension_numbers = #tpu.dot_dimension_numbers<[1], [1], [0], [0], [0, 0, 1, 0], [], []>, transpose_lhs_hint = false} : vector<1024x64xbf16>, vector<1024x64xbf16>, vector<1024x1024xf32> -> vector<1024x1024xf32>
    %jit3A_626 = arith.constant -3.40282347E+38 : f32
    %broadcast_in_dim3A_627 = vector.broadcast %jit3A_626 : f32 to vector<1024x1024xf32>
    %select_n3A_628 = arith.select %le3A, %dot_general3A_625, %broadcast_in_dim3A_627 : vector<1024x1024xi1>, vector<1024x1024xf32>
    %reduce_max3A_629 = arith.constant dense<0xFF800000> : vector<1024xf32>
    %reduce_max3A_630 = vector.multi_reduction <maximumf>, %select_n3A_628, %reduce_max3A_629 [1] : vector<1024x1024xf32> to vector<1024xf32>
    %broadcast_in_dim3A_631 = vector.shape_cast %reduce_max3A_630 : vector<1024xf32> to vector<1024x1xf32>
    %max3A_632 = arith.maximumf %while3A_577#3, %broadcast_in_dim3A_631 : vector<1024x1xf32>
    %sub3A_633 = vector.broadcast %max3A_632 : vector<1024x1xf32> to vector<1024x1024xf32>
    %sub3A_634 = arith.subf %select_n3A_628, %sub3A_633 : vector<1024x1024xf32>
    %exp3A_635 = math.exp %sub3A_634 : vector<1024x1024xf32>
    %sub3A_636 = arith.subf %while3A_577#3, %max3A_632 : vector<1024x1xf32>
    %exp3A_637 = math.exp %sub3A_636 : vector<1024x1xf32>
    %mul3A_638 = arith.mulf %while3A_577#4, %exp3A_637 : vector<1024x1xf32>
    %reduce_sum3A_639 = arith.constant dense<0.000000e+00> : vector<1024xf32>
    %reduce_sum3A_640 = vector.multi_reduction <add>, %exp3A_635, %reduce_sum3A_639 [1] : vector<1024x1024xf32> to vector<1024xf32>
    %broadcast_in_dim3A_641 = vector.shape_cast %reduce_sum3A_640 : vector<1024xf32> to vector<1024x1xf32>
    %add3A_642 = arith.addf %mul3A_638, %broadcast_in_dim3A_641 : vector<1024x1xf32>
    %mul3A_643 = vector.broadcast %exp3A_637 : vector<1024x1xf32> to vector<1024x64xf32>
    %mul3A_644 = arith.mulf %while3A_577#5, %mul3A_643 : vector<1024x64xf32>
    %dot_general3A_645 = arith.constant dense<0.000000e+00> : vector<1024x64xf32>
    %dot_general3A_646 = tpu.matmul %exp3A_635, %get3A_623, %dot_general3A_645 {dimension_numbers = #tpu.dot_dimension_numbers<[1], [0], [0], [1], [0, 0, 1, 1], [], []>, transpose_lhs_hint = false} : vector<1024x1024xf32>, vector<1024x64xf32>, vector<1024x64xf32> -> vector<1024x64xf32>
    %add3A_647 = arith.addf %mul3A_644, %dot_general3A_646 : vector<1024x64xf32>
    %div3A_648 = vector.broadcast %add3A_607 : vector<1024x1xf32> to vector<1024x64xf32>
    %div3A_649 = arith.divf %add3A_612, %div3A_648 : vector<1024x64xf32>
    %div3A_650 = vector.broadcast %add3A_642 : vector<1024x1xf32> to vector<1024x64xf32>
    %div3A_651 = arith.divf %add3A_647, %div3A_650 : vector<1024x64xf32>
    %swap3A = arith.constant 0 : index
    %swap3A_652 = arith.constant 0 : index
    %swap3A_653 = vector.load %arg4[%swap3A, %swap3A_652] : memref<1024x768xf32, #tpu.memory_space<vmem>>, vector<1024x64xf32>
    tpu.vector_store %arg4[%swap3A, %swap3A_652], %div3A_94 {strides = array<i32>} : memref<1024x768xf32, #tpu.memory_space<vmem>>, vector<1024x64xf32>,
    %swap3A_654 = arith.constant 0 : index
    %swap3A_655 = arith.constant 64 : index
    %swap3A_656 = vector.load %arg4[%swap3A_654, %swap3A_655] : memref<1024x768xf32, #tpu.memory_space<vmem>>, vector<1024x64xf32>
    tpu.vector_store %arg4[%swap3A_654, %swap3A_655], %div3A_96 {strides = array<i32>} : memref<1024x768xf32, #tpu.memory_space<vmem>>, vector<1024x64xf32>,
    %swap3A_657 = arith.constant 0 : index
    %swap3A_658 = arith.constant 128 : index
    %swap3A_659 = vector.load %arg4[%swap3A_657, %swap3A_658] : memref<1024x768xf32, #tpu.memory_space<vmem>>, vector<1024x64xf32>
    tpu.vector_store %arg4[%swap3A_657, %swap3A_658], %div3A_205 {strides = array<i32>} : memref<1024x768xf32, #tpu.memory_space<vmem>>, vector<1024x64xf32>,
    %swap3A_660 = arith.constant 0 : index
    %swap3A_661 = arith.constant 192 : index
    %swap3A_662 = vector.load %arg4[%swap3A_660, %swap3A_661] : memref<1024x768xf32, #tpu.memory_space<vmem>>, vector<1024x64xf32>
    tpu.vector_store %arg4[%swap3A_660, %swap3A_661], %div3A_207 {strides = array<i32>} : memref<1024x768xf32, #tpu.memory_space<vmem>>, vector<1024x64xf32>,
    %swap3A_663 = arith.constant 0 : index
    %swap3A_664 = arith.constant 256 : index
    %swap3A_665 = vector.load %arg4[%swap3A_663, %swap3A_664] : memref<1024x768xf32, #tpu.memory_space<vmem>>, vector<1024x64xf32>
    tpu.vector_store %arg4[%swap3A_663, %swap3A_664], %div3A_316 {strides = array<i32>} : memref<1024x768xf32, #tpu.memory_space<vmem>>, vector<1024x64xf32>,
    %swap3A_666 = arith.constant 0 : index
    %swap3A_667 = arith.constant 320 : index
    %swap3A_668 = vector.load %arg4[%swap3A_666, %swap3A_667] : memref<1024x768xf32, #tpu.memory_space<vmem>>, vector<1024x64xf32>
    tpu.vector_store %arg4[%swap3A_666, %swap3A_667], %div3A_318 {strides = array<i32>} : memref<1024x768xf32, #tpu.memory_space<vmem>>, vector<1024x64xf32>,
    %swap3A_669 = arith.constant 0 : index
    %swap3A_670 = arith.constant 384 : index
    %swap3A_671 = vector.load %arg4[%swap3A_669, %swap3A_670] : memref<1024x768xf32, #tpu.memory_space<vmem>>, vector<1024x64xf32>
    tpu.vector_store %arg4[%swap3A_669, %swap3A_670], %div3A_427 {strides = array<i32>} : memref<1024x768xf32, #tpu.memory_space<vmem>>, vector<1024x64xf32>,
    %swap3A_672 = arith.constant 0 : index
    %swap3A_673 = arith.constant 448 : index
    %swap3A_674 = vector.load %arg4[%swap3A_672, %swap3A_673] : memref<1024x768xf32, #tpu.memory_space<vmem>>, vector<1024x64xf32>
    tpu.vector_store %arg4[%swap3A_672, %swap3A_673], %div3A_429 {strides = array<i32>} : memref<1024x768xf32, #tpu.memory_space<vmem>>, vector<1024x64xf32>,
    %swap3A_675 = arith.constant 0 : index
    %swap3A_676 = arith.constant 512 : index
    %swap3A_677 = vector.load %arg4[%swap3A_675, %swap3A_676] : memref<1024x768xf32, #tpu.memory_space<vmem>>, vector<1024x64xf32>
    tpu.vector_store %arg4[%swap3A_675, %swap3A_676], %div3A_538 {strides = array<i32>} : memref<1024x768xf32, #tpu.memory_space<vmem>>, vector<1024x64xf32>,
    %swap3A_678 = arith.constant 0 : index
    %swap3A_679 = arith.constant 576 : index
    %swap3A_680 = vector.load %arg4[%swap3A_678, %swap3A_679] : memref<1024x768xf32, #tpu.memory_space<vmem>>, vector<1024x64xf32>
    tpu.vector_store %arg4[%swap3A_678, %swap3A_679], %div3A_540 {strides = array<i32>} : memref<1024x768xf32, #tpu.memory_space<vmem>>, vector<1024x64xf32>,
    %swap3A_681 = arith.constant 0 : index
    %swap3A_682 = arith.constant 640 : index
    %swap3A_683 = vector.load %arg4[%swap3A_681, %swap3A_682] : memref<1024x768xf32, #tpu.memory_space<vmem>>, vector<1024x64xf32>
    tpu.vector_store %arg4[%swap3A_681, %swap3A_682], %div3A_649 {strides = array<i32>} : memref<1024x768xf32, #tpu.memory_space<vmem>>, vector<1024x64xf32>,
    %swap3A_684 = arith.constant 0 : index
    %swap3A_685 = arith.constant 704 : index
    %swap3A_686 = vector.load %arg4[%swap3A_684, %swap3A_685] : memref<1024x768xf32, #tpu.memory_space<vmem>>, vector<1024x64xf32>
    tpu.vector_store %arg4[%swap3A_684, %swap3A_685], %div3A_651 {strides = array<i32>} : memref<1024x768xf32, #tpu.memory_space<vmem>>, vector<1024x64xf32>,
    return
  }
  func.func @transform_0(%arg0: i32) -> (i32, i32) {
    %c0_i32 = arith.constant 0 : i32
    %c0_i32_0 = arith.constant 0 : i32
    return %arg0, %c0_i32 : i32, i32
  }
  func.func @transform_1(%arg0: i32) -> (i32, i32) {
    %c0_i32 = arith.constant 0 : i32
    %c0_i32_0 = arith.constant 0 : i32
    %c0_i32_1 = arith.constant 0 : i32
    return %c0_i32, %c0_i32_0 : i32, i32
  }
  func.func @transform_2(%arg0: i32) -> (i32, i32) {
    %c0_i32 = arith.constant 0 : i32
    %c0_i32_0 = arith.constant 0 : i32
    %c0_i32_1 = arith.constant 0 : i32
    return %c0_i32, %c0_i32_0 : i32, i32
  }
  func.func @transform_3(%arg0: i32) -> (i32, i32) {
    %c0_i32 = arith.constant 0 : i32
    %c0_i32_0 = arith.constant 0 : i32
    return %arg0, %c0_i32 : i32, i32
  }
}

module attributes {stable_mosaic.version = 14 : i64} {
  func.func @_outproj_kernel(%arg0: i32, %arg1: memref<256x768xf32, #tpu.memory_space<vmem>>, %arg2: memref<768x768xf32, #tpu.memory_space<vmem>>, %arg3: memref<256x768xf32, #tpu.memory_space<vmem>>) attributes {dimension_semantics = [#tpu.dimension_semantics<arbitrary>], iteration_bounds = array<i64: 8>, scalar_prefetch = 0 : i64, scratch_operands = 0 : i64, tpu.core_type = #tpu.core_type<tc>, window_params = [{transform_indices = @transform_0, window_bounds = array<i64: 256, 768>}, {pipeline_mode = #tpu.pipeline_mode<synchronous>, transform_indices = @transform_1, window_bounds = array<i64: 768, 768>}, {transform_indices = @transform_2, window_bounds = array<i64: 256, 768>}]} {
    %get3A = arith.constant 0 : index
    %get3A_0 = arith.constant 0 : index
    %get3A_1 = vector.load %arg1[%get3A, %get3A_0] : memref<256x768xf32, #tpu.memory_space<vmem>>, vector<256x768xf32>
    %get3A_2 = arith.constant 0 : index
    %get3A_3 = arith.constant 0 : index
    %get3A_4 = vector.load %arg2[%get3A_2, %get3A_3] : memref<768x768xf32, #tpu.memory_space<vmem>>, vector<768x768xf32>
    %dot_general3A = arith.constant dense<0.000000e+00> : vector<256x768xf32>
    %dot_general3A_5 = tpu.matmul %get3A_1, %get3A_4, %dot_general3A {dimension_numbers = #tpu.dot_dimension_numbers<[1], [0], [0], [1], [0, 0, 1, 1], [], []>, transpose_lhs_hint = false} : vector<256x768xf32>, vector<768x768xf32>, vector<256x768xf32> -> vector<256x768xf32>
    %swap3A = arith.constant 0 : index
    %swap3A_6 = arith.constant 0 : index
    %swap3A_7 = vector.load %arg3[%swap3A, %swap3A_6] : memref<256x768xf32, #tpu.memory_space<vmem>>, vector<256x768xf32>
    tpu.vector_store %arg3[%swap3A, %swap3A_6], %dot_general3A_5 {strides = array<i32>} : memref<256x768xf32, #tpu.memory_space<vmem>>, vector<256x768xf32>,
    return
  }
  func.func @transform_0(%arg0: i32) -> (i32, i32) {
    %c0_i32 = arith.constant 0 : i32
    %c0_i32_0 = arith.constant 0 : i32
    return %arg0, %c0_i32 : i32, i32
  }
  func.func @transform_1(%arg0: i32) -> (i32, i32) {
    %c0_i32 = arith.constant 0 : i32
    %c0_i32_0 = arith.constant 0 : i32
    %c0_i32_1 = arith.constant 0 : i32
    return %c0_i32, %c0_i32_0 : i32, i32
  }
  func.func @transform_2(%arg0: i32) -> (i32, i32) {
    %c0_i32 = arith.constant 0 : i32
    %c0_i32_0 = arith.constant 0 : i32
    return %arg0, %c0_i32 : i32, i32
  }
}

</mosaic_0001>

<sc_bundles>
// kernel: kernel.7.cloned.1.call-start
scs
__scs_entry_jumppad:
0x0: {  	(pc) =	sbr.rel $0x88, $3  }
0x1: {  	(tag) =	ssettag $0x0;
	lr =	simm.s32 $0x1  }
0x2: {  	[smem:$0x3F96] =	sst lr;
	_ =	strace $0xD0000000  }
0x3: {  	_ = 	snop  }
0x4: {  	_ = 	snop  }
0x5: {  	_ = 	snop  }
0x6: {  	_ = 	snop  }
0x7: {  	_ = 	snop  }
__scs_overlays_trampoline_lowered:
0x8: {  	[smem:$0x3FA5] =	sst s0  }
0x9: {  	[smem:$0x3FA6] =	sst s1  }
0xa: {  	[smem:$0x3FA7] =	sst s2  }
0xb: {  	[smem:$0x3FA8] =	sst s3  }
0xc: {  	[smem:$0x3FA9] =	sst s4  }
0xd: {  	[smem:$0x3FAA] =	sst s5  }
0xe: {  	[smem:$0x3FAB] =	sst s6  }
0xf: {  	[smem:$0x3FAC] =	sst s7  }
0x10: {  	[smem:$0x3FAD] =	sst s8  }
0x11: {  	[smem:$0x3FAE] =	sst s9;
	s0 =	simm.s32 @!p0 $0x0  }
0x12: {  	s1 =	sld [smem:$0x3F94];
	s0 =	simm.s32 @p0 $0x1  }
0x13: {  	[smem:$0x3FAF] =	sst s0;
	s0 =	simm.s32 @!p1 $0x0  }
0x14: {  	s2 =	sld [smem:$0x3F93];
	s0 =	simm.s32 @p1 $0x1  }
0x15: {  	[smem:$0x3FB0] =	sst s0;
	s0 =	simm.s32 @!p2 $0x0  }
0x16: {  	s3 =	sld [smem:$0x3FDB];
	s0 =	simm.s32 @p2 $0x1  }
0x17: {  	s4 =	simm.s32 $0x1BF5;
	[smem:$0x3FB2] =	sst s0  }
0x18: {  	s0 =	sld [smem:$0x3F95];
	_ =	swait.ge [sflag:s4], $0x0  }
0x19: {  	s7 =	sld [smem:$0x3F96]  }
0x1a: {  	s8 =	sadd.s32 $0xFFFFE003, lr  }
0x1b: {  	s9 =	sadd.s32 $0xFFFFFEF7, lr;
	s5 =	simm.s32 $0xFFFFFFFF;
	p2 =	slt.u32 s8, $0xFFFFF086  }
0x1c: {  	p1 =	slt.u32 s9, $0xF7A;
	s5 =	simm.s32 @!p2 $0x0  }
0x1d: {  	s5 =	simm.s32 @p1 $0x1;
	p0 =	seq.s32 s7, s2  }
0x1e: {  	s7 =	smul.u32 @!p0 $0xF7A, s2;
	p2 =	seq.s32 @!p0 s5, $0x0  }
0x1f: {  	s9 =	smul.u32 $0xF7A, s1;
	s8 =	simm.s32 @!p0 $0x1BF5;
	p2 =	por !p2, p0  }
0x20: {  	[sflag:s8] =	ssyncset.s32 @!p0 $0xFFFFF086;
	s6 =	sadd.s32 @!p0 s3, s7;
	s7 =	simm.s32 @!p0 $0x108  }
0x21: {  	s3 =	sadd.s32 s3, s9;
	s6 =	sadd.s32 @!p0 $0x88, s6;
	s7 =	simm.s32 @p2 $0x1082  }
0x22: {  	[simem:s7], [sflag:s8] =	dma.local @!p0 [hbm:s6], $0xF7A  }
0x23: {  	s9 =	sor.u32 $0xD0000000, s2;
	s6 =	simm.s32 $0x108;
	_ =	swait.ge @!p0 [sflag:s8], $0x0  }
0x24: {  	s3 =	sadd.s32 $0x88, s3;
	s6 =	simm.s32 @!p1 $0x1082;
	[sflag:s4] =	ssyncset.s32 $0xFFFFF086  }
0x25: {  	[simem:s6], [sflag:s4] =	dma.local [hbm:s3], $0xF7A  }
0x26: {  	[smem:$0x3F96] =	sst s1;
	(tag) =	ssettag s2;
	_ =	strace s9  }
0x27: {  	s1 =	sld [smem:$0x3FA6]  }
0x28: {  	s2 =	sld [smem:$0x3FA7]  }
0x29: {  	s4 =	sld [smem:$0x3FA9]  }
0x2a: {  	p0 =	seq.s32 s5, $0x0;
	s5 =	sld [smem:$0x3FAA]  }
0x2b: {  	s6 =	sld [smem:$0x3FAB]  }
0x2c: {  	s7 =	sld [smem:$0x3FAC]  }
0x2d: {  	s3 =	simm.s32 $0x108;
	s8 =	sld [smem:$0x3FAD]  }
0x2e: {  	s3 =	simm.s32 @!p0 $0x1082;
	s9 =	sld [smem:$0x3FAE]  }
0x2f: {  	lr =	sadd.s32 s0, s3;
	s0 =	sld [smem:$0x3FA5]  }
0x30: {  	s3 =	sld [smem:$0x3FA8]  }
0x31: {  	[smem:$0x3FB1] =	sst s10  }
0x32: {  	s10 =	sld [smem:$0x3FAF];
	_ =	sdelay $0x3  }
0x33: {  	p0 =	seq.s32 s10, $0x1;
	s10 =	sld [smem:$0x3FB1];
	_ =	sdelay $0x3  }
0x34: {  	[smem:$0x3FB1] =	sst s10  }
0x35: {  	s10 =	sld [smem:$0x3FB0];
	_ =	sdelay $0x3  }
0x36: {  	p1 =	seq.s32 s10, $0x1;
	s10 =	sld [smem:$0x3FB1];
	_ =	sdelay $0x3  }
0x37: {  	[smem:$0x3FB1] =	sst s10  }
0x38: {  	s10 =	sld [smem:$0x3FB2]  }
0x39: {  	_ = 	snop;
	(pc) =	sbr.ind lr, $3  }
0x3a: {  	_ = 	snop  }
0x3b: {  	_ = 	snop  }
0x3c: {  	p2 =	seq.s32 s10, $0x1;
	s10 =	sld [smem:$0x3FB1]  }
0x3d: {  	_ =	shalt  }
0x3e: {  	_ =	shalt  }
0x3f: {  	_ =	shalt  }
0x40: {  	_ =	shalt  }
0x41: {  	_ =	shalt  }
0x42: {  	_ =	shalt  }
0x43: {  	_ =	shalt  }
0x44: {  	_ =	shalt  }
0x45: {  	_ =	shalt  }
0x46: {  	_ =	shalt  }
0x47: {  	_ =	shalt  }
0x48: {  	_ =	shalt  }
0x49: {  	_ =	shalt  }
0x4a: {  	_ =	shalt  }
0x4b: {  	_ =	shalt  }
0x4c: {  	_ =	shalt  }
0x4d: {  	_ =	shalt  }
0x4e: {  	_ =	shalt  }
0x4f: {  	_ =	shalt  }
0x50: {  	_ =	shalt  }
0x51: {  	_ =	shalt  }
0x52: {  	_ =	shalt  }
0x53: {  	_ =	shalt  }
0x54: {  	_ =	shalt  }
0x55: {  	_ =	shalt  }
0x56: {  	_ =	shalt  }
0x57: {  	_ =	shalt  }
0x58: {  	_ =	shalt  }
0x59: {  	_ =	shalt  }
0x5a: {  	_ =	shalt  }
0x5b: {  	_ =	shalt  }
0x5c: {  	_ =	shalt  }
0x5d: {  	_ =	shalt  }
0x5e: {  	_ =	shalt  }
0x5f: {  	_ =	shalt  }
0x60: {  	_ =	shalt  }
0x61: {  	_ =	shalt  }
0x62: {  	_ =	shalt  }
0x63: {  	_ =	shalt  }
0x64: {  	_ =	shalt  }
0x65: {  	_ =	shalt  }
0x66: {  	_ =	shalt  }
0x67: {  	_ =	shalt  }
0x68: {  	_ =	shalt  }
0x69: {  	_ =	shalt  }
0x6a: {  	_ =	shalt  }
0x6b: {  	_ =	shalt  }
0x6c: {  	_ =	shalt  }
0x6d: {  	_ =	shalt  }
0x6e: {  	_ =	shalt  }
0x6f: {  	_ =	shalt  }
0x70: {  	_ =	shalt  }
0x71: {  	_ =	shalt  }
0x72: {  	_ =	shalt  }
0x73: {  	_ =	shalt  }
0x74: {  	_ =	shalt  }
0x75: {  	_ =	shalt  }
0x76: {  	_ =	shalt  }
0x77: {  	_ =	shalt  }
0x78: {  	_ =	shalt  }
0x79: {  	_ =	shalt  }
0x7a: {  	_ =	shalt  }
0x7b: {  	_ =	shalt  }
0x7c: {  	_ =	shalt  }
0x7d: {  	_ =	shalt  }
0x7e: {  	_ =	shalt  }
0x7f: {  	_ =	shalt  }
0x80: {  	_ =	shalt  }
0x81: {  	_ =	shalt  }
0x82: {  	_ =	shalt  }
0x83: {  	_ =	shalt  }
0x84: {  	_ =	shalt  }
0x85: {  	_ =	shalt  }
0x86: {  	_ =	shalt  }
0x87: {  	_ =	shalt  }
.Lfunc_end0:
.L_simem_size_0:
called_computation_lowered:
.L_overlay_start_0:
0x88: {  	s2 =	sld [smem:$0x3FD9]  }
0x89: {  	s3 =	sld [smem:$0x3FFE];
	_ =	sdelay $0x1  }
0x8a: {  	s1 =	srdreg.scid  }
0x8b: {  	s0 =	sand.u32 $0x1, s1  }
0x8c: {  	s14 =	sshll.u32 s0, $0xA;
	s2 =	sadd.s32 s3, s2  }
0x8d: {  	s2 =	sadd.s32 s2, s14  }
0x8e: {  	[smem:$0x3FBD] =	sst s2  }
0x8f: {  	_ = 	snop  }
0x90: {  	s2 =	sld [smem:$0x3FD0];
	_ =	sdelay $0x2  }
0x91: {  	s15 =	simm.s32 $0xA;
	s4 =	simm.s32 $0x10  }
0x92: {  	[smem:s4], [sflag:s15] =	dma.local [hbm:s2], $0x1  }
0x93: {  	_ =	swait.eq [sflag:s15], $0x1  }
0x94: {  	[sflag:s15] =	ssyncset.done $0x0  }
0x95: {  	[sflag:s15] =	ssyncadd.s32 $0xFFFFFFFF  }
0x96: {  	s16 =	sld [smem:$0x10];
	(tm) =	ssettm $0x1  }
0x97: {  	s17 =	sld [smem:$0x3FFB];
	_ =	sdelay $0x3  }
0x98: {  	_ =	strace s17  }
0x99: {  	s3 =	sld [smem:$0x3FFC];
	_ =	sdelay $0x3  }
0x9a: {  	_ =	strace s3  }
0x9b: {  	s3 =	sld [smem:$0x3FFD];
	_ =	sdelay $0x3  }
0x9c: {  	_ =	strace s3  }
0x9d: {  	_ =	strace $0x8FFFFFFF  }
0x9e: {  	s18 =	sld [smem:$0x3FDB];
	_ =	sdelay $0x1  }
0x9f: {  	s19 =	simm.s32 $_scs_section_size  }
0xa0: {  	s5 =	simm.s32 $_size__tile_overlayer_lowered;
	s6 =	simm.s32 $_tile_overlayer_lowered  }
0xa1: {  	s22 =	simm.s32 $0x1BFF;
	s21 =	sshll.u32 s6, $0x1;
	s3 =	sadd.s32 s19, s18  }
0xa2: {  	s7 =	simm.s32 $0x0;
	s20 =	sshll.u32 s5, $0x1;
	s5 =	sadd.s32 s21, s3  }
0xa3: {  	[timem:s7], [sflag:s22] =	dma.local [hbm:s5], s20  }
0xa4: {  	_ =	swait.ge [sflag:s22], s20  }
0xa5: {  	s4 =	ssub.s32 $0x0, s20;
	[sflag:s22] =	ssyncset.done $0x0  }
0xa6: {  	[sflag:s22] =	ssyncadd.s32 s4;
	_ =	sdelay $0x1  }
0xa7: {  	s23 =	simm.s32 $0x1B8B  }
0xa8: {  	_ =	swait.ge [sflag:s23], $0x1  }
0xa9: {  	[sflag:s23] =	ssyncset.done $0x0  }
0xaa: {  	s25 =	simm.s32 $0x1B8E;
	s24 =	sld [smem:$0x3FFE];
	[sflag:s23] =	ssyncadd.s32 $0xFFFFFFFF  }
0xab: {  	s26 =	simm.s32 $execute0_lowered;
	[smem:$0x3FD2] =	sst s25  }
0xac: {  	s5 =	sshll.u32 s26, $0x1;
	_ =	strace $0x80000046;
	[dreg:$0x1] =	wrdreg $0xFFFFFFFF  }
0xad: {  	s28 =	simm.s32 $_size_execute0_lowered;
	s3 =	sadd.s32 s3, s5;
	[dreg:$0x0] =	wrdreg $0x0  }
0xae: {  	s5 =	sshll.u32 s28, $0x1;
	[dreg:$0x2] =	wrdreg s3  }
0xaf: {  	[dreg:$0x3] =	wrdreg s5  }
0xb0: {  	[dreg:$0x4] =	wrdreg $0xC0  }
0xb1: {  	_ =	task [dreg:s7], $0x5FFFF  }
0xb2: {  	[dreg:$0x1] =	wrdreg $0xFFFFFFFF  }
0xb3: {  	[dreg:$0x0] =	wrdreg $0x60  }
0xb4: {  	[dreg:$0x2] =	wrdreg s16  }
0xb5: {  	[dreg:$0x3] =	wrdreg s24  }
0xb6: {  	[dreg:$0x4] =	wrdreg $0x9  }
0xb7: {  	_ =	task.clear_ibuf [dreg:s7], $0x5FFFF;
	_ =	strace $0x90000046  }
0xb8: {  	s29 =	simm.s32 $0x9;
	_ =	strace $0x80000048  }
0xb9: {  	_ =	swait.ge [sflag:s29], $0x1  }
0xba: {  	[sflag:s29] =	ssyncadd.s32 $0xFFFFFFFF  }
0xbb: {  	_ =	strace $0x90000048  }
0xbc: {  	_ =	sfence  }
0xbd: {  	s30 =	sld [smem:$0x0];
	_ =	sdelay $0x2  }
0xbe: {  	s31 =	sshll.u32 s1, $0xD;
	s1 =	sshrl.u32 s1, $0x2  }
0xbf: {  	s3 =	sand.u32 $0x4000, s31;
	s1 =	sadd.s32 s1, s30  }
0xc0: {  	s0 =	sor.u32 s3, s0;
	s1 =	sshll.u32 s1, $0x11  }
0xc1: {  	s0 =	sor.u32 s1, s0  }
0xc2: {  	s0 =	sadd.s32 $0x8F2B, s0  }
0xc3: {  	[sflag:s0] =	ssyncadd.remote.s32 $0x1  }
0xc4: {  	_ =	sfence.sel $0xFFFF  }
0xc5: {  	[dreg:$0x0] =	wrdreg $0xFFFFFFFF;
	(pc) =	sbr.abs _section_cstart, $3  }
0xc6: {  	[dreg:$0x1] =	wrdreg $0xFFFFFFFF  }
0xc7: {  	_ =	task.clear_ibuf [dreg:s7], $0x2FFFF;
	_ =	strace $0x9FFFFFFF  }
0xc8: {  	(tm) =	ssettm $0x7FFFFFFF  }
0xc9: {  	_ =	shalt  }
tec
execute0_lowered:
.L_overlay_start_1:
0x0: {  	(tag) =	ssettag $0x1  }
0x1: {  	s3 =	rddreg [dreg:$0x0]  }
0x2: {  	s4 =	rddreg [dreg:$0x1]  }
0x3: {  	s0 =	rddreg [dreg:$0x2];
	s2 =	simm.s32 $0x0;
	s5 =	srdreg.scid  }
0x4: {  	s1 =	stileid.u32;
	s12 =	simm.s32 $0x8C00;
	s13 =	simm.s32 $0x9800  }
0x5: {  	[smem:$0x7FF] =	sst s2;
	s5 =	sand.u32 $0x1, s5;
	s6 =	sshll.u32 s1, $0x1  }
0x6: {  	s14 =	simm.s32 $0x0;
	_ =	strace $0x80000047;
	s6 =	sor.u32 s5, s6  }
0x7: {  	s5 =	ssub.s32 $0x2, s5;
	s7 =	sshll.u32 s6, $0xB;
	s8 =	smul.u32 $0x180, s6  }
0x8: {  	s6 =	sshll.u32 s6, $0x7;
	s10 =	sshrl.u32 s5, $0x1;
	s9 =	sadd.s32 s7, s4  }
0x9: {  	v0 =	vlaneseq.u32;
	s11 =	sadd.s32 s6, s4;
	s10 =	ssub.s32 s5, s10;
	s3 =	sadd.s32 s3, s7  }
0xa: {  	v0 =	vmul.u32 $0xFFFFFFFF, v0;
	s8 =	sadd.s32 s8, s4;
	s4 =	sadd.s32 $0x7600, s9;
	s7 =	sadd.s32 $0x17600, s11  }
0xb: {  	vm0 =	vmmov $0xf;
	s9 =	simm.s32 $0x1;
	s11 =	simm.s32 $0x8000;
	s5 =	sadd.s32 $0x1600, s8  }
0xc: {  	vm1 =	vmmov $0x1;
	vm2 =	vcmask $0x704;
	v0 =	vadd.s32 $0xF, v0;
	s6 =	sadd.s32 $0x4600, s8;
	s8 =	smax.u32 s10, $0x1;
	s10 =	simm.s32 $0x4000  }
.LBB2_1:
0xd: {  	[tilespmem:s2], [sflag:$0x1] =	stream.linear.gather [hbm4b:s3+s2], $0x4000, $0x38;
	[tilespmem:$0x9C00] =	vst v63  }
0xe: {  	_ =	swait.ge [sflag:s9], $0x4000  }
0xf: {  	[sflag:s9] =	ssyncset.done $0x0  }
0x10: {  	[sflag:s9] =	ssyncadd.s32 $0xFFFFC000  }
0x11: {  	[tilespmem:s10], [sflag:$0x1] =	stream.linear.gather [hbm4b:s4+s2], $0x4000, $0x38;
	[tilespmem:$0x9C00] =	vst v63  }
0x12: {  	_ =	swait.ge [sflag:s9], $0x4000  }
0x13: {  	[sflag:s9] =	ssyncset.done $0x0  }
0x14: {  	[sflag:s9] =	ssyncadd.s32 $0xFFFFC000  }
0x15: {  	[tilespmem:s11], [sflag:$0x1] =	stream.linear.gather [hbm4b:s5+s2], $0xC00, $0x38;
	[tilespmem:$0x9C00] =	vst v63  }
0x16: {  	_ =	swait.ge [sflag:s9], $0xC00  }
0x17: {  	[sflag:s9] =	ssyncset.done $0x0  }
0x18: {  	[sflag:s9] =	ssyncadd.s32 $0xFFFFF400  }
0x19: {  	[tilespmem:s12], [sflag:$0x1] =	stream.linear.gather [hbm4b:s6+s2], $0xC00, $0x38;
	[tilespmem:$0x9C00] =	vst v63  }
0x1a: {  	_ =	swait.ge [sflag:s9], $0xC00  }
0x1b: {  	[sflag:s9] =	ssyncset.done $0x0  }
0x1c: {  	s15 =	simm.s32 $0x8020;
	[sflag:s9] =	ssyncadd.s32 $0xFFFFF400  }
0x1d: {  	v1 =	vld [tilespmem:s15+$0xFFFFFFF0];
	_ =	sdelay $0x1  }
0x1e: {  	s16 =	simm.s32 $0x8C20  }
0x1f: {  	v2 =	vld [tilespmem:s16+$0xFFFFFFF0]  }
0x20: {  	v3 =	vld [tilespmem:s15+$0xFFFFFFE0]  }
0x21: {  	v4 =	vld [tilespmem:s16+$0xFFFFFFE0];
	v1 =	vadd.s32 s2, v1;
	_ =	sdelay $0x2  }
0x22: {  	v2 =	vadd.s32 s2, v2  }
0x23: {  	v3 =	vadd.s32 s2, v3  }
0x24: {  	v4 =	vadd.s32 s2, v4;
	v1 =	vld.idx.msk [tilespmem:v1+s2+$0x0], $0xffff;
	_ =	sdelay $0x2  }
0x25: {  	v2 =	vld.idx.msk [tilespmem:v2+s10+$0x0], $0xffff  }
0x26: {  	v3 =	vld.idx.msk [tilespmem:v3+s2+$0x0], $0xffff  }
0x27: {  	v4 =	vld.idx.msk [tilespmem:v4+s10+$0x0], $0xffff;
	(xrf1) =	vsort.dscd.msk.f32 $0xffff, v1, v1;
	_ =	sdelay $0x1  }
0x28: {  	v5 =	vld [tilespmem:s15+$0x0]  }
0x29: {  	v1 =	vld [tilespmem:s16+$0x0];
	(xrf1) =	vsort.dscd.msk.f32 $0xffff, v2, v2  }
0x2a: {  	(xrf1) =	vsort.dscd.msk.f32 $0xffff, v3, v3  }
0x2b: {  	(xrf1) =	vsort.dscd.msk.f32 $0xffff, v4, v4;
	_ =	sdelay $0x1  }
0x2c: {  	v2 =	vadd.s32 s2, v5  }
0x2d: {  	v1 =	vadd.s32 s2, v1;
	_ =	sdelay $0x3  }
0x2e: {  	v2 =	vld.idx.msk [tilespmem:v2+s2+$0x0], $0xffff  }
0x2f: {  	v1 =	vld.idx.msk [tilespmem:v1+s10+$0x0], $0xffff  }
0x30: {  	v3, _, _ =	vpop (xrf1)  }
0x31: {  	v3 =	vperm.xlane v3, v0;
	_ =	sdelay $0x1  }
0x32: {  	v2 =	vnsel vm0, $0xFF800000, v2;
	v62, _, _ =	vpop (xrf1)  }
0x33: {  	(xrf1) =	vsort.dscd.msk.f32 $0xffff, v2, v2;
	v1 =	vnsel vm0, $0xFF800000, v1;
	v4 =	vperm.xlane v62, v0;
	v63, _, _ =	vpop (xrf1)  }
0x34: {  	(xrf1) =	vsort.dscd.msk.f32 $0xffff, v1, v1;
	v2 =	vmax.f32 v63, v3;
	v3, _, _ =	vpop (xrf1)  }
0x35: {  	(xrf1) =	vsort.dscd.msk.f32 $0xffff, v2, v2;
	v1 =	vmax.f32 v3, v4  }
0x36: {  	(xrf1) =	vsort.dscd.msk.f32 $0xffff, v1, v1;
	_ =	sdelay $0xa  }
0x37: {  	v1, _, _ =	vpop (xrf1)  }
0x38: {  	v1 =	vperm.xlane v1, v0;
	v2, _, _ =	vpop (xrf1)  }
0x39: {  	v2 =	vperm.xlane v2, v0;
	v3, _, _ =	vpop (xrf1)  }
0x3a: {  	v1 =	vmax.f32 v3, v1;
	v3, _, _ =	vpop (xrf1)  }
0x3b: {  	(xrf1) =	vsort.dscd.msk.f32 $0xffff, v1, v1;
	v2 =	vmax.f32 v3, v2  }
0x3c: {  	(xrf1) =	vsort.dscd.msk.f32 $0xffff, v2, v2;
	_ =	sdelay $0xc  }
0x3d: {  	v1, _, _ =	vpop (xrf1)  }
0x3e: {  	(xrf0) =	vmin.scan.msk.f32 $0xffff, v1;
	v1, _, _ =	vpop (xrf1)  }
0x3f: {  	(xrf0) =	vmin.scan.msk.f32 $0xffff, v1;
	_ =	sdelay $0x4  }
0x40: {  	v1, _, _ =	vpop (xrf0)  }
0x41: {  	v2, _, _ =	vpop (xrf0)  }
0x42: {  	v1 =	vbroadcast v1, $0xF;
	v2 =	vbroadcast v2, $0xF;
	_ =	sdelay $0x1  }
0x43: {  	v1 =	vnsel vm1, $0x0, v1;
	v2 =	vnsel vm2, $0x0, v2  }
0x44: {  	v1 =	vadd.f32 v2, v1;
	_ =	sdelay $0x1  }
0x45: {  	s17 =	simm.s32 $0x8050;
	[tilespmem:s13+$0x0] =	vst v1  }
0x46: {  	s18 =	simm.s32 $0x8C50;
	v1 =	vld [tilespmem:s17+$0xFFFFFFF0]  }
0x47: {  	s19 =	simm.s32 $0x200;
	s15 =	simm.s32 $0x9800;
	s16 =	simm.s32 $0x100;
	v2 =	vld [tilespmem:s18+$0xFFFFFFF0]  }
.LBB2_2:
0x48: {  	p0 =	sne.s32 s19, $0x3F00;
	v3 =	vld [tilespmem:s17+$0xFFFFFFE0]  }
0x49: {  	v4 =	vld [tilespmem:s18+$0xFFFFFFE0];
	_ =	sdelay $0x1  }
0x4a: {  	v1 =	vadd.s32 s16, v1  }
0x4b: {  	v2 =	vadd.s32 s16, v2  }
0x4c: {  	v3 =	vadd.s32 s16, v3  }
0x4d: {  	v4 =	vadd.s32 s16, v4;
	_ =	sdelay $0x1  }
0x4e: {  	v1 =	vld.idx.msk [tilespmem:v1+s2+$0x0], $0xffff  }
0x4f: {  	v2 =	vld.idx.msk [tilespmem:v2+s10+$0x0], $0xffff  }
0x50: {  	v3 =	vld.idx.msk [tilespmem:v3+s2+$0x0], $0xffff  }
0x51: {  	v4 =	vld.idx.msk [tilespmem:v4+s10+$0x0], $0xffff;
	_ =	sdelay $0x1  }
0x52: {  	v5 =	vld [tilespmem:s17+$0x0]  }
0x53: {  	v6 =	vld [tilespmem:s18+$0x0];
	(xrf1) =	vsort.dscd.msk.f32 $0xffff, v1, v1  }
0x54: {  	(xrf1) =	vsort.dscd.msk.f32 $0xffff, v2, v2  }
0x55: {  	(xrf1) =	vsort.dscd.msk.f32 $0xffff, v3, v3  }
0x56: {  	(xrf1) =	vsort.dscd.msk.f32 $0xffff, v4, v4  }
0x57: {  	v1 =	vadd.s32 s16, v5  }
0x58: {  	v2 =	vadd.s32 s16, v6;
	s16 =	smov.u32 s19;
	_ =	sdelay $0x3  }
0x59: {  	v1 =	vld.idx.msk [tilespmem:v1+s2+$0x0], $0xffff  }
0x5a: {  	v2 =	vld.idx.msk [tilespmem:v2+s10+$0x0], $0xffff;
	_ =	sdelay $0x3  }
0x5b: {  	v3, _, _ =	vpop (xrf1)  }
0x5c: {  	v1 =	vnsel vm0, $0xFF800000, v1;
	v6 =	vperm.xlane v3, v0;
	v4, _, _ =	vpop (xrf1)  }
0x5d: {  	v2 =	vnsel vm0, $0xFF800000, v2;
	v4 =	vperm.xlane v4, v0;
	v5, _, _ =	vpop (xrf1);
	(xrf1) =	vsort.dscd.msk.f32 $0xffff, v1, v1  }
0x5e: {  	v1 =	vmax.f32 v5, v6;
	v3, _, _ =	vpop (xrf1);
	(xrf1) =	vsort.dscd.msk.f32 $0xffff, v2, v2  }
0x5f: {  	v2 =	vmax.f32 v3, v4;
	(xrf1) =	vsort.dscd.msk.f32 $0xffff, v1, v1  }
0x60: {  	(xrf1) =	vsort.dscd.msk.f32 $0xffff, v2, v2;
	_ =	sdelay $0xa  }
0x61: {  	v1, _, _ =	vpop (xrf1)  }
0x62: {  	v1 =	vperm.xlane v1, v0;
	v2, _, _ =	vpop (xrf1)  }
0x63: {  	v2 =	vperm.xlane v2, v0;
	v3, _, _ =	vpop (xrf1)  }
0x64: {  	v1 =	vmax.f32 v3, v1;
	v3, _, _ =	vpop (xrf1)  }
0x65: {  	v2 =	vmax.f32 v3, v2;
	(xrf1) =	vsort.dscd.msk.f32 $0xffff, v1, v1  }
0x66: {  	(xrf1) =	vsort.dscd.msk.f32 $0xffff, v2, v2;
	_ =	sdelay $0xc  }
0x67: {  	v1, _, _ =	vpop (xrf1)  }
0x68: {  	(xrf0) =	vmin.scan.msk.f32 $0xffff, v1;
	v1, _, _ =	vpop (xrf1)  }
0x69: {  	(xrf0) =	vmin.scan.msk.f32 $0xffff, v1;
	_ =	sdelay $0x4  }
0x6a: {  	v1, _, _ =	vpop (xrf0)  }
0x6b: {  	v2, _, _ =	vpop (xrf0)  }
0x6c: {  	v1 =	vbroadcast v1, $0xF;
	v2 =	vbroadcast v2, $0xF;
	_ =	sdelay $0x1  }
0x6d: {  	v1 =	vnsel vm1, $0x0, v1;
	v2 =	vnsel vm2, $0x0, v2  }
.Ltmp0:
0x6e: {  	v1 =	vadd.f32 v2, v1;
	(pc) =	sbr.rel @p0 .LBB2_2-.Ltmp0, $4  }
0x6f: {  	s15 =	sadd.s32 $0x10, s15  }
0x70: {  	s17 =	sadd.s32 $0x30, s17;
	[tilespmem:s15+$0x0] =	vst v1  }
0x71: {  	s18 =	sadd.s32 $0x30, s18;
	v1 =	vld [tilespmem:s17+$0xFFFFFFF0]  }
0x72: {  	s19 =	sadd.s32 $0x100, s19;
	v2 =	vld [tilespmem:s18+$0xFFFFFFF0]  }
0x73: {  	_ =	sdelay $0x1  }
0x74: {  	v3 =	vld [tilespmem:s17+$0xFFFFFFE0]  }
0x75: {  	v4 =	vld [tilespmem:s18+$0xFFFFFFE0];
	v1 =	vadd.s32 s16, v1;
	_ =	sdelay $0x2  }
0x76: {  	v2 =	vadd.s32 s16, v2  }
0x77: {  	v3 =	vadd.s32 s16, v3  }
0x78: {  	v4 =	vadd.s32 s16, v4;
	v1 =	vld.idx.msk [tilespmem:v1+s2+$0x0], $0xffff;
	_ =	sdelay $0x2  }
0x79: {  	v2 =	vld.idx.msk [tilespmem:v2+s10+$0x0], $0xffff  }
0x7a: {  	v3 =	vld.idx.msk [tilespmem:v3+s2+$0x0], $0xffff  }
0x7b: {  	v4 =	vld.idx.msk [tilespmem:v4+s10+$0x0], $0xffff;
	(xrf1) =	vsort.dscd.msk.f32 $0xffff, v1, v1;
	_ =	sdelay $0x1  }
0x7c: {  	v5 =	vld [tilespmem:s17+$0x0]  }
0x7d: {  	v1 =	vld [tilespmem:s18+$0x0];
	(xrf1) =	vsort.dscd.msk.f32 $0xffff, v2, v2  }
0x7e: {  	(xrf1) =	vsort.dscd.msk.f32 $0xffff, v3, v3  }
0x7f: {  	(xrf1) =	vsort.dscd.msk.f32 $0xffff, v4, v4;
	_ =	sdelay $0x1  }
0x80: {  	v2 =	vadd.s32 s16, v5  }
0x81: {  	v1 =	vadd.s32 s16, v1;
	_ =	sdelay $0x3  }
0x82: {  	v2 =	vld.idx.msk [tilespmem:v2+s2+$0x0], $0xffff  }
0x83: {  	v1 =	vld.idx.msk [tilespmem:v1+s10+$0x0], $0xffff  }
0x84: {  	v3, _, _ =	vpop (xrf1)  }
0x85: {  	v3 =	vperm.xlane v3, v0;
	_ =	sdelay $0x1  }
0x86: {  	v2 =	vnsel vm0, $0xFF800000, v2;
	v62, _, _ =	vpop (xrf1)  }
0x87: {  	(xrf1) =	vsort.dscd.msk.f32 $0xffff, v2, v2;
	v1 =	vnsel vm0, $0xFF800000, v1;
	v4 =	vperm.xlane v62, v0;
	v63, _, _ =	vpop (xrf1)  }
0x88: {  	(xrf1) =	vsort.dscd.msk.f32 $0xffff, v1, v1;
	v2 =	vmax.f32 v63, v3;
	v3, _, _ =	vpop (xrf1)  }
0x89: {  	(xrf1) =	vsort.dscd.msk.f32 $0xffff, v2, v2;
	v1 =	vmax.f32 v3, v4  }
0x8a: {  	(xrf1) =	vsort.dscd.msk.f32 $0xffff, v1, v1;
	_ =	sdelay $0xa  }
0x8b: {  	v1, _, _ =	vpop (xrf1)  }
0x8c: {  	v1 =	vperm.xlane v1, v0;
	v2, _, _ =	vpop (xrf1)  }
0x8d: {  	v2 =	vperm.xlane v2, v0;
	v3, _, _ =	vpop (xrf1)  }
0x8e: {  	v1 =	vmax.f32 v3, v1;
	v3, _, _ =	vpop (xrf1)  }
0x8f: {  	(xrf1) =	vsort.dscd.msk.f32 $0xffff, v1, v1;
	v2 =	vmax.f32 v3, v2  }
0x90: {  	(xrf1) =	vsort.dscd.msk.f32 $0xffff, v2, v2;
	_ =	sdelay $0xc  }
0x91: {  	v1, _, _ =	vpop (xrf1)  }
0x92: {  	(xrf0) =	vmin.scan.msk.f32 $0xffff, v1;
	v1, _, _ =	vpop (xrf1)  }
0x93: {  	(xrf0) =	vmin.scan.msk.f32 $0xffff, v1;
	_ =	sdelay $0x4  }
0x94: {  	v1, _, _ =	vpop (xrf0)  }
0x95: {  	v2, _, _ =	vpop (xrf0)  }
0x96: {  	v1 =	vbroadcast v1, $0xF;
	v2 =	vbroadcast v2, $0xF;
	_ =	sdelay $0x1  }
0x97: {  	v1 =	vnsel vm1, $0x0, v1;
	v2 =	vnsel vm2, $0x0, v2  }
0x98: {  	s14 =	sadd.s32 $0x1, s14;
	v1 =	vadd.f32 v2, v1  }
0x99: {  	s15 =	sadd.s32 $0x10, s15;
	p0 =	sne.s32 s14, s8  }
.Ltmp1:
0x9a: {  	[tilespmem:s15+$0x0] =	vst v1;
	(pc) =	sbr.rel @p0 .LBB2_1-.Ltmp1, $4  }
0x9b: {  	[hbm4b:s7+s2] =	stream.linear.scatter [tilespmem:s13], [sflag:$0x1], $0x400, $0x38;
	[tilespmem:$0x9C00] =	vst v63  }
0x9c: {  	_ =	swait.ge [sflag:s9], $0x400  }
0x9d: {  	[sflag:s9] =	ssyncset.done $0x0  }
0x9e: {  	[sflag:s9] =	ssyncadd.s32 $0xFFFFFC00  }
0x9f: {  	_ =	sfence.sel $0x180000  }
0xa0: {  	[bflag:$0x0] =	sbarrier.arrive $0xFFFF  }
0xa1: {  	p0 =	sne.s32 s1, $0x0;
	_ =	strace $0x90000047  }
0xa2: {  	s0 =	sadd.s32 @!p0 $0x100000, s0;
	[bflag:$0x2] =	sbarrier.arrive $0xFFFF  }
0xa3: {  	[sflag:s0] =	ssyncadd.tile.s32 @!p0 $0x1;
	_ =	shalt  }
.Lfunc_end2:
_tile_overlayer_lowered:
.L_overlay_start_2:
0xa4: {  	(tag) =	ssettag $0x2  }
0xa5: {  	s0 =	rddreg [dreg:$0x0];
	s2 =	stileid.u32  }
0xa6: {  	s1 =	rddreg [dreg:$0x1];
	p0 =	sne.s32 s2, $0x0  }
0xa7: {  	s3 =	rddreg [dreg:$0x2];
	[bflag:$0x3] =	sbarrier.arrive $0xFFFF;
	s2 =	simm.s32 @!p0 $0x1C01  }
0xa8: {  	[timem:s3], [sflag:s2] =	dma.local @!p0 [hbm:s0], s1  }
0xa9: {  	s0 =	simm.s32 @!p0 $0x1  }
0xaa: {  	_ =	swait.ge @!p0 [sflag:s0], s1  }
0xab: {  	s1 =	ssub.s32 @!p0 $0x0, s1;
	[sflag:s0] =	ssyncset.done @!p0 $0x0  }
0xac: {  	[sflag:s0] =	ssyncadd.s32 @!p0 s1  }
0xad: {  	[bflag:$0x3] =	sbarrier.arrive $0xFFFF  }
0xae: {  	_ =	shalt  }

</sc_bundles>
